<compile_context>
chip_gen: v7x
topology: tpu7x:2x2x1
jax: 0.10.2.dev20260603
libtpu: 0.0.44.dev20260713+nightly
codegen_flags: <defaults>
</compile_context>

<pallas_src>
import jax
import jax.numpy as jnp
from jax import lax
from jax.experimental import pallas as pl
from jax.experimental.pallas import tpu as pltpu
from jax.experimental.pallas import tpu_sc as plsc

DIM = 64
T = 50
B = 4096
NC = 2
NS = 16
NW = NC * NS
RPW = B // NW
CB = 2
CHUNK = CB * T
NCHUNK = RPW // CB
LANES = 16
NDC = DIM // LANES
NBUF = 8
NGRP = NCHUNK // NBUF

_GDN = lax.GatherDimensionNumbers(
    offset_dims=(), collapsed_slice_dims=(0,), start_index_map=(0,))


def _bcast_lane(vec, lane):
    idx = jnp.full((LANES, 1), lane, jnp.int32)
    return lax.gather(vec, idx, _GDN, (1,),
                      mode=lax.GatherScatterMode.PROMISE_IN_BOUNDS)


def _body(tbl, idx, pos, out, idx_v, pos_v, buf_v, out_v, emb0_v, m_v, sem):
    wid = lax.axis_index("s") * NC + lax.axis_index("c")
    pltpu.sync_copy(idx.at[wid], idx_v)
    pltpu.sync_copy(pos, pos_v)
    pltpu.sync_copy(tbl.at[pl.ds(0, 1)], emb0_v)

    def compute_chunk(c, buf):
        row0 = c * CB

        def t_body(t, accs):
            accs = list(accs)
            for dc in range(NDC):
                p = pos_v[pl.ds(t * DIM + dc * LANES, LANES)]
                for lb in range(CB):
                    v = buf[lb * T + t, pl.ds(dc * LANES, LANES)]
                    k = dc * CB + lb
                    accs[k] = accs[k] + v * p
            return tuple(accs)

        init = tuple(jnp.zeros((LANES,), jnp.float32)
                     for _ in range(NDC * CB))
        accs = lax.fori_loop(0, T, t_body, init)
        for dc in range(NDC):
            for lb in range(CB):
                out_v[pl.ds((row0 + lb) * DIM + dc * LANES, LANES)] = (
                    accs[dc * CB + lb] * jnp.float32(1.0 / T))

    for b in range(NBUF):
        pltpu.async_copy(tbl.at[idx_v.at[b]], buf_v.at[b], sem.at[b])

    def grp_body(grp, carry):
        c0 = grp * NBUF
        for b in range(NBUF):
            c = c0 + b
            pltpu.make_async_copy(
                tbl.at[idx_v.at[c]], buf_v.at[b], sem.at[b]).wait()
            compute_chunk(c, buf_v.at[b])
            nxt = c + NBUF

            @pl.when(nxt < NCHUNK)
            def _():
                pltpu.async_copy(
                    tbl.at[idx_v.at[nxt]], buf_v.at[b], sem.at[b])
        return carry

    lax.fori_loop(0, NGRP, grp_body, 0)

    def corr_body(r, carry):
        c = r // CB
        tb = (r % CB) * T
        ivs = [idx_v[c, pl.ds(tb + off, LANES)] for off in (0, 16, 32, 34)]
        pads = [iv == 0 for iv in ivs]
        anyp = jnp.any(pads[0] | pads[1] | pads[2] | pads[3])

        @pl.when(anyp)
        def _():
            g = [jnp.where(pv, jnp.float32(1), jnp.float32(0)) for pv in pads]
            for k in range(4):
                m_v[pl.ds(k * LANES, LANES)] = g[k]

            def ct_body(t, corr):
                corr = list(corr)
                tpos = jnp.where(t >= 48, t + 14, t)
                mb = _bcast_lane(m_v[pl.ds(tpos, LANES)], 0)
                for dc in range(NDC):
                    p = pos_v[pl.ds(t * DIM + dc * LANES, LANES)]
                    corr[dc] = corr[dc] + p * mb
                return tuple(corr)

            corr = lax.fori_loop(
                0, T, ct_body,
                tuple(jnp.zeros((LANES,), jnp.float32) for _ in range(NDC)))
            for dc in range(NDC):
                e0 = emb0_v[0, pl.ds(dc * LANES, LANES)]
                o = out_v[pl.ds(r * DIM + dc * LANES, LANES)]
                out_v[pl.ds(r * DIM + dc * LANES, LANES)] = (
                    o - e0 * corr[dc] * jnp.float32(1.0 / T))
        return carry

    lax.fori_loop(0, RPW, corr_body, 0)
    pltpu.sync_copy(out_v, out.at[wid])


def kernel(input, emb_table, pos_table):
    idx = input.reshape(NW, NCHUNK, CHUNK).astype(jnp.int32)
    pos = pos_table.reshape(T * DIM)
    mesh = plsc.VectorSubcoreMesh(core_axis_name="c", subcore_axis_name="s",
                                  num_cores=NC, num_subcores=NS)
    out = pl.kernel(
        _body,
        out_type=jax.ShapeDtypeStruct((NW, RPW * DIM), jnp.float32),
        mesh=mesh,
        scratch_types=[
            pltpu.VMEM((NCHUNK, CHUNK), jnp.int32),
            pltpu.VMEM((T * DIM,), jnp.float32),
            pltpu.VMEM((NBUF, CHUNK, DIM), jnp.float32),
            pltpu.VMEM((RPW * DIM,), jnp.float32),
            pltpu.VMEM((1, DIM), jnp.float32),
            pltpu.VMEM((80,), jnp.float32),
            pltpu.SemaphoreType.DMA((NBUF,)),
        ],
        compiler_params=pltpu.CompilerParams(use_tc_tiling_on_sc=False,
                                             needs_layout_passes=False),
    )(emb_table, idx, pos)
    return out.reshape(B, DIM)

# --- scband reference (transcript-rebuilt; emitter-appended) ---
"""Pipeline reference for scband-bi-encoder-45174466019411 (READ-ONLY COPY).

The authoritative reference and input builder live on the scoring server;
editing this copy changes nothing except your own understanding.
"""

import jax, jax.numpy as jnp
import numpy as np

VOCAB = 1000000
DIM = 64
MAX_TOKENS = 50
BATCH = 4096
PAD_TOKEN = 0


def setup_inputs(seed: int = 0) -> dict:
    key = jax.random.key(seed)
    k1, k2, k3 = jax.random.split(key, 3)
    inp = jax.random.randint(k1, (BATCH, MAX_TOKENS), 0, VOCAB)
    emb_table = jax.random.normal(k2, (VOCAB, DIM), dtype=jnp.float32)
    pos_table = jax.random.normal(k3, (MAX_TOKENS, DIM), dtype=jnp.float32)
    return {"input": inp, "emb_table": emb_table, "pos_table": pos_table}


def reference(input, emb_table, pos_table):
    # nn.Embedding lookup -> gather
    embedded = jnp.take(emb_table, input, axis=0)              # [B, T, D]
    # mask = torch.where(input == pad, 0, 1)[..., None]
    mask = jnp.where(input == PAD_TOKEN, 0, 1)[..., None].astype(embedded.dtype)
    # positions = arange(max_tokens).repeat(B, 1); positional embedding lookup
    positions = jnp.arange(MAX_TOKENS)
    positional_embedded = jnp.take(pos_table, positions, axis=0)[None, :, :]  # [1, T, D]
    embedded = embedded * positional_embedded * mask           # [B, T, D]
    # AdaptiveAvgPool1d(1) over the token dimension after permute(0,2,1) -> mean over T
    pooled = jnp.mean(embedded, axis=1)                        # [B, D]
    return pooled

if __name__ == "__main__":
    import jax
    _d = setup_inputs()
    print(jax.jit(kernel)(*tuple(_d.values())))

</pallas_src>

<mosaic_0001>
#map = affine_map<(d0, d1) -> (0, 0)>
#map1 = affine_map<(d0, d1) -> (0, 0, 0)>
#map2 = affine_map<(d0, d1) -> (0)>
module attributes {stable_mosaic.version = 14 : i64} {
  func.func @_body(%arg0: i32, %arg1: i32, %arg2: memref<1000000x64xf32, #tpu.memory_space<hbm>>, %arg3: memref<32x64x100xi32, #tpu.memory_space<hbm>>, %arg4: memref<3200xf32, #tpu.memory_space<hbm>>, %arg5: memref<32x8192xf32, #tpu.memory_space<hbm>>, %arg6: memref<64x100xi32, #tpu.memory_space<vmem>>, %arg7: memref<3200xf32, #tpu.memory_space<vmem>>, %arg8: memref<8x100x64xf32, #tpu.memory_space<vmem>>, %arg9: memref<8192xf32, #tpu.memory_space<vmem>>, %arg10: memref<1x64xf32, #tpu.memory_space<vmem>>, %arg11: memref<80xf32, #tpu.memory_space<vmem>>, %arg12: memref<8x!tpu.dma_semaphore, #tpu.memory_space<semaphore_mem>>) attributes {dimension_semantics = [#tpu.dimension_semantics<core_parallel>, #tpu.dimension_semantics<subcore_parallel>], iteration_bounds = array<i64: 2, 16>, scalar_prefetch = 0 : i64, scratch_operands = 7 : i64, tpu.core_type = #tpu.core_type<sc_vector_subcore>, window_params = [{transform_indices = #map}, {transform_indices = #map1}, {transform_indices = #map2}, {transform_indices = #map}]} {
    %mul3A = arith.constant 2 : i32
    %mul3A_0 = arith.muli %arg1, %mul3A : i32
    %add3A = arith.addi %mul3A_0, %arg0 : i32
    "tpu.region"() ({
      %run_scoped3A = tpu.sem_alloc : memref<!tpu.dma_semaphore, #tpu.memory_space<semaphore_mem>>
      %dma_start3A_131 = arith.constant 0 : i32
      %dma_start3A_132 = arith.constant 0 : i32
      %dma_start3A_133 = tpu.memref_slice %arg3[%add3A, %dma_start3A_131, %dma_start3A_132] : memref<32x64x100xi32, #tpu.memory_space<hbm>> -> memref<1x64x100xi32, #tpu.memory_space<hbm>>
      %dma_start3A_134 = tpu.memref_squeeze %dma_start3A_133 : memref<1x64x100xi32, #tpu.memory_space<hbm>> -> memref<64x100xi32, #tpu.memory_space<hbm>>
      %dma_start3A_135 = arith.constant 0 : i32
      %dma_start3A_136 = arith.constant 0 : i32
      %dma_start3A_137 = tpu.memref_slice %arg3[%add3A, %dma_start3A_135, %dma_start3A_136] : memref<32x64x100xi32, #tpu.memory_space<hbm>> -> memref<1x64x100xi32, #tpu.memory_space<hbm>>
      %dma_start3A_138 = tpu.memref_squeeze %dma_start3A_137 : memref<1x64x100xi32, #tpu.memory_space<hbm>> -> memref<64x100xi32, #tpu.memory_space<hbm>>
      tpu.enqueue_dma source(%dma_start3A_138 : memref<64x100xi32, #tpu.memory_space<hbm>>) target(%arg6 : memref<64x100xi32, #tpu.memory_space<vmem>>) target_semaphore(%run_scoped3A : memref<!tpu.dma_semaphore, #tpu.memory_space<semaphore_mem>>)
      %dma_wait3A = arith.constant 0 : i32
      %dma_wait3A_139 = arith.constant 0 : i32
      %dma_wait3A_140 = tpu.memref_slice %arg3[%add3A, %dma_wait3A, %dma_wait3A_139] : memref<32x64x100xi32, #tpu.memory_space<hbm>> -> memref<1x64x100xi32, #tpu.memory_space<hbm>>
      %dma_wait3A_141 = tpu.memref_squeeze %dma_wait3A_140 : memref<1x64x100xi32, #tpu.memory_space<hbm>> -> memref<64x100xi32, #tpu.memory_space<hbm>>
      %dma_wait3A_142 = arith.constant 0 : i32
      %dma_wait3A_143 = arith.constant 0 : i32
      %dma_wait3A_144 = tpu.memref_slice %arg3[%add3A, %dma_wait3A_142, %dma_wait3A_143] : memref<32x64x100xi32, #tpu.memory_space<hbm>> -> memref<1x64x100xi32, #tpu.memory_space<hbm>>
      %dma_wait3A_145 = tpu.memref_squeeze %dma_wait3A_144 : memref<1x64x100xi32, #tpu.memory_space<hbm>> -> memref<64x100xi32, #tpu.memory_space<hbm>>
      tpu.wait_dma2 semaphore(%run_scoped3A : memref<!tpu.dma_semaphore, #tpu.memory_space<semaphore_mem>>) src(%dma_wait3A_145 : memref<64x100xi32, #tpu.memory_space<hbm>>) dst(%arg6 : memref<64x100xi32, #tpu.memory_space<vmem>>)
      tpu.yield
    }) : () -> ()
    "tpu.region"() ({
      %run_scoped3A = tpu.sem_alloc : memref<!tpu.dma_semaphore, #tpu.memory_space<semaphore_mem>>
      tpu.enqueue_dma source(%arg4 : memref<3200xf32, #tpu.memory_space<hbm>>) target(%arg7 : memref<3200xf32, #tpu.memory_space<vmem>>) target_semaphore(%run_scoped3A : memref<!tpu.dma_semaphore, #tpu.memory_space<semaphore_mem>>)
      tpu.wait_dma2 semaphore(%run_scoped3A : memref<!tpu.dma_semaphore, #tpu.memory_space<semaphore_mem>>) src(%arg4 : memref<3200xf32, #tpu.memory_space<hbm>>) dst(%arg7 : memref<3200xf32, #tpu.memory_space<vmem>>)
      tpu.yield
    }) : () -> ()
    "tpu.region"() ({
      %run_scoped3A = tpu.sem_alloc : memref<!tpu.dma_semaphore, #tpu.memory_space<semaphore_mem>>
      %dma_start3A_131 = arith.constant 0 : i32
      %dma_start3A_132 = arith.constant 0 : i32
      %dma_start3A_133 = tpu.memref_slice %arg2[%dma_start3A_131, %dma_start3A_132] : memref<1000000x64xf32, #tpu.memory_space<hbm>> -> memref<1x64xf32, #tpu.memory_space<hbm>>
      %dma_start3A_134 = arith.constant 0 : i32
      %dma_start3A_135 = arith.constant 0 : i32
      %dma_start3A_136 = tpu.memref_slice %arg2[%dma_start3A_134, %dma_start3A_135] : memref<1000000x64xf32, #tpu.memory_space<hbm>> -> memref<1x64xf32, #tpu.memory_space<hbm>>
      tpu.enqueue_dma source(%dma_start3A_136 : memref<1x64xf32, #tpu.memory_space<hbm>>) target(%arg10 : memref<1x64xf32, #tpu.memory_space<vmem>>) target_semaphore(%run_scoped3A : memref<!tpu.dma_semaphore, #tpu.memory_space<semaphore_mem>>)
      %dma_wait3A = arith.constant 0 : i32
      %dma_wait3A_137 = arith.constant 0 : i32
      %dma_wait3A_138 = tpu.memref_slice %arg2[%dma_wait3A, %dma_wait3A_137] : memref<1000000x64xf32, #tpu.memory_space<hbm>> -> memref<1x64xf32, #tpu.memory_space<hbm>>
      %dma_wait3A_139 = arith.constant 0 : i32
      %dma_wait3A_140 = arith.constant 0 : i32
      %dma_wait3A_141 = tpu.memref_slice %arg2[%dma_wait3A_139, %dma_wait3A_140] : memref<1000000x64xf32, #tpu.memory_space<hbm>> -> memref<1x64xf32, #tpu.memory_space<hbm>>
      tpu.wait_dma2 semaphore(%run_scoped3A : memref<!tpu.dma_semaphore, #tpu.memory_space<semaphore_mem>>) src(%dma_wait3A_141 : memref<1x64xf32, #tpu.memory_space<hbm>>) dst(%arg10 : memref<1x64xf32, #tpu.memory_space<vmem>>)
      tpu.yield
    }) : () -> ()
    %dma_start3A = arith.constant 0 : i32
    %dma_start3A_1 = arith.constant 0 : i32
    %dma_start3A_2 = arith.constant 0 : i32
    %dma_start3A_3 = arith.constant 0 : i32
    %dma_start3A_4 = arith.constant 0 : i32
    %dma_start3A_5 = tpu.memref_slice %arg8[%dma_start3A_1, %dma_start3A_3, %dma_start3A_4] : memref<8x100x64xf32, #tpu.memory_space<vmem>> -> memref<1x100x64xf32, #tpu.memory_space<vmem>>
    %dma_start3A_6 = tpu.memref_squeeze %dma_start3A_5 : memref<1x100x64xf32, #tpu.memory_space<vmem>> -> memref<100x64xf32, #tpu.memory_space<vmem>>
    %dma_start3A_7 = arith.constant 0 : i32
    %dma_start3A_8 = tpu.memref_slice %arg6[%dma_start3A, %dma_start3A_7] : memref<64x100xi32, #tpu.memory_space<vmem>> -> memref<1x100xi32, #tpu.memory_space<vmem>>
    %dma_start3A_9 = tpu.memref_squeeze %dma_start3A_8 : memref<1x100xi32, #tpu.memory_space<vmem>> -> memref<100xi32, #tpu.memory_space<vmem>>
    %dma_start3A_10 = arith.constant 0 : i32
    %dma_start3A_11 = arith.constant 0 : i32
    %dma_start3A_12 = tpu.memref_slice %arg2[%dma_start3A_10, %dma_start3A_11] : memref<1000000x64xf32, #tpu.memory_space<hbm>> -> memref<1000000x64xf32, #tpu.memory_space<hbm>>
    %dma_start3A_13 = tpu.memref_slice %arg12[%dma_start3A_2] : memref<8x!tpu.dma_semaphore, #tpu.memory_space<semaphore_mem>> -> memref<1x!tpu.dma_semaphore, #tpu.memory_space<semaphore_mem>>
    %dma_start3A_14 = tpu.memref_squeeze %dma_start3A_13 : memref<1x!tpu.dma_semaphore, #tpu.memory_space<semaphore_mem>> -> memref<!tpu.dma_semaphore, #tpu.memory_space<semaphore_mem>>
    tpu.enqueue_indirect_dma source(%dma_start3A_12 : memref<1000000x64xf32, #tpu.memory_space<hbm>>) target(%dma_start3A_6 : memref<100x64xf32, #tpu.memory_space<vmem>>) offsets(%dma_start3A_9 : memref<100xi32, #tpu.memory_space<vmem>>) semaphore(%dma_start3A_14 : memref<!tpu.dma_semaphore, #tpu.memory_space<semaphore_mem>>)
    %dma_start3A_15 = arith.constant 1 : i32
    %dma_start3A_16 = arith.constant 1 : i32
    %dma_start3A_17 = arith.constant 1 : i32
    %dma_start3A_18 = arith.constant 0 : i32
    %dma_start3A_19 = arith.constant 0 : i32
    %dma_start3A_20 = tpu.memref_slice %arg8[%dma_start3A_16, %dma_start3A_18, %dma_start3A_19] : memref<8x100x64xf32, #tpu.memory_space<vmem>> -> memref<1x100x64xf32, #tpu.memory_space<vmem>>
    %dma_start3A_21 = tpu.memref_squeeze %dma_start3A_20 : memref<1x100x64xf32, #tpu.memory_space<vmem>> -> memref<100x64xf32, #tpu.memory_space<vmem>>
    %dma_start3A_22 = arith.constant 0 : i32
    %dma_start3A_23 = tpu.memref_slice %arg6[%dma_start3A_15, %dma_start3A_22] : memref<64x100xi32, #tpu.memory_space<vmem>> -> memref<1x100xi32, #tpu.memory_space<vmem>>
    %dma_start3A_24 = tpu.memref_squeeze %dma_start3A_23 : memref<1x100xi32, #tpu.memory_space<vmem>> -> memref<100xi32, #tpu.memory_space<vmem>>
    %dma_start3A_25 = arith.constant 0 : i32
    %dma_start3A_26 = arith.constant 0 : i32
    %dma_start3A_27 = tpu.memref_slice %arg2[%dma_start3A_25, %dma_start3A_26] : memref<1000000x64xf32, #tpu.memory_space<hbm>> -> memref<1000000x64xf32, #tpu.memory_space<hbm>>
    %dma_start3A_28 = tpu.memref_slice %arg12[%dma_start3A_17] : memref<8x!tpu.dma_semaphore, #tpu.memory_space<semaphore_mem>> -> memref<1x!tpu.dma_semaphore, #tpu.memory_space<semaphore_mem>>
    %dma_start3A_29 = tpu.memref_squeeze %dma_start3A_28 : memref<1x!tpu.dma_semaphore, #tpu.memory_space<semaphore_mem>> -> memref<!tpu.dma_semaphore, #tpu.memory_space<semaphore_mem>>
    tpu.enqueue_indirect_dma source(%dma_start3A_27 : memref<1000000x64xf32, #tpu.memory_space<hbm>>) target(%dma_start3A_21 : memref<100x64xf32, #tpu.memory_space<vmem>>) offsets(%dma_start3A_24 : memref<100xi32, #tpu.memory_space<vmem>>) semaphore(%dma_start3A_29 : memref<!tpu.dma_semaphore, #tpu.memory_space<semaphore_mem>>)
    %dma_start3A_30 = arith.constant 2 : i32
    %dma_start3A_31 = arith.constant 2 : i32
    %dma_start3A_32 = arith.constant 2 : i32
    %dma_start3A_33 = arith.constant 0 : i32
    %dma_start3A_34 = arith.constant 0 : i32
    %dma_start3A_35 = tpu.memref_slice %arg8[%dma_start3A_31, %dma_start3A_33, %dma_start3A_34] : memref<8x100x64xf32, #tpu.memory_space<vmem>> -> memref<1x100x64xf32, #tpu.memory_space<vmem>>
    %dma_start3A_36 = tpu.memref_squeeze %dma_start3A_35 : memref<1x100x64xf32, #tpu.memory_space<vmem>> -> memref<100x64xf32, #tpu.memory_space<vmem>>
    %dma_start3A_37 = arith.constant 0 : i32
    %dma_start3A_38 = tpu.memref_slice %arg6[%dma_start3A_30, %dma_start3A_37] : memref<64x100xi32, #tpu.memory_space<vmem>> -> memref<1x100xi32, #tpu.memory_space<vmem>>
    %dma_start3A_39 = tpu.memref_squeeze %dma_start3A_38 : memref<1x100xi32, #tpu.memory_space<vmem>> -> memref<100xi32, #tpu.memory_space<vmem>>
    %dma_start3A_40 = arith.constant 0 : i32
    %dma_start3A_41 = arith.constant 0 : i32
    %dma_start3A_42 = tpu.memref_slice %arg2[%dma_start3A_40, %dma_start3A_41] : memref<1000000x64xf32, #tpu.memory_space<hbm>> -> memref<1000000x64xf32, #tpu.memory_space<hbm>>
    %dma_start3A_43 = tpu.memref_slice %arg12[%dma_start3A_32] : memref<8x!tpu.dma_semaphore, #tpu.memory_space<semaphore_mem>> -> memref<1x!tpu.dma_semaphore, #tpu.memory_space<semaphore_mem>>
    %dma_start3A_44 = tpu.memref_squeeze %dma_start3A_43 : memref<1x!tpu.dma_semaphore, #tpu.memory_space<semaphore_mem>> -> memref<!tpu.dma_semaphore, #tpu.memory_space<semaphore_mem>>
    tpu.enqueue_indirect_dma source(%dma_start3A_42 : memref<1000000x64xf32, #tpu.memory_space<hbm>>) target(%dma_start3A_36 : memref<100x64xf32, #tpu.memory_space<vmem>>) offsets(%dma_start3A_39 : memref<100xi32, #tpu.memory_space<vmem>>) semaphore(%dma_start3A_44 : memref<!tpu.dma_semaphore, #tpu.memory_space<semaphore_mem>>)
    %dma_start3A_45 = arith.constant 3 : i32
    %dma_start3A_46 = arith.constant 3 : i32
    %dma_start3A_47 = arith.constant 3 : i32
    %dma_start3A_48 = arith.constant 0 : i32
    %dma_start3A_49 = arith.constant 0 : i32
    %dma_start3A_50 = tpu.memref_slice %arg8[%dma_start3A_46, %dma_start3A_48, %dma_start3A_49] : memref<8x100x64xf32, #tpu.memory_space<vmem>> -> memref<1x100x64xf32, #tpu.memory_space<vmem>>
    %dma_start3A_51 = tpu.memref_squeeze %dma_start3A_50 : memref<1x100x64xf32, #tpu.memory_space<vmem>> -> memref<100x64xf32, #tpu.memory_space<vmem>>
    %dma_start3A_52 = arith.constant 0 : i32
    %dma_start3A_53 = tpu.memref_slice %arg6[%dma_start3A_45, %dma_start3A_52] : memref<64x100xi32, #tpu.memory_space<vmem>> -> memref<1x100xi32, #tpu.memory_space<vmem>>
    %dma_start3A_54 = tpu.memref_squeeze %dma_start3A_53 : memref<1x100xi32, #tpu.memory_space<vmem>> -> memref<100xi32, #tpu.memory_space<vmem>>
    %dma_start3A_55 = arith.constant 0 : i32
    %dma_start3A_56 = arith.constant 0 : i32
    %dma_start3A_57 = tpu.memref_slice %arg2[%dma_start3A_55, %dma_start3A_56] : memref<1000000x64xf32, #tpu.memory_space<hbm>> -> memref<1000000x64xf32, #tpu.memory_space<hbm>>
    %dma_start3A_58 = tpu.memref_slice %arg12[%dma_start3A_47] : memref<8x!tpu.dma_semaphore, #tpu.memory_space<semaphore_mem>> -> memref<1x!tpu.dma_semaphore, #tpu.memory_space<semaphore_mem>>
    %dma_start3A_59 = tpu.memref_squeeze %dma_start3A_58 : memref<1x!tpu.dma_semaphore, #tpu.memory_space<semaphore_mem>> -> memref<!tpu.dma_semaphore, #tpu.memory_space<semaphore_mem>>
    tpu.enqueue_indirect_dma source(%dma_start3A_57 : memref<1000000x64xf32, #tpu.memory_space<hbm>>) target(%dma_start3A_51 : memref<100x64xf32, #tpu.memory_space<vmem>>) offsets(%dma_start3A_54 : memref<100xi32, #tpu.memory_space<vmem>>) semaphore(%dma_start3A_59 : memref<!tpu.dma_semaphore, #tpu.memory_space<semaphore_mem>>)
    %dma_start3A_60 = arith.constant 4 : i32
    %dma_start3A_61 = arith.constant 4 : i32
    %dma_start3A_62 = arith.constant 4 : i32
    %dma_start3A_63 = arith.constant 0 : i32
    %dma_start3A_64 = arith.constant 0 : i32
    %dma_start3A_65 = tpu.memref_slice %arg8[%dma_start3A_61, %dma_start3A_63, %dma_start3A_64] : memref<8x100x64xf32, #tpu.memory_space<vmem>> -> memref<1x100x64xf32, #tpu.memory_space<vmem>>
    %dma_start3A_66 = tpu.memref_squeeze %dma_start3A_65 : memref<1x100x64xf32, #tpu.memory_space<vmem>> -> memref<100x64xf32, #tpu.memory_space<vmem>>
    %dma_start3A_67 = arith.constant 0 : i32
    %dma_start3A_68 = tpu.memref_slice %arg6[%dma_start3A_60, %dma_start3A_67] : memref<64x100xi32, #tpu.memory_space<vmem>> -> memref<1x100xi32, #tpu.memory_space<vmem>>
    %dma_start3A_69 = tpu.memref_squeeze %dma_start3A_68 : memref<1x100xi32, #tpu.memory_space<vmem>> -> memref<100xi32, #tpu.memory_space<vmem>>
    %dma_start3A_70 = arith.constant 0 : i32
    %dma_start3A_71 = arith.constant 0 : i32
    %dma_start3A_72 = tpu.memref_slice %arg2[%dma_start3A_70, %dma_start3A_71] : memref<1000000x64xf32, #tpu.memory_space<hbm>> -> memref<1000000x64xf32, #tpu.memory_space<hbm>>
    %dma_start3A_73 = tpu.memref_slice %arg12[%dma_start3A_62] : memref<8x!tpu.dma_semaphore, #tpu.memory_space<semaphore_mem>> -> memref<1x!tpu.dma_semaphore, #tpu.memory_space<semaphore_mem>>
    %dma_start3A_74 = tpu.memref_squeeze %dma_start3A_73 : memref<1x!tpu.dma_semaphore, #tpu.memory_space<semaphore_mem>> -> memref<!tpu.dma_semaphore, #tpu.memory_space<semaphore_mem>>
    tpu.enqueue_indirect_dma source(%dma_start3A_72 : memref<1000000x64xf32, #tpu.memory_space<hbm>>) target(%dma_start3A_66 : memref<100x64xf32, #tpu.memory_space<vmem>>) offsets(%dma_start3A_69 : memref<100xi32, #tpu.memory_space<vmem>>) semaphore(%dma_start3A_74 : memref<!tpu.dma_semaphore, #tpu.memory_space<semaphore_mem>>)
    %dma_start3A_75 = arith.constant 5 : i32
    %dma_start3A_76 = arith.constant 5 : i32
    %dma_start3A_77 = arith.constant 5 : i32
    %dma_start3A_78 = arith.constant 0 : i32
    %dma_start3A_79 = arith.constant 0 : i32
    %dma_start3A_80 = tpu.memref_slice %arg8[%dma_start3A_76, %dma_start3A_78, %dma_start3A_79] : memref<8x100x64xf32, #tpu.memory_space<vmem>> -> memref<1x100x64xf32, #tpu.memory_space<vmem>>
    %dma_start3A_81 = tpu.memref_squeeze %dma_start3A_80 : memref<1x100x64xf32, #tpu.memory_space<vmem>> -> memref<100x64xf32, #tpu.memory_space<vmem>>
    %dma_start3A_82 = arith.constant 0 : i32
    %dma_start3A_83 = tpu.memref_slice %arg6[%dma_start3A_75, %dma_start3A_82] : memref<64x100xi32, #tpu.memory_space<vmem>> -> memref<1x100xi32, #tpu.memory_space<vmem>>
    %dma_start3A_84 = tpu.memref_squeeze %dma_start3A_83 : memref<1x100xi32, #tpu.memory_space<vmem>> -> memref<100xi32, #tpu.memory_space<vmem>>
    %dma_start3A_85 = arith.constant 0 : i32
    %dma_start3A_86 = arith.constant 0 : i32
    %dma_start3A_87 = tpu.memref_slice %arg2[%dma_start3A_85, %dma_start3A_86] : memref<1000000x64xf32, #tpu.memory_space<hbm>> -> memref<1000000x64xf32, #tpu.memory_space<hbm>>
    %dma_start3A_88 = tpu.memref_slice %arg12[%dma_start3A_77] : memref<8x!tpu.dma_semaphore, #tpu.memory_space<semaphore_mem>> -> memref<1x!tpu.dma_semaphore, #tpu.memory_space<semaphore_mem>>
    %dma_start3A_89 = tpu.memref_squeeze %dma_start3A_88 : memref<1x!tpu.dma_semaphore, #tpu.memory_space<semaphore_mem>> -> memref<!tpu.dma_semaphore, #tpu.memory_space<semaphore_mem>>
    tpu.enqueue_indirect_dma source(%dma_start3A_87 : memref<1000000x64xf32, #tpu.memory_space<hbm>>) target(%dma_start3A_81 : memref<100x64xf32, #tpu.memory_space<vmem>>) offsets(%dma_start3A_84 : memref<100xi32, #tpu.memory_space<vmem>>) semaphore(%dma_start3A_89 : memref<!tpu.dma_semaphore, #tpu.memory_space<semaphore_mem>>)
    %dma_start3A_90 = arith.constant 6 : i32
    %dma_start3A_91 = arith.constant 6 : i32
    %dma_start3A_92 = arith.constant 6 : i32
    %dma_start3A_93 = arith.constant 0 : i32
    %dma_start3A_94 = arith.constant 0 : i32
    %dma_start3A_95 = tpu.memref_slice %arg8[%dma_start3A_91, %dma_start3A_93, %dma_start3A_94] : memref<8x100x64xf32, #tpu.memory_space<vmem>> -> memref<1x100x64xf32, #tpu.memory_space<vmem>>
    %dma_start3A_96 = tpu.memref_squeeze %dma_start3A_95 : memref<1x100x64xf32, #tpu.memory_space<vmem>> -> memref<100x64xf32, #tpu.memory_space<vmem>>
    %dma_start3A_97 = arith.constant 0 : i32
    %dma_start3A_98 = tpu.memref_slice %arg6[%dma_start3A_90, %dma_start3A_97] : memref<64x100xi32, #tpu.memory_space<vmem>> -> memref<1x100xi32, #tpu.memory_space<vmem>>
    %dma_start3A_99 = tpu.memref_squeeze %dma_start3A_98 : memref<1x100xi32, #tpu.memory_space<vmem>> -> memref<100xi32, #tpu.memory_space<vmem>>
    %dma_start3A_100 = arith.constant 0 : i32
    %dma_start3A_101 = arith.constant 0 : i32
    %dma_start3A_102 = tpu.memref_slice %arg2[%dma_start3A_100, %dma_start3A_101] : memref<1000000x64xf32, #tpu.memory_space<hbm>> -> memref<1000000x64xf32, #tpu.memory_space<hbm>>
    %dma_start3A_103 = tpu.memref_slice %arg12[%dma_start3A_92] : memref<8x!tpu.dma_semaphore, #tpu.memory_space<semaphore_mem>> -> memref<1x!tpu.dma_semaphore, #tpu.memory_space<semaphore_mem>>
    %dma_start3A_104 = tpu.memref_squeeze %dma_start3A_103 : memref<1x!tpu.dma_semaphore, #tpu.memory_space<semaphore_mem>> -> memref<!tpu.dma_semaphore, #tpu.memory_space<semaphore_mem>>
    tpu.enqueue_indirect_dma source(%dma_start3A_102 : memref<1000000x64xf32, #tpu.memory_space<hbm>>) target(%dma_start3A_96 : memref<100x64xf32, #tpu.memory_space<vmem>>) offsets(%dma_start3A_99 : memref<100xi32, #tpu.memory_space<vmem>>) semaphore(%dma_start3A_104 : memref<!tpu.dma_semaphore, #tpu.memory_space<semaphore_mem>>)
    %dma_start3A_105 = arith.constant 7 : i32
    %dma_start3A_106 = arith.constant 7 : i32
    %dma_start3A_107 = arith.constant 7 : i32
    %dma_start3A_108 = arith.constant 0 : i32
    %dma_start3A_109 = arith.constant 0 : i32
    %dma_start3A_110 = tpu.memref_slice %arg8[%dma_start3A_106, %dma_start3A_108, %dma_start3A_109] : memref<8x100x64xf32, #tpu.memory_space<vmem>> -> memref<1x100x64xf32, #tpu.memory_space<vmem>>
    %dma_start3A_111 = tpu.memref_squeeze %dma_start3A_110 : memref<1x100x64xf32, #tpu.memory_space<vmem>> -> memref<100x64xf32, #tpu.memory_space<vmem>>
    %dma_start3A_112 = arith.constant 0 : i32
    %dma_start3A_113 = tpu.memref_slice %arg6[%dma_start3A_105, %dma_start3A_112] : memref<64x100xi32, #tpu.memory_space<vmem>> -> memref<1x100xi32, #tpu.memory_space<vmem>>
    %dma_start3A_114 = tpu.memref_squeeze %dma_start3A_113 : memref<1x100xi32, #tpu.memory_space<vmem>> -> memref<100xi32, #tpu.memory_space<vmem>>
    %dma_start3A_115 = arith.constant 0 : i32
    %dma_start3A_116 = arith.constant 0 : i32
    %dma_start3A_117 = tpu.memref_slice %arg2[%dma_start3A_115, %dma_start3A_116] : memref<1000000x64xf32, #tpu.memory_space<hbm>> -> memref<1000000x64xf32, #tpu.memory_space<hbm>>
    %dma_start3A_118 = tpu.memref_slice %arg12[%dma_start3A_107] : memref<8x!tpu.dma_semaphore, #tpu.memory_space<semaphore_mem>> -> memref<1x!tpu.dma_semaphore, #tpu.memory_space<semaphore_mem>>
    %dma_start3A_119 = tpu.memref_squeeze %dma_start3A_118 : memref<1x!tpu.dma_semaphore, #tpu.memory_space<semaphore_mem>> -> memref<!tpu.dma_semaphore, #tpu.memory_space<semaphore_mem>>
    tpu.enqueue_indirect_dma source(%dma_start3A_117 : memref<1000000x64xf32, #tpu.memory_space<hbm>>) target(%dma_start3A_111 : memref<100x64xf32, #tpu.memory_space<vmem>>) offsets(%dma_start3A_114 : memref<100xi32, #tpu.memory_space<vmem>>) semaphore(%dma_start3A_119 : memref<!tpu.dma_semaphore, #tpu.memory_space<semaphore_mem>>)
    %scan3A = arith.constant 0 : i32
    %scan3A_120 = arith.constant 0 : i32
    %scan3A_121 = arith.constant 8 : i32
    %scan3A_122 = arith.addi %scan3A_120, %scan3A_121 : i32
    %scan3A_123 = arith.constant 1 : i32
    scf.for %scan3A_131 = %scan3A_120 to %scan3A_122 step %scan3A_123  : i32 {
      %mul3A_132 = arith.constant 8 : i32
      %mul3A_133 = arith.muli %scan3A_131, %mul3A_132 : i32
      %add3A_134 = arith.constant 0 : i32
      %add3A_135 = arith.addi %mul3A_133, %add3A_134 : i32
      %dma_wait3A = arith.constant 0 : i32
      %dma_wait3A_136 = arith.constant 0 : i32
      %dma_wait3A_137 = arith.constant 0 : i32
      %dma_wait3A_138 = arith.constant 0 : i32
      %dma_wait3A_139 = tpu.memref_slice %arg8[%dma_wait3A, %dma_wait3A_137, %dma_wait3A_138] : memref<8x100x64xf32, #tpu.memory_space<vmem>> -> memref<1x100x64xf32, #tpu.memory_space<vmem>>
      %dma_wait3A_140 = tpu.memref_squeeze %dma_wait3A_139 : memref<1x100x64xf32, #tpu.memory_space<vmem>> -> memref<100x64xf32, #tpu.memory_space<vmem>>
      %dma_wait3A_141 = arith.constant 0 : i32
      %dma_wait3A_142 = tpu.memref_slice %arg6[%add3A_135, %dma_wait3A_141] : memref<64x100xi32, #tpu.memory_space<vmem>> -> memref<1x100xi32, #tpu.memory_space<vmem>>
      %dma_wait3A_143 = tpu.memref_squeeze %dma_wait3A_142 : memref<1x100xi32, #tpu.memory_space<vmem>> -> memref<100xi32, #tpu.memory_space<vmem>>
      %dma_wait3A_144 = arith.constant 0 : i32
      %dma_wait3A_145 = arith.constant 0 : i32
      %dma_wait3A_146 = tpu.memref_slice %arg2[%dma_wait3A_144, %dma_wait3A_145] : memref<1000000x64xf32, #tpu.memory_space<hbm>> -> memref<1000000x64xf32, #tpu.memory_space<hbm>>
      %dma_wait3A_147 = tpu.memref_slice %arg12[%dma_wait3A_136] : memref<8x!tpu.dma_semaphore, #tpu.memory_space<semaphore_mem>> -> memref<1x!tpu.dma_semaphore, #tpu.memory_space<semaphore_mem>>
      %dma_wait3A_148 = tpu.memref_squeeze %dma_wait3A_147 : memref<1x!tpu.dma_semaphore, #tpu.memory_space<semaphore_mem>> -> memref<!tpu.dma_semaphore, #tpu.memory_space<semaphore_mem>>
      tpu.wait_indirect_dma semaphore(%dma_wait3A_148 : memref<!tpu.dma_semaphore, #tpu.memory_space<semaphore_mem>>) src(%dma_wait3A_146 : memref<1000000x64xf32, #tpu.memory_space<hbm>>) dst(%dma_wait3A_140 : memref<100x64xf32, #tpu.memory_space<vmem>>)
      %mul3A_149 = arith.constant 2 : i32
      %mul3A_150 = arith.muli %add3A_135, %mul3A_149 : i32
      %broadcast_in_dim3A = arith.constant 0.000000e+00 : f32
      %broadcast_in_dim3A_151 = vector.broadcast %broadcast_in_dim3A : f32 to vector<16xf32>
      %broadcast_in_dim3A_152 = arith.constant 0.000000e+00 : f32
      %broadcast_in_dim3A_153 = vector.broadcast %broadcast_in_dim3A_152 : f32 to vector<16xf32>
      %broadcast_in_dim3A_154 = arith.constant 0.000000e+00 : f32
      %broadcast_in_dim3A_155 = vector.broadcast %broadcast_in_dim3A_154 : f32 to vector<16xf32>
      %broadcast_in_dim3A_156 = arith.constant 0.000000e+00 : f32
      %broadcast_in_dim3A_157 = vector.broadcast %broadcast_in_dim3A_156 : f32 to vector<16xf32>
      %broadcast_in_dim3A_158 = arith.constant 0.000000e+00 : f32
      %broadcast_in_dim3A_159 = vector.broadcast %broadcast_in_dim3A_158 : f32 to vector<16xf32>
      %broadcast_in_dim3A_160 = arith.constant 0.000000e+00 : f32
      %broadcast_in_dim3A_161 = vector.broadcast %broadcast_in_dim3A_160 : f32 to vector<16xf32>
      %broadcast_in_dim3A_162 = arith.constant 0.000000e+00 : f32
      %broadcast_in_dim3A_163 = vector.broadcast %broadcast_in_dim3A_162 : f32 to vector<16xf32>
      %broadcast_in_dim3A_164 = arith.constant 0.000000e+00 : f32
      %broadcast_in_dim3A_165 = vector.broadcast %broadcast_in_dim3A_164 : f32 to vector<16xf32>
      %scan3A_166 = arith.constant 0 : i32
      %scan3A_167 = arith.constant 0 : i32
      %scan3A_168 = arith.constant 50 : i32
      %scan3A_169 = arith.addi %scan3A_167, %scan3A_168 : i32
      %scan3A_170 = arith.constant 1 : i32
      %scan3A_171:8 = scf.for %scan3A_1216 = %scan3A_167 to %scan3A_169 step %scan3A_170 iter_args(%scan3A_1217 = %broadcast_in_dim3A_151, %scan3A_1218 = %broadcast_in_dim3A_153, %scan3A_1219 = %broadcast_in_dim3A_155, %scan3A_1220 = %broadcast_in_dim3A_157, %scan3A_1221 = %broadcast_in_dim3A_159, %scan3A_1222 = %broadcast_in_dim3A_161, %scan3A_1223 = %broadcast_in_dim3A_163, %scan3A_1224 = %broadcast_in_dim3A_165) -> (vector<16xf32>, vector<16xf32>, vector<16xf32>, vector<16xf32>, vector<16xf32>, vector<16xf32>, vector<16xf32>, vector<16xf32>)  : i32 {
        %mul3A_1225 = arith.constant 64 : i32
        %mul3A_1226 = arith.muli %scan3A_1216, %mul3A_1225 : i32
        %add3A_1227 = arith.constant 0 : i32
        %add3A_1228 = arith.addi %mul3A_1226, %add3A_1227 : i32
        %get3A = arith.index_cast %add3A_1228 : i32 to index
        %get3A_1229 = tpu.vector_load %arg7[%get3A] {strides = array<i32>} : memref<3200xf32, #tpu.memory_space<vmem>>, vector<16xf32>,
        %add3A_1230 = arith.constant 0 : i32
        %add3A_1231 = arith.addi %add3A_1230, %scan3A_1216 : i32
        %get3A_1232 = arith.constant 0 : i32
        %get3A_1233 = arith.constant 0 : i32
        %get3A_1234 = tpu.memref_slice %arg8[%scan3A_166, %get3A_1232, %get3A_1233] : memref<8x100x64xf32, #tpu.memory_space<vmem>> -> memref<1x100x64xf32, #tpu.memory_space<vmem>>
        %get3A_1235 = tpu.memref_squeeze %get3A_1234 : memref<1x100x64xf32, #tpu.memory_space<vmem>> -> memref<100x64xf32, #tpu.memory_space<vmem>>
        %get3A_1236 = arith.index_cast %add3A_1231 : i32 to index
        %get3A_1237 = arith.constant 0 : index
        %get3A_1238 = tpu.vector_load %get3A_1235[%get3A_1236, %get3A_1237] {strides = array<i32>} : memref<100x64xf32, #tpu.memory_space<vmem>>, vector<16xf32>,
        %mul3A_1239 = arith.mulf %get3A_1238, %get3A_1229 : vector<16xf32>
        %add3A_1240 = arith.addf %scan3A_1217, %mul3A_1239 : vector<16xf32>
        %add3A_1241 = arith.constant 50 : i32
        %add3A_1242 = arith.addi %add3A_1241, %scan3A_1216 : i32
        %get3A_1243 = arith.constant 0 : i32
        %get3A_1244 = arith.constant 0 : i32
        %get3A_1245 = tpu.memref_slice %arg8[%scan3A_166, %get3A_1243, %get3A_1244] : memref<8x100x64xf32, #tpu.memory_space<vmem>> -> memref<1x100x64xf32, #tpu.memory_space<vmem>>
        %get3A_1246 = tpu.memref_squeeze %get3A_1245 : memref<1x100x64xf32, #tpu.memory_space<vmem>> -> memref<100x64xf32, #tpu.memory_space<vmem>>
        %get3A_1247 = arith.index_cast %add3A_1242 : i32 to index
        %get3A_1248 = arith.constant 0 : index
        %get3A_1249 = tpu.vector_load %get3A_1246[%get3A_1247, %get3A_1248] {strides = array<i32>} : memref<100x64xf32, #tpu.memory_space<vmem>>, vector<16xf32>,
        %mul3A_1250 = arith.mulf %get3A_1249, %get3A_1229 : vector<16xf32>
        %add3A_1251 = arith.addf %scan3A_1218, %mul3A_1250 : vector<16xf32>
        %mul3A_1252 = arith.constant 64 : i32
        %mul3A_1253 = arith.muli %scan3A_1216, %mul3A_1252 : i32
        %add3A_1254 = arith.constant 16 : i32
        %add3A_1255 = arith.addi %mul3A_1253, %add3A_1254 : i32
        %get3A_1256 = arith.index_cast %add3A_1255 : i32 to index
        %get3A_1257 = tpu.vector_load %arg7[%get3A_1256] {strides = array<i32>} : memref<3200xf32, #tpu.memory_space<vmem>>, vector<16xf32>,
        %add3A_1258 = arith.constant 0 : i32
        %add3A_1259 = arith.addi %add3A_1258, %scan3A_1216 : i32
        %get3A_1260 = arith.constant 0 : i32
        %get3A_1261 = arith.constant 0 : i32
        %get3A_1262 = tpu.memref_slice %arg8[%scan3A_166, %get3A_1260, %get3A_1261] : memref<8x100x64xf32, #tpu.memory_space<vmem>> -> memref<1x100x64xf32, #tpu.memory_space<vmem>>
        %get3A_1263 = tpu.memref_squeeze %get3A_1262 : memref<1x100x64xf32, #tpu.memory_space<vmem>> -> memref<100x64xf32, #tpu.memory_space<vmem>>
        %get3A_1264 = arith.index_cast %add3A_1259 : i32 to index
        %get3A_1265 = arith.constant 16 : index
        %get3A_1266 = tpu.vector_load %get3A_1263[%get3A_1264, %get3A_1265] {strides = array<i32>} : memref<100x64xf32, #tpu.memory_space<vmem>>, vector<16xf32>,
        %mul3A_1267 = arith.mulf %get3A_1266, %get3A_1257 : vector<16xf32>
        %add3A_1268 = arith.addf %scan3A_1219, %mul3A_1267 : vector<16xf32>
        %add3A_1269 = arith.constant 50 : i32
        %add3A_1270 = arith.addi %add3A_1269, %scan3A_1216 : i32
        %get3A_1271 = arith.constant 0 : i32
        %get3A_1272 = arith.constant 0 : i32
        %get3A_1273 = tpu.memref_slice %arg8[%scan3A_166, %get3A_1271, %get3A_1272] : memref<8x100x64xf32, #tpu.memory_space<vmem>> -> memref<1x100x64xf32, #tpu.memory_space<vmem>>
        %get3A_1274 = tpu.memref_squeeze %get3A_1273 : memref<1x100x64xf32, #tpu.memory_space<vmem>> -> memref<100x64xf32, #tpu.memory_space<vmem>>
        %get3A_1275 = arith.index_cast %add3A_1270 : i32 to index
        %get3A_1276 = arith.constant 16 : index
        %get3A_1277 = tpu.vector_load %get3A_1274[%get3A_1275, %get3A_1276] {strides = array<i32>} : memref<100x64xf32, #tpu.memory_space<vmem>>, vector<16xf32>,
        %mul3A_1278 = arith.mulf %get3A_1277, %get3A_1257 : vector<16xf32>
        %add3A_1279 = arith.addf %scan3A_1220, %mul3A_1278 : vector<16xf32>
        %mul3A_1280 = arith.constant 64 : i32
        %mul3A_1281 = arith.muli %scan3A_1216, %mul3A_1280 : i32
        %add3A_1282 = arith.constant 32 : i32
        %add3A_1283 = arith.addi %mul3A_1281, %add3A_1282 : i32
        %get3A_1284 = arith.index_cast %add3A_1283 : i32 to index
        %get3A_1285 = tpu.vector_load %arg7[%get3A_1284] {strides = array<i32>} : memref<3200xf32, #tpu.memory_space<vmem>>, vector<16xf32>,
        %add3A_1286 = arith.constant 0 : i32
        %add3A_1287 = arith.addi %add3A_1286, %scan3A_1216 : i32
        %get3A_1288 = arith.constant 0 : i32
        %get3A_1289 = arith.constant 0 : i32
        %get3A_1290 = tpu.memref_slice %arg8[%scan3A_166, %get3A_1288, %get3A_1289] : memref<8x100x64xf32, #tpu.memory_space<vmem>> -> memref<1x100x64xf32, #tpu.memory_space<vmem>>
        %get3A_1291 = tpu.memref_squeeze %get3A_1290 : memref<1x100x64xf32, #tpu.memory_space<vmem>> -> memref<100x64xf32, #tpu.memory_space<vmem>>
        %get3A_1292 = arith.index_cast %add3A_1287 : i32 to index
        %get3A_1293 = arith.constant 32 : index
        %get3A_1294 = tpu.vector_load %get3A_1291[%get3A_1292, %get3A_1293] {strides = array<i32>} : memref<100x64xf32, #tpu.memory_space<vmem>>, vector<16xf32>,
        %mul3A_1295 = arith.mulf %get3A_1294, %get3A_1285 : vector<16xf32>
        %add3A_1296 = arith.addf %scan3A_1221, %mul3A_1295 : vector<16xf32>
        %add3A_1297 = arith.constant 50 : i32
        %add3A_1298 = arith.addi %add3A_1297, %scan3A_1216 : i32
        %get3A_1299 = arith.constant 0 : i32
        %get3A_1300 = arith.constant 0 : i32
        %get3A_1301 = tpu.memref_slice %arg8[%scan3A_166, %get3A_1299, %get3A_1300] : memref<8x100x64xf32, #tpu.memory_space<vmem>> -> memref<1x100x64xf32, #tpu.memory_space<vmem>>
        %get3A_1302 = tpu.memref_squeeze %get3A_1301 : memref<1x100x64xf32, #tpu.memory_space<vmem>> -> memref<100x64xf32, #tpu.memory_space<vmem>>
        %get3A_1303 = arith.index_cast %add3A_1298 : i32 to index
        %get3A_1304 = arith.constant 32 : index
        %get3A_1305 = tpu.vector_load %get3A_1302[%get3A_1303, %get3A_1304] {strides = array<i32>} : memref<100x64xf32, #tpu.memory_space<vmem>>, vector<16xf32>,
        %mul3A_1306 = arith.mulf %get3A_1305, %get3A_1285 : vector<16xf32>
        %add3A_1307 = arith.addf %scan3A_1222, %mul3A_1306 : vector<16xf32>
        %mul3A_1308 = arith.constant 64 : i32
        %mul3A_1309 = arith.muli %scan3A_1216, %mul3A_1308 : i32
        %add3A_1310 = arith.constant 48 : i32
        %add3A_1311 = arith.addi %mul3A_1309, %add3A_1310 : i32
        %get3A_1312 = arith.index_cast %add3A_1311 : i32 to index
        %get3A_1313 = tpu.vector_load %arg7[%get3A_1312] {strides = array<i32>} : memref<3200xf32, #tpu.memory_space<vmem>>, vector<16xf32>,
        %add3A_1314 = arith.constant 0 : i32
        %add3A_1315 = arith.addi %add3A_1314, %scan3A_1216 : i32
        %get3A_1316 = arith.constant 0 : i32
        %get3A_1317 = arith.constant 0 : i32
        %get3A_1318 = tpu.memref_slice %arg8[%scan3A_166, %get3A_1316, %get3A_1317] : memref<8x100x64xf32, #tpu.memory_space<vmem>> -> memref<1x100x64xf32, #tpu.memory_space<vmem>>
        %get3A_1319 = tpu.memref_squeeze %get3A_1318 : memref<1x100x64xf32, #tpu.memory_space<vmem>> -> memref<100x64xf32, #tpu.memory_space<vmem>>
        %get3A_1320 = arith.index_cast %add3A_1315 : i32 to index
        %get3A_1321 = arith.constant 48 : index
        %get3A_1322 = tpu.vector_load %get3A_1319[%get3A_1320, %get3A_1321] {strides = array<i32>} : memref<100x64xf32, #tpu.memory_space<vmem>>, vector<16xf32>,
        %mul3A_1323 = arith.mulf %get3A_1322, %get3A_1313 : vector<16xf32>
        %add3A_1324 = arith.addf %scan3A_1223, %mul3A_1323 : vector<16xf32>
        %add3A_1325 = arith.constant 50 : i32
        %add3A_1326 = arith.addi %add3A_1325, %scan3A_1216 : i32
        %get3A_1327 = arith.constant 0 : i32
        %get3A_1328 = arith.constant 0 : i32
        %get3A_1329 = tpu.memref_slice %arg8[%scan3A_166, %get3A_1327, %get3A_1328] : memref<8x100x64xf32, #tpu.memory_space<vmem>> -> memref<1x100x64xf32, #tpu.memory_space<vmem>>
        %get3A_1330 = tpu.memref_squeeze %get3A_1329 : memref<1x100x64xf32, #tpu.memory_space<vmem>> -> memref<100x64xf32, #tpu.memory_space<vmem>>
        %get3A_1331 = arith.index_cast %add3A_1326 : i32 to index
        %get3A_1332 = arith.constant 48 : index
        %get3A_1333 = tpu.vector_load %get3A_1330[%get3A_1331, %get3A_1332] {strides = array<i32>} : memref<100x64xf32, #tpu.memory_space<vmem>>, vector<16xf32>,
        %mul3A_1334 = arith.mulf %get3A_1333, %get3A_1313 : vector<16xf32>
        %add3A_1335 = arith.addf %scan3A_1224, %mul3A_1334 : vector<16xf32>
        scf.yield %add3A_1240, %add3A_1251, %add3A_1268, %add3A_1279, %add3A_1296, %add3A_1307, %add3A_1324, %add3A_1335 : vector<16xf32>, vector<16xf32>, vector<16xf32>, vector<16xf32>, vector<16xf32>, vector<16xf32>, vector<16xf32>, vector<16xf32>
      }
      %scan3A_172 = arith.constant 50 : i32
      %mul3A_173 = arith.constant 2.000000e-02 : f32
      %mul3A_174 = vector.broadcast %mul3A_173 : f32 to vector<16xf32>
      %mul3A_175 = arith.mulf %scan3A_171#0, %mul3A_174 : vector<16xf32>
      %add3A_176 = arith.constant 0 : i32
      %add3A_177 = arith.addi %mul3A_150, %add3A_176 : i32
      %mul3A_178 = arith.constant 64 : i32
      %mul3A_179 = arith.muli %add3A_177, %mul3A_178 : i32
      %add3A_180 = arith.constant 0 : i32
      %add3A_181 = arith.addi %mul3A_179, %add3A_180 : i32
      %swap3A = arith.index_cast %add3A_181 : i32 to index
      %swap3A_182 = tpu.vector_load %arg9[%swap3A] {strides = array<i32>} : memref<8192xf32, #tpu.memory_space<vmem>>, vector<16xf32>,
      tpu.vector_store %arg9[%swap3A], %mul3A_175 {strides = array<i32>} : memref<8192xf32, #tpu.memory_space<vmem>>, vector<16xf32>,
      %mul3A_183 = arith.constant 2.000000e-02 : f32
      %mul3A_184 = vector.broadcast %mul3A_183 : f32 to vector<16xf32>
      %mul3A_185 = arith.mulf %scan3A_171#1, %mul3A_184 : vector<16xf32>
      %add3A_186 = arith.constant 1 : i32
      %add3A_187 = arith.addi %mul3A_150, %add3A_186 : i32
      %mul3A_188 = arith.constant 64 : i32
      %mul3A_189 = arith.muli %add3A_187, %mul3A_188 : i32
      %add3A_190 = arith.constant 0 : i32
      %add3A_191 = arith.addi %mul3A_189, %add3A_190 : i32
      %swap3A_192 = arith.index_cast %add3A_191 : i32 to index
      %swap3A_193 = tpu.vector_load %arg9[%swap3A_192] {strides = array<i32>} : memref<8192xf32, #tpu.memory_space<vmem>>, vector<16xf32>,
      tpu.vector_store %arg9[%swap3A_192], %mul3A_185 {strides = array<i32>} : memref<8192xf32, #tpu.memory_space<vmem>>, vector<16xf32>,
      %mul3A_194 = arith.constant 2.000000e-02 : f32
      %mul3A_195 = vector.broadcast %mul3A_194 : f32 to vector<16xf32>
      %mul3A_196 = arith.mulf %scan3A_171#2, %mul3A_195 : vector<16xf32>
      %add3A_197 = arith.constant 0 : i32
      %add3A_198 = arith.addi %mul3A_150, %add3A_197 : i32
      %mul3A_199 = arith.constant 64 : i32
      %mul3A_200 = arith.muli %add3A_198, %mul3A_199 : i32
      %add3A_201 = arith.constant 16 : i32
      %add3A_202 = arith.addi %mul3A_200, %add3A_201 : i32
      %swap3A_203 = arith.index_cast %add3A_202 : i32 to index
      %swap3A_204 = tpu.vector_load %arg9[%swap3A_203] {strides = array<i32>} : memref<8192xf32, #tpu.memory_space<vmem>>, vector<16xf32>,
      tpu.vector_store %arg9[%swap3A_203], %mul3A_196 {strides = array<i32>} : memref<8192xf32, #tpu.memory_space<vmem>>, vector<16xf32>,
      %mul3A_205 = arith.constant 2.000000e-02 : f32
      %mul3A_206 = vector.broadcast %mul3A_205 : f32 to vector<16xf32>
      %mul3A_207 = arith.mulf %scan3A_171#3, %mul3A_206 : vector<16xf32>
      %add3A_208 = arith.constant 1 : i32
      %add3A_209 = arith.addi %mul3A_150, %add3A_208 : i32
      %mul3A_210 = arith.constant 64 : i32
      %mul3A_211 = arith.muli %add3A_209, %mul3A_210 : i32
      %add3A_212 = arith.constant 16 : i32
      %add3A_213 = arith.addi %mul3A_211, %add3A_212 : i32
      %swap3A_214 = arith.index_cast %add3A_213 : i32 to index
      %swap3A_215 = tpu.vector_load %arg9[%swap3A_214] {strides = array<i32>} : memref<8192xf32, #tpu.memory_space<vmem>>, vector<16xf32>,
      tpu.vector_store %arg9[%swap3A_214], %mul3A_207 {strides = array<i32>} : memref<8192xf32, #tpu.memory_space<vmem>>, vector<16xf32>,
      %mul3A_216 = arith.constant 2.000000e-02 : f32
      %mul3A_217 = vector.broadcast %mul3A_216 : f32 to vector<16xf32>
      %mul3A_218 = arith.mulf %scan3A_171#4, %mul3A_217 : vector<16xf32>
      %add3A_219 = arith.constant 0 : i32
      %add3A_220 = arith.addi %mul3A_150, %add3A_219 : i32
      %mul3A_221 = arith.constant 64 : i32
      %mul3A_222 = arith.muli %add3A_220, %mul3A_221 : i32
      %add3A_223 = arith.constant 32 : i32
      %add3A_224 = arith.addi %mul3A_222, %add3A_223 : i32
      %swap3A_225 = arith.index_cast %add3A_224 : i32 to index
      %swap3A_226 = tpu.vector_load %arg9[%swap3A_225] {strides = array<i32>} : memref<8192xf32, #tpu.memory_space<vmem>>, vector<16xf32>,
      tpu.vector_store %arg9[%swap3A_225], %mul3A_218 {strides = array<i32>} : memref<8192xf32, #tpu.memory_space<vmem>>, vector<16xf32>,
      %mul3A_227 = arith.constant 2.000000e-02 : f32
      %mul3A_228 = vector.broadcast %mul3A_227 : f32 to vector<16xf32>
      %mul3A_229 = arith.mulf %scan3A_171#5, %mul3A_228 : vector<16xf32>
      %add3A_230 = arith.constant 1 : i32
      %add3A_231 = arith.addi %mul3A_150, %add3A_230 : i32
      %mul3A_232 = arith.constant 64 : i32
      %mul3A_233 = arith.muli %add3A_231, %mul3A_232 : i32
      %add3A_234 = arith.constant 32 : i32
      %add3A_235 = arith.addi %mul3A_233, %add3A_234 : i32
      %swap3A_236 = arith.index_cast %add3A_235 : i32 to index
      %swap3A_237 = tpu.vector_load %arg9[%swap3A_236] {strides = array<i32>} : memref<8192xf32, #tpu.memory_space<vmem>>, vector<16xf32>,
      tpu.vector_store %arg9[%swap3A_236], %mul3A_229 {strides = array<i32>} : memref<8192xf32, #tpu.memory_space<vmem>>, vector<16xf32>,
      %mul3A_238 = arith.constant 2.000000e-02 : f32
      %mul3A_239 = vector.broadcast %mul3A_238 : f32 to vector<16xf32>
      %mul3A_240 = arith.mulf %scan3A_171#6, %mul3A_239 : vector<16xf32>
      %add3A_241 = arith.constant 0 : i32
      %add3A_242 = arith.addi %mul3A_150, %add3A_241 : i32
      %mul3A_243 = arith.constant 64 : i32
      %mul3A_244 = arith.muli %add3A_242, %mul3A_243 : i32
      %add3A_245 = arith.constant 48 : i32
      %add3A_246 = arith.addi %mul3A_244, %add3A_245 : i32
      %swap3A_247 = arith.index_cast %add3A_246 : i32 to index
      %swap3A_248 = tpu.vector_load %arg9[%swap3A_247] {strides = array<i32>} : memref<8192xf32, #tpu.memory_space<vmem>>, vector<16xf32>,
      tpu.vector_store %arg9[%swap3A_247], %mul3A_240 {strides = array<i32>} : memref<8192xf32, #tpu.memory_space<vmem>>, vector<16xf32>,
      %mul3A_249 = arith.constant 2.000000e-02 : f32
      %mul3A_250 = vector.broadcast %mul3A_249 : f32 to vector<16xf32>
      %mul3A_251 = arith.mulf %scan3A_171#7, %mul3A_250 : vector<16xf32>
      %add3A_252 = arith.constant 1 : i32
      %add3A_253 = arith.addi %mul3A_150, %add3A_252 : i32
      %mul3A_254 = arith.constant 64 : i32
      %mul3A_255 = arith.muli %add3A_253, %mul3A_254 : i32
      %add3A_256 = arith.constant 48 : i32
      %add3A_257 = arith.addi %mul3A_255, %add3A_256 : i32
      %swap3A_258 = arith.index_cast %add3A_257 : i32 to index
      %swap3A_259 = tpu.vector_load %arg9[%swap3A_258] {strides = array<i32>} : memref<8192xf32, #tpu.memory_space<vmem>>, vector<16xf32>,
      tpu.vector_store %arg9[%swap3A_258], %mul3A_251 {strides = array<i32>} : memref<8192xf32, #tpu.memory_space<vmem>>, vector<16xf32>,
      %add3A_260 = arith.constant 8 : i32
      %add3A_261 = arith.addi %add3A_135, %add3A_260 : i32
      %lt3A = arith.constant 64 : i32
      %lt3A_262 = arith.cmpi slt, %add3A_261, %lt3A : i32
      %convert_element_type3A = arith.extui %lt3A_262 : i1 to i32
      %cond3A = arith.constant 0 : i32
      %cond3A_263 = arith.cmpi ne, %convert_element_type3A, %cond3A : i32
      scf.if %cond3A_263 {
        %dma_start3A_1216 = arith.constant 0 : i32
        %dma_start3A_1217 = arith.constant 0 : i32
        %dma_start3A_1218 = arith.constant 0 : i32
        %dma_start3A_1219 = arith.constant 0 : i32
        %dma_start3A_1220 = tpu.memref_slice %arg8[%dma_start3A_1216, %dma_start3A_1218, %dma_start3A_1219] : memref<8x100x64xf32, #tpu.memory_space<vmem>> -> memref<1x100x64xf32, #tpu.memory_space<vmem>>
        %dma_start3A_1221 = tpu.memref_squeeze %dma_start3A_1220 : memref<1x100x64xf32, #tpu.memory_space<vmem>> -> memref<100x64xf32, #tpu.memory_space<vmem>>
        %dma_start3A_1222 = arith.constant 0 : i32
        %dma_start3A_1223 = tpu.memref_slice %arg6[%add3A_261, %dma_start3A_1222] : memref<64x100xi32, #tpu.memory_space<vmem>> -> memref<1x100xi32, #tpu.memory_space<vmem>>
        %dma_start3A_1224 = tpu.memref_squeeze %dma_start3A_1223 : memref<1x100xi32, #tpu.memory_space<vmem>> -> memref<100xi32, #tpu.memory_space<vmem>>
        %dma_start3A_1225 = arith.constant 0 : i32
        %dma_start3A_1226 = arith.constant 0 : i32
        %dma_start3A_1227 = tpu.memref_slice %arg2[%dma_start3A_1225, %dma_start3A_1226] : memref<1000000x64xf32, #tpu.memory_space<hbm>> -> memref<1000000x64xf32, #tpu.memory_space<hbm>>
        %dma_start3A_1228 = tpu.memref_slice %arg12[%dma_start3A_1217] : memref<8x!tpu.dma_semaphore, #tpu.memory_space<semaphore_mem>> -> memref<1x!tpu.dma_semaphore, #tpu.memory_space<semaphore_mem>>
        %dma_start3A_1229 = tpu.memref_squeeze %dma_start3A_1228 : memref<1x!tpu.dma_semaphore, #tpu.memory_space<semaphore_mem>> -> memref<!tpu.dma_semaphore, #tpu.memory_space<semaphore_mem>>
        tpu.enqueue_indirect_dma source(%dma_start3A_1227 : memref<1000000x64xf32, #tpu.memory_space<hbm>>) target(%dma_start3A_1221 : memref<100x64xf32, #tpu.memory_space<vmem>>) offsets(%dma_start3A_1224 : memref<100xi32, #tpu.memory_space<vmem>>) semaphore(%dma_start3A_1229 : memref<!tpu.dma_semaphore, #tpu.memory_space<semaphore_mem>>)
      } else {
      }
      %add3A_264 = arith.constant 1 : i32
      %add3A_265 = arith.addi %mul3A_133, %add3A_264 : i32
      %dma_wait3A_266 = arith.constant 1 : i32
      %dma_wait3A_267 = arith.constant 1 : i32
      %dma_wait3A_268 = arith.constant 0 : i32
      %dma_wait3A_269 = arith.constant 0 : i32
      %dma_wait3A_270 = tpu.memref_slice %arg8[%dma_wait3A_266, %dma_wait3A_268, %dma_wait3A_269] : memref<8x100x64xf32, #tpu.memory_space<vmem>> -> memref<1x100x64xf32, #tpu.memory_space<vmem>>
      %dma_wait3A_271 = tpu.memref_squeeze %dma_wait3A_270 : memref<1x100x64xf32, #tpu.memory_space<vmem>> -> memref<100x64xf32, #tpu.memory_space<vmem>>
      %dma_wait3A_272 = arith.constant 0 : i32
      %dma_wait3A_273 = tpu.memref_slice %arg6[%add3A_265, %dma_wait3A_272] : memref<64x100xi32, #tpu.memory_space<vmem>> -> memref<1x100xi32, #tpu.memory_space<vmem>>
      %dma_wait3A_274 = tpu.memref_squeeze %dma_wait3A_273 : memref<1x100xi32, #tpu.memory_space<vmem>> -> memref<100xi32, #tpu.memory_space<vmem>>
      %dma_wait3A_275 = arith.constant 0 : i32
      %dma_wait3A_276 = arith.constant 0 : i32
      %dma_wait3A_277 = tpu.memref_slice %arg2[%dma_wait3A_275, %dma_wait3A_276] : memref<1000000x64xf32, #tpu.memory_space<hbm>> -> memref<1000000x64xf32, #tpu.memory_space<hbm>>
      %dma_wait3A_278 = tpu.memref_slice %arg12[%dma_wait3A_267] : memref<8x!tpu.dma_semaphore, #tpu.memory_space<semaphore_mem>> -> memref<1x!tpu.dma_semaphore, #tpu.memory_space<semaphore_mem>>
      %dma_wait3A_279 = tpu.memref_squeeze %dma_wait3A_278 : memref<1x!tpu.dma_semaphore, #tpu.memory_space<semaphore_mem>> -> memref<!tpu.dma_semaphore, #tpu.memory_space<semaphore_mem>>
      tpu.wait_indirect_dma semaphore(%dma_wait3A_279 : memref<!tpu.dma_semaphore, #tpu.memory_space<semaphore_mem>>) src(%dma_wait3A_277 : memref<1000000x64xf32, #tpu.memory_space<hbm>>) dst(%dma_wait3A_271 : memref<100x64xf32, #tpu.memory_space<vmem>>)
      %mul3A_280 = arith.constant 2 : i32
      %mul3A_281 = arith.muli %add3A_265, %mul3A_280 : i32
      %broadcast_in_dim3A_282 = arith.constant 0.000000e+00 : f32
      %broadcast_in_dim3A_283 = vector.broadcast %broadcast_in_dim3A_282 : f32 to vector<16xf32>
      %broadcast_in_dim3A_284 = arith.constant 0.000000e+00 : f32
      %broadcast_in_dim3A_285 = vector.broadcast %broadcast_in_dim3A_284 : f32 to vector<16xf32>
      %broadcast_in_dim3A_286 = arith.constant 0.000000e+00 : f32
      %broadcast_in_dim3A_287 = vector.broadcast %broadcast_in_dim3A_286 : f32 to vector<16xf32>
      %broadcast_in_dim3A_288 = arith.constant 0.000000e+00 : f32
      %broadcast_in_dim3A_289 = vector.broadcast %broadcast_in_dim3A_288 : f32 to vector<16xf32>
      %broadcast_in_dim3A_290 = arith.constant 0.000000e+00 : f32
      %broadcast_in_dim3A_291 = vector.broadcast %broadcast_in_dim3A_290 : f32 to vector<16xf32>
      %broadcast_in_dim3A_292 = arith.constant 0.000000e+00 : f32
      %broadcast_in_dim3A_293 = vector.broadcast %broadcast_in_dim3A_292 : f32 to vector<16xf32>
      %broadcast_in_dim3A_294 = arith.constant 0.000000e+00 : f32
      %broadcast_in_dim3A_295 = vector.broadcast %broadcast_in_dim3A_294 : f32 to vector<16xf32>
      %broadcast_in_dim3A_296 = arith.constant 0.000000e+00 : f32
      %broadcast_in_dim3A_297 = vector.broadcast %broadcast_in_dim3A_296 : f32 to vector<16xf32>
      %scan3A_298 = arith.constant 1 : i32
      %scan3A_299 = arith.constant 0 : i32
      %scan3A_300 = arith.constant 50 : i32
      %scan3A_301 = arith.addi %scan3A_299, %scan3A_300 : i32
      %scan3A_302 = arith.constant 1 : i32
      %scan3A_303:8 = scf.for %scan3A_1216 = %scan3A_299 to %scan3A_301 step %scan3A_302 iter_args(%scan3A_1217 = %broadcast_in_dim3A_283, %scan3A_1218 = %broadcast_in_dim3A_285, %scan3A_1219 = %broadcast_in_dim3A_287, %scan3A_1220 = %broadcast_in_dim3A_289, %scan3A_1221 = %broadcast_in_dim3A_291, %scan3A_1222 = %broadcast_in_dim3A_293, %scan3A_1223 = %broadcast_in_dim3A_295, %scan3A_1224 = %broadcast_in_dim3A_297) -> (vector<16xf32>, vector<16xf32>, vector<16xf32>, vector<16xf32>, vector<16xf32>, vector<16xf32>, vector<16xf32>, vector<16xf32>)  : i32 {
        %mul3A_1225 = arith.constant 64 : i32
        %mul3A_1226 = arith.muli %scan3A_1216, %mul3A_1225 : i32
        %add3A_1227 = arith.constant 0 : i32
        %add3A_1228 = arith.addi %mul3A_1226, %add3A_1227 : i32
        %get3A = arith.index_cast %add3A_1228 : i32 to index
        %get3A_1229 = tpu.vector_load %arg7[%get3A] {strides = array<i32>} : memref<3200xf32, #tpu.memory_space<vmem>>, vector<16xf32>,
        %add3A_1230 = arith.constant 0 : i32
        %add3A_1231 = arith.addi %add3A_1230, %scan3A_1216 : i32
        %get3A_1232 = arith.constant 0 : i32
        %get3A_1233 = arith.constant 0 : i32
        %get3A_1234 = tpu.memref_slice %arg8[%scan3A_298, %get3A_1232, %get3A_1233] : memref<8x100x64xf32, #tpu.memory_space<vmem>> -> memref<1x100x64xf32, #tpu.memory_space<vmem>>
        %get3A_1235 = tpu.memref_squeeze %get3A_1234 : memref<1x100x64xf32, #tpu.memory_space<vmem>> -> memref<100x64xf32, #tpu.memory_space<vmem>>
        %get3A_1236 = arith.index_cast %add3A_1231 : i32 to index
        %get3A_1237 = arith.constant 0 : index
        %get3A_1238 = tpu.vector_load %get3A_1235[%get3A_1236, %get3A_1237] {strides = array<i32>} : memref<100x64xf32, #tpu.memory_space<vmem>>, vector<16xf32>,
        %mul3A_1239 = arith.mulf %get3A_1238, %get3A_1229 : vector<16xf32>
        %add3A_1240 = arith.addf %scan3A_1217, %mul3A_1239 : vector<16xf32>
        %add3A_1241 = arith.constant 50 : i32
        %add3A_1242 = arith.addi %add3A_1241, %scan3A_1216 : i32
        %get3A_1243 = arith.constant 0 : i32
        %get3A_1244 = arith.constant 0 : i32
        %get3A_1245 = tpu.memref_slice %arg8[%scan3A_298, %get3A_1243, %get3A_1244] : memref<8x100x64xf32, #tpu.memory_space<vmem>> -> memref<1x100x64xf32, #tpu.memory_space<vmem>>
        %get3A_1246 = tpu.memref_squeeze %get3A_1245 : memref<1x100x64xf32, #tpu.memory_space<vmem>> -> memref<100x64xf32, #tpu.memory_space<vmem>>
        %get3A_1247 = arith.index_cast %add3A_1242 : i32 to index
        %get3A_1248 = arith.constant 0 : index
        %get3A_1249 = tpu.vector_load %get3A_1246[%get3A_1247, %get3A_1248] {strides = array<i32>} : memref<100x64xf32, #tpu.memory_space<vmem>>, vector<16xf32>,
        %mul3A_1250 = arith.mulf %get3A_1249, %get3A_1229 : vector<16xf32>
        %add3A_1251 = arith.addf %scan3A_1218, %mul3A_1250 : vector<16xf32>
        %mul3A_1252 = arith.constant 64 : i32
        %mul3A_1253 = arith.muli %scan3A_1216, %mul3A_1252 : i32
        %add3A_1254 = arith.constant 16 : i32
        %add3A_1255 = arith.addi %mul3A_1253, %add3A_1254 : i32
        %get3A_1256 = arith.index_cast %add3A_1255 : i32 to index
        %get3A_1257 = tpu.vector_load %arg7[%get3A_1256] {strides = array<i32>} : memref<3200xf32, #tpu.memory_space<vmem>>, vector<16xf32>,
        %add3A_1258 = arith.constant 0 : i32
        %add3A_1259 = arith.addi %add3A_1258, %scan3A_1216 : i32
        %get3A_1260 = arith.constant 0 : i32
        %get3A_1261 = arith.constant 0 : i32
        %get3A_1262 = tpu.memref_slice %arg8[%scan3A_298, %get3A_1260, %get3A_1261] : memref<8x100x64xf32, #tpu.memory_space<vmem>> -> memref<1x100x64xf32, #tpu.memory_space<vmem>>
        %get3A_1263 = tpu.memref_squeeze %get3A_1262 : memref<1x100x64xf32, #tpu.memory_space<vmem>> -> memref<100x64xf32, #tpu.memory_space<vmem>>
        %get3A_1264 = arith.index_cast %add3A_1259 : i32 to index
        %get3A_1265 = arith.constant 16 : index
        %get3A_1266 = tpu.vector_load %get3A_1263[%get3A_1264, %get3A_1265] {strides = array<i32>} : memref<100x64xf32, #tpu.memory_space<vmem>>, vector<16xf32>,
        %mul3A_1267 = arith.mulf %get3A_1266, %get3A_1257 : vector<16xf32>
        %add3A_1268 = arith.addf %scan3A_1219, %mul3A_1267 : vector<16xf32>
        %add3A_1269 = arith.constant 50 : i32
        %add3A_1270 = arith.addi %add3A_1269, %scan3A_1216 : i32
        %get3A_1271 = arith.constant 0 : i32
        %get3A_1272 = arith.constant 0 : i32
        %get3A_1273 = tpu.memref_slice %arg8[%scan3A_298, %get3A_1271, %get3A_1272] : memref<8x100x64xf32, #tpu.memory_space<vmem>> -> memref<1x100x64xf32, #tpu.memory_space<vmem>>
        %get3A_1274 = tpu.memref_squeeze %get3A_1273 : memref<1x100x64xf32, #tpu.memory_space<vmem>> -> memref<100x64xf32, #tpu.memory_space<vmem>>
        %get3A_1275 = arith.index_cast %add3A_1270 : i32 to index
        %get3A_1276 = arith.constant 16 : index
        %get3A_1277 = tpu.vector_load %get3A_1274[%get3A_1275, %get3A_1276] {strides = array<i32>} : memref<100x64xf32, #tpu.memory_space<vmem>>, vector<16xf32>,
        %mul3A_1278 = arith.mulf %get3A_1277, %get3A_1257 : vector<16xf32>
        %add3A_1279 = arith.addf %scan3A_1220, %mul3A_1278 : vector<16xf32>
        %mul3A_1280 = arith.constant 64 : i32
        %mul3A_1281 = arith.muli %scan3A_1216, %mul3A_1280 : i32
        %add3A_1282 = arith.constant 32 : i32
        %add3A_1283 = arith.addi %mul3A_1281, %add3A_1282 : i32
        %get3A_1284 = arith.index_cast %add3A_1283 : i32 to index
        %get3A_1285 = tpu.vector_load %arg7[%get3A_1284] {strides = array<i32>} : memref<3200xf32, #tpu.memory_space<vmem>>, vector<16xf32>,
        %add3A_1286 = arith.constant 0 : i32
        %add3A_1287 = arith.addi %add3A_1286, %scan3A_1216 : i32
        %get3A_1288 = arith.constant 0 : i32
        %get3A_1289 = arith.constant 0 : i32
        %get3A_1290 = tpu.memref_slice %arg8[%scan3A_298, %get3A_1288, %get3A_1289] : memref<8x100x64xf32, #tpu.memory_space<vmem>> -> memref<1x100x64xf32, #tpu.memory_space<vmem>>
        %get3A_1291 = tpu.memref_squeeze %get3A_1290 : memref<1x100x64xf32, #tpu.memory_space<vmem>> -> memref<100x64xf32, #tpu.memory_space<vmem>>
        %get3A_1292 = arith.index_cast %add3A_1287 : i32 to index
        %get3A_1293 = arith.constant 32 : index
        %get3A_1294 = tpu.vector_load %get3A_1291[%get3A_1292, %get3A_1293] {strides = array<i32>} : memref<100x64xf32, #tpu.memory_space<vmem>>, vector<16xf32>,
        %mul3A_1295 = arith.mulf %get3A_1294, %get3A_1285 : vector<16xf32>
        %add3A_1296 = arith.addf %scan3A_1221, %mul3A_1295 : vector<16xf32>
        %add3A_1297 = arith.constant 50 : i32
        %add3A_1298 = arith.addi %add3A_1297, %scan3A_1216 : i32
        %get3A_1299 = arith.constant 0 : i32
        %get3A_1300 = arith.constant 0 : i32
        %get3A_1301 = tpu.memref_slice %arg8[%scan3A_298, %get3A_1299, %get3A_1300] : memref<8x100x64xf32, #tpu.memory_space<vmem>> -> memref<1x100x64xf32, #tpu.memory_space<vmem>>
        %get3A_1302 = tpu.memref_squeeze %get3A_1301 : memref<1x100x64xf32, #tpu.memory_space<vmem>> -> memref<100x64xf32, #tpu.memory_space<vmem>>
        %get3A_1303 = arith.index_cast %add3A_1298 : i32 to index
        %get3A_1304 = arith.constant 32 : index
        %get3A_1305 = tpu.vector_load %get3A_1302[%get3A_1303, %get3A_1304] {strides = array<i32>} : memref<100x64xf32, #tpu.memory_space<vmem>>, vector<16xf32>,
        %mul3A_1306 = arith.mulf %get3A_1305, %get3A_1285 : vector<16xf32>
        %add3A_1307 = arith.addf %scan3A_1222, %mul3A_1306 : vector<16xf32>
        %mul3A_1308 = arith.constant 64 : i32
        %mul3A_1309 = arith.muli %scan3A_1216, %mul3A_1308 : i32
        %add3A_1310 = arith.constant 48 : i32
        %add3A_1311 = arith.addi %mul3A_1309, %add3A_1310 : i32
        %get3A_1312 = arith.index_cast %add3A_1311 : i32 to index
        %get3A_1313 = tpu.vector_load %arg7[%get3A_1312] {strides = array<i32>} : memref<3200xf32, #tpu.memory_space<vmem>>, vector<16xf32>,
        %add3A_1314 = arith.constant 0 : i32
        %add3A_1315 = arith.addi %add3A_1314, %scan3A_1216 : i32
        %get3A_1316 = arith.constant 0 : i32
        %get3A_1317 = arith.constant 0 : i32
        %get3A_1318 = tpu.memref_slice %arg8[%scan3A_298, %get3A_1316, %get3A_1317] : memref<8x100x64xf32, #tpu.memory_space<vmem>> -> memref<1x100x64xf32, #tpu.memory_space<vmem>>
        %get3A_1319 = tpu.memref_squeeze %get3A_1318 : memref<1x100x64xf32, #tpu.memory_space<vmem>> -> memref<100x64xf32, #tpu.memory_space<vmem>>
        %get3A_1320 = arith.index_cast %add3A_1315 : i32 to index
        %get3A_1321 = arith.constant 48 : index
        %get3A_1322 = tpu.vector_load %get3A_1319[%get3A_1320, %get3A_1321] {strides = array<i32>} : memref<100x64xf32, #tpu.memory_space<vmem>>, vector<16xf32>,
        %mul3A_1323 = arith.mulf %get3A_1322, %get3A_1313 : vector<16xf32>
        %add3A_1324 = arith.addf %scan3A_1223, %mul3A_1323 : vector<16xf32>
        %add3A_1325 = arith.constant 50 : i32
        %add3A_1326 = arith.addi %add3A_1325, %scan3A_1216 : i32
        %get3A_1327 = arith.constant 0 : i32
        %get3A_1328 = arith.constant 0 : i32
        %get3A_1329 = tpu.memref_slice %arg8[%scan3A_298, %get3A_1327, %get3A_1328] : memref<8x100x64xf32, #tpu.memory_space<vmem>> -> memref<1x100x64xf32, #tpu.memory_space<vmem>>
        %get3A_1330 = tpu.memref_squeeze %get3A_1329 : memref<1x100x64xf32, #tpu.memory_space<vmem>> -> memref<100x64xf32, #tpu.memory_space<vmem>>
        %get3A_1331 = arith.index_cast %add3A_1326 : i32 to index
        %get3A_1332 = arith.constant 48 : index
        %get3A_1333 = tpu.vector_load %get3A_1330[%get3A_1331, %get3A_1332] {strides = array<i32>} : memref<100x64xf32, #tpu.memory_space<vmem>>, vector<16xf32>,
        %mul3A_1334 = arith.mulf %get3A_1333, %get3A_1313 : vector<16xf32>
        %add3A_1335 = arith.addf %scan3A_1224, %mul3A_1334 : vector<16xf32>
        scf.yield %add3A_1240, %add3A_1251, %add3A_1268, %add3A_1279, %add3A_1296, %add3A_1307, %add3A_1324, %add3A_1335 : vector<16xf32>, vector<16xf32>, vector<16xf32>, vector<16xf32>, vector<16xf32>, vector<16xf32>, vector<16xf32>, vector<16xf32>
      }
      %scan3A_304 = arith.constant 50 : i32
      %mul3A_305 = arith.constant 2.000000e-02 : f32
      %mul3A_306 = vector.broadcast %mul3A_305 : f32 to vector<16xf32>
      %mul3A_307 = arith.mulf %scan3A_303#0, %mul3A_306 : vector<16xf32>
      %add3A_308 = arith.constant 0 : i32
      %add3A_309 = arith.addi %mul3A_281, %add3A_308 : i32
      %mul3A_310 = arith.constant 64 : i32
      %mul3A_311 = arith.muli %add3A_309, %mul3A_310 : i32
      %add3A_312 = arith.constant 0 : i32
      %add3A_313 = arith.addi %mul3A_311, %add3A_312 : i32
      %swap3A_314 = arith.index_cast %add3A_313 : i32 to index
      %swap3A_315 = tpu.vector_load %arg9[%swap3A_314] {strides = array<i32>} : memref<8192xf32, #tpu.memory_space<vmem>>, vector<16xf32>,
      tpu.vector_store %arg9[%swap3A_314], %mul3A_307 {strides = array<i32>} : memref<8192xf32, #tpu.memory_space<vmem>>, vector<16xf32>,
      %mul3A_316 = arith.constant 2.000000e-02 : f32
      %mul3A_317 = vector.broadcast %mul3A_316 : f32 to vector<16xf32>
      %mul3A_318 = arith.mulf %scan3A_303#1, %mul3A_317 : vector<16xf32>
      %add3A_319 = arith.constant 1 : i32
      %add3A_320 = arith.addi %mul3A_281, %add3A_319 : i32
      %mul3A_321 = arith.constant 64 : i32
      %mul3A_322 = arith.muli %add3A_320, %mul3A_321 : i32
      %add3A_323 = arith.constant 0 : i32
      %add3A_324 = arith.addi %mul3A_322, %add3A_323 : i32
      %swap3A_325 = arith.index_cast %add3A_324 : i32 to index
      %swap3A_326 = tpu.vector_load %arg9[%swap3A_325] {strides = array<i32>} : memref<8192xf32, #tpu.memory_space<vmem>>, vector<16xf32>,
      tpu.vector_store %arg9[%swap3A_325], %mul3A_318 {strides = array<i32>} : memref<8192xf32, #tpu.memory_space<vmem>>, vector<16xf32>,
      %mul3A_327 = arith.constant 2.000000e-02 : f32
      %mul3A_328 = vector.broadcast %mul3A_327 : f32 to vector<16xf32>
      %mul3A_329 = arith.mulf %scan3A_303#2, %mul3A_328 : vector<16xf32>
      %add3A_330 = arith.constant 0 : i32
      %add3A_331 = arith.addi %mul3A_281, %add3A_330 : i32
      %mul3A_332 = arith.constant 64 : i32
      %mul3A_333 = arith.muli %add3A_331, %mul3A_332 : i32
      %add3A_334 = arith.constant 16 : i32
      %add3A_335 = arith.addi %mul3A_333, %add3A_334 : i32
      %swap3A_336 = arith.index_cast %add3A_335 : i32 to index
      %swap3A_337 = tpu.vector_load %arg9[%swap3A_336] {strides = array<i32>} : memref<8192xf32, #tpu.memory_space<vmem>>, vector<16xf32>,
      tpu.vector_store %arg9[%swap3A_336], %mul3A_329 {strides = array<i32>} : memref<8192xf32, #tpu.memory_space<vmem>>, vector<16xf32>,
      %mul3A_338 = arith.constant 2.000000e-02 : f32
      %mul3A_339 = vector.broadcast %mul3A_338 : f32 to vector<16xf32>
      %mul3A_340 = arith.mulf %scan3A_303#3, %mul3A_339 : vector<16xf32>
      %add3A_341 = arith.constant 1 : i32
      %add3A_342 = arith.addi %mul3A_281, %add3A_341 : i32
      %mul3A_343 = arith.constant 64 : i32
      %mul3A_344 = arith.muli %add3A_342, %mul3A_343 : i32
      %add3A_345 = arith.constant 16 : i32
      %add3A_346 = arith.addi %mul3A_344, %add3A_345 : i32
      %swap3A_347 = arith.index_cast %add3A_346 : i32 to index
      %swap3A_348 = tpu.vector_load %arg9[%swap3A_347] {strides = array<i32>} : memref<8192xf32, #tpu.memory_space<vmem>>, vector<16xf32>,
      tpu.vector_store %arg9[%swap3A_347], %mul3A_340 {strides = array<i32>} : memref<8192xf32, #tpu.memory_space<vmem>>, vector<16xf32>,
      %mul3A_349 = arith.constant 2.000000e-02 : f32
      %mul3A_350 = vector.broadcast %mul3A_349 : f32 to vector<16xf32>
      %mul3A_351 = arith.mulf %scan3A_303#4, %mul3A_350 : vector<16xf32>
      %add3A_352 = arith.constant 0 : i32
      %add3A_353 = arith.addi %mul3A_281, %add3A_352 : i32
      %mul3A_354 = arith.constant 64 : i32
      %mul3A_355 = arith.muli %add3A_353, %mul3A_354 : i32
      %add3A_356 = arith.constant 32 : i32
      %add3A_357 = arith.addi %mul3A_355, %add3A_356 : i32
      %swap3A_358 = arith.index_cast %add3A_357 : i32 to index
      %swap3A_359 = tpu.vector_load %arg9[%swap3A_358] {strides = array<i32>} : memref<8192xf32, #tpu.memory_space<vmem>>, vector<16xf32>,
      tpu.vector_store %arg9[%swap3A_358], %mul3A_351 {strides = array<i32>} : memref<8192xf32, #tpu.memory_space<vmem>>, vector<16xf32>,
      %mul3A_360 = arith.constant 2.000000e-02 : f32
      %mul3A_361 = vector.broadcast %mul3A_360 : f32 to vector<16xf32>
      %mul3A_362 = arith.mulf %scan3A_303#5, %mul3A_361 : vector<16xf32>
      %add3A_363 = arith.constant 1 : i32
      %add3A_364 = arith.addi %mul3A_281, %add3A_363 : i32
      %mul3A_365 = arith.constant 64 : i32
      %mul3A_366 = arith.muli %add3A_364, %mul3A_365 : i32
      %add3A_367 = arith.constant 32 : i32
      %add3A_368 = arith.addi %mul3A_366, %add3A_367 : i32
      %swap3A_369 = arith.index_cast %add3A_368 : i32 to index
      %swap3A_370 = tpu.vector_load %arg9[%swap3A_369] {strides = array<i32>} : memref<8192xf32, #tpu.memory_space<vmem>>, vector<16xf32>,
      tpu.vector_store %arg9[%swap3A_369], %mul3A_362 {strides = array<i32>} : memref<8192xf32, #tpu.memory_space<vmem>>, vector<16xf32>,
      %mul3A_371 = arith.constant 2.000000e-02 : f32
      %mul3A_372 = vector.broadcast %mul3A_371 : f32 to vector<16xf32>
      %mul3A_373 = arith.mulf %scan3A_303#6, %mul3A_372 : vector<16xf32>
      %add3A_374 = arith.constant 0 : i32
      %add3A_375 = arith.addi %mul3A_281, %add3A_374 : i32
      %mul3A_376 = arith.constant 64 : i32
      %mul3A_377 = arith.muli %add3A_375, %mul3A_376 : i32
      %add3A_378 = arith.constant 48 : i32
      %add3A_379 = arith.addi %mul3A_377, %add3A_378 : i32
      %swap3A_380 = arith.index_cast %add3A_379 : i32 to index
      %swap3A_381 = tpu.vector_load %arg9[%swap3A_380] {strides = array<i32>} : memref<8192xf32, #tpu.memory_space<vmem>>, vector<16xf32>,
      tpu.vector_store %arg9[%swap3A_380], %mul3A_373 {strides = array<i32>} : memref<8192xf32, #tpu.memory_space<vmem>>, vector<16xf32>,
      %mul3A_382 = arith.constant 2.000000e-02 : f32
      %mul3A_383 = vector.broadcast %mul3A_382 : f32 to vector<16xf32>
      %mul3A_384 = arith.mulf %scan3A_303#7, %mul3A_383 : vector<16xf32>
      %add3A_385 = arith.constant 1 : i32
      %add3A_386 = arith.addi %mul3A_281, %add3A_385 : i32
      %mul3A_387 = arith.constant 64 : i32
      %mul3A_388 = arith.muli %add3A_386, %mul3A_387 : i32
      %add3A_389 = arith.constant 48 : i32
      %add3A_390 = arith.addi %mul3A_388, %add3A_389 : i32
      %swap3A_391 = arith.index_cast %add3A_390 : i32 to index
      %swap3A_392 = tpu.vector_load %arg9[%swap3A_391] {strides = array<i32>} : memref<8192xf32, #tpu.memory_space<vmem>>, vector<16xf32>,
      tpu.vector_store %arg9[%swap3A_391], %mul3A_384 {strides = array<i32>} : memref<8192xf32, #tpu.memory_space<vmem>>, vector<16xf32>,
      %add3A_393 = arith.constant 8 : i32
      %add3A_394 = arith.addi %add3A_265, %add3A_393 : i32
      %lt3A_395 = arith.constant 64 : i32
      %lt3A_396 = arith.cmpi slt, %add3A_394, %lt3A_395 : i32
      %convert_element_type3A_397 = arith.extui %lt3A_396 : i1 to i32
      %cond3A_398 = arith.constant 0 : i32
      %cond3A_399 = arith.cmpi ne, %convert_element_type3A_397, %cond3A_398 : i32
      scf.if %cond3A_399 {
        %dma_start3A_1216 = arith.constant 1 : i32
        %dma_start3A_1217 = arith.constant 1 : i32
        %dma_start3A_1218 = arith.constant 0 : i32
        %dma_start3A_1219 = arith.constant 0 : i32
        %dma_start3A_1220 = tpu.memref_slice %arg8[%dma_start3A_1216, %dma_start3A_1218, %dma_start3A_1219] : memref<8x100x64xf32, #tpu.memory_space<vmem>> -> memref<1x100x64xf32, #tpu.memory_space<vmem>>
        %dma_start3A_1221 = tpu.memref_squeeze %dma_start3A_1220 : memref<1x100x64xf32, #tpu.memory_space<vmem>> -> memref<100x64xf32, #tpu.memory_space<vmem>>
        %dma_start3A_1222 = arith.constant 0 : i32
        %dma_start3A_1223 = tpu.memref_slice %arg6[%add3A_394, %dma_start3A_1222] : memref<64x100xi32, #tpu.memory_space<vmem>> -> memref<1x100xi32, #tpu.memory_space<vmem>>
        %dma_start3A_1224 = tpu.memref_squeeze %dma_start3A_1223 : memref<1x100xi32, #tpu.memory_space<vmem>> -> memref<100xi32, #tpu.memory_space<vmem>>
        %dma_start3A_1225 = arith.constant 0 : i32
        %dma_start3A_1226 = arith.constant 0 : i32
        %dma_start3A_1227 = tpu.memref_slice %arg2[%dma_start3A_1225, %dma_start3A_1226] : memref<1000000x64xf32, #tpu.memory_space<hbm>> -> memref<1000000x64xf32, #tpu.memory_space<hbm>>
        %dma_start3A_1228 = tpu.memref_slice %arg12[%dma_start3A_1217] : memref<8x!tpu.dma_semaphore, #tpu.memory_space<semaphore_mem>> -> memref<1x!tpu.dma_semaphore, #tpu.memory_space<semaphore_mem>>
        %dma_start3A_1229 = tpu.memref_squeeze %dma_start3A_1228 : memref<1x!tpu.dma_semaphore, #tpu.memory_space<semaphore_mem>> -> memref<!tpu.dma_semaphore, #tpu.memory_space<semaphore_mem>>
        tpu.enqueue_indirect_dma source(%dma_start3A_1227 : memref<1000000x64xf32, #tpu.memory_space<hbm>>) target(%dma_start3A_1221 : memref<100x64xf32, #tpu.memory_space<vmem>>) offsets(%dma_start3A_1224 : memref<100xi32, #tpu.memory_space<vmem>>) semaphore(%dma_start3A_1229 : memref<!tpu.dma_semaphore, #tpu.memory_space<semaphore_mem>>)
      } else {
      }
      %add3A_400 = arith.constant 2 : i32
      %add3A_401 = arith.addi %mul3A_133, %add3A_400 : i32
      %dma_wait3A_402 = arith.constant 2 : i32
      %dma_wait3A_403 = arith.constant 2 : i32
      %dma_wait3A_404 = arith.constant 0 : i32
      %dma_wait3A_405 = arith.constant 0 : i32
      %dma_wait3A_406 = tpu.memref_slice %arg8[%dma_wait3A_402, %dma_wait3A_404, %dma_wait3A_405] : memref<8x100x64xf32, #tpu.memory_space<vmem>> -> memref<1x100x64xf32, #tpu.memory_space<vmem>>
      %dma_wait3A_407 = tpu.memref_squeeze %dma_wait3A_406 : memref<1x100x64xf32, #tpu.memory_space<vmem>> -> memref<100x64xf32, #tpu.memory_space<vmem>>
      %dma_wait3A_408 = arith.constant 0 : i32
      %dma_wait3A_409 = tpu.memref_slice %arg6[%add3A_401, %dma_wait3A_408] : memref<64x100xi32, #tpu.memory_space<vmem>> -> memref<1x100xi32, #tpu.memory_space<vmem>>
      %dma_wait3A_410 = tpu.memref_squeeze %dma_wait3A_409 : memref<1x100xi32, #tpu.memory_space<vmem>> -> memref<100xi32, #tpu.memory_space<vmem>>
      %dma_wait3A_411 = arith.constant 0 : i32
      %dma_wait3A_412 = arith.constant 0 : i32
      %dma_wait3A_413 = tpu.memref_slice %arg2[%dma_wait3A_411, %dma_wait3A_412] : memref<1000000x64xf32, #tpu.memory_space<hbm>> -> memref<1000000x64xf32, #tpu.memory_space<hbm>>
      %dma_wait3A_414 = tpu.memref_slice %arg12[%dma_wait3A_403] : memref<8x!tpu.dma_semaphore, #tpu.memory_space<semaphore_mem>> -> memref<1x!tpu.dma_semaphore, #tpu.memory_space<semaphore_mem>>
      %dma_wait3A_415 = tpu.memref_squeeze %dma_wait3A_414 : memref<1x!tpu.dma_semaphore, #tpu.memory_space<semaphore_mem>> -> memref<!tpu.dma_semaphore, #tpu.memory_space<semaphore_mem>>
      tpu.wait_indirect_dma semaphore(%dma_wait3A_415 : memref<!tpu.dma_semaphore, #tpu.memory_space<semaphore_mem>>) src(%dma_wait3A_413 : memref<1000000x64xf32, #tpu.memory_space<hbm>>) dst(%dma_wait3A_407 : memref<100x64xf32, #tpu.memory_space<vmem>>)
      %mul3A_416 = arith.constant 2 : i32
      %mul3A_417 = arith.muli %add3A_401, %mul3A_416 : i32
      %broadcast_in_dim3A_418 = arith.constant 0.000000e+00 : f32
      %broadcast_in_dim3A_419 = vector.broadcast %broadcast_in_dim3A_418 : f32 to vector<16xf32>
      %broadcast_in_dim3A_420 = arith.constant 0.000000e+00 : f32
      %broadcast_in_dim3A_421 = vector.broadcast %broadcast_in_dim3A_420 : f32 to vector<16xf32>
      %broadcast_in_dim3A_422 = arith.constant 0.000000e+00 : f32
      %broadcast_in_dim3A_423 = vector.broadcast %broadcast_in_dim3A_422 : f32 to vector<16xf32>
      %broadcast_in_dim3A_424 = arith.constant 0.000000e+00 : f32
      %broadcast_in_dim3A_425 = vector.broadcast %broadcast_in_dim3A_424 : f32 to vector<16xf32>
      %broadcast_in_dim3A_426 = arith.constant 0.000000e+00 : f32
      %broadcast_in_dim3A_427 = vector.broadcast %broadcast_in_dim3A_426 : f32 to vector<16xf32>
      %broadcast_in_dim3A_428 = arith.constant 0.000000e+00 : f32
      %broadcast_in_dim3A_429 = vector.broadcast %broadcast_in_dim3A_428 : f32 to vector<16xf32>
      %broadcast_in_dim3A_430 = arith.constant 0.000000e+00 : f32
      %broadcast_in_dim3A_431 = vector.broadcast %broadcast_in_dim3A_430 : f32 to vector<16xf32>
      %broadcast_in_dim3A_432 = arith.constant 0.000000e+00 : f32
      %broadcast_in_dim3A_433 = vector.broadcast %broadcast_in_dim3A_432 : f32 to vector<16xf32>
      %scan3A_434 = arith.constant 2 : i32
      %scan3A_435 = arith.constant 0 : i32
      %scan3A_436 = arith.constant 50 : i32
      %scan3A_437 = arith.addi %scan3A_435, %scan3A_436 : i32
      %scan3A_438 = arith.constant 1 : i32
      %scan3A_439:8 = scf.for %scan3A_1216 = %scan3A_435 to %scan3A_437 step %scan3A_438 iter_args(%scan3A_1217 = %broadcast_in_dim3A_419, %scan3A_1218 = %broadcast_in_dim3A_421, %scan3A_1219 = %broadcast_in_dim3A_423, %scan3A_1220 = %broadcast_in_dim3A_425, %scan3A_1221 = %broadcast_in_dim3A_427, %scan3A_1222 = %broadcast_in_dim3A_429, %scan3A_1223 = %broadcast_in_dim3A_431, %scan3A_1224 = %broadcast_in_dim3A_433) -> (vector<16xf32>, vector<16xf32>, vector<16xf32>, vector<16xf32>, vector<16xf32>, vector<16xf32>, vector<16xf32>, vector<16xf32>)  : i32 {
        %mul3A_1225 = arith.constant 64 : i32
        %mul3A_1226 = arith.muli %scan3A_1216, %mul3A_1225 : i32
        %add3A_1227 = arith.constant 0 : i32
        %add3A_1228 = arith.addi %mul3A_1226, %add3A_1227 : i32
        %get3A = arith.index_cast %add3A_1228 : i32 to index
        %get3A_1229 = tpu.vector_load %arg7[%get3A] {strides = array<i32>} : memref<3200xf32, #tpu.memory_space<vmem>>, vector<16xf32>,
        %add3A_1230 = arith.constant 0 : i32
        %add3A_1231 = arith.addi %add3A_1230, %scan3A_1216 : i32
        %get3A_1232 = arith.constant 0 : i32
        %get3A_1233 = arith.constant 0 : i32
        %get3A_1234 = tpu.memref_slice %arg8[%scan3A_434, %get3A_1232, %get3A_1233] : memref<8x100x64xf32, #tpu.memory_space<vmem>> -> memref<1x100x64xf32, #tpu.memory_space<vmem>>
        %get3A_1235 = tpu.memref_squeeze %get3A_1234 : memref<1x100x64xf32, #tpu.memory_space<vmem>> -> memref<100x64xf32, #tpu.memory_space<vmem>>
        %get3A_1236 = arith.index_cast %add3A_1231 : i32 to index
        %get3A_1237 = arith.constant 0 : index
        %get3A_1238 = tpu.vector_load %get3A_1235[%get3A_1236, %get3A_1237] {strides = array<i32>} : memref<100x64xf32, #tpu.memory_space<vmem>>, vector<16xf32>,
        %mul3A_1239 = arith.mulf %get3A_1238, %get3A_1229 : vector<16xf32>
        %add3A_1240 = arith.addf %scan3A_1217, %mul3A_1239 : vector<16xf32>
        %add3A_1241 = arith.constant 50 : i32
        %add3A_1242 = arith.addi %add3A_1241, %scan3A_1216 : i32
        %get3A_1243 = arith.constant 0 : i32
        %get3A_1244 = arith.constant 0 : i32
        %get3A_1245 = tpu.memref_slice %arg8[%scan3A_434, %get3A_1243, %get3A_1244] : memref<8x100x64xf32, #tpu.memory_space<vmem>> -> memref<1x100x64xf32, #tpu.memory_space<vmem>>
        %get3A_1246 = tpu.memref_squeeze %get3A_1245 : memref<1x100x64xf32, #tpu.memory_space<vmem>> -> memref<100x64xf32, #tpu.memory_space<vmem>>
        %get3A_1247 = arith.index_cast %add3A_1242 : i32 to index
        %get3A_1248 = arith.constant 0 : index
        %get3A_1249 = tpu.vector_load %get3A_1246[%get3A_1247, %get3A_1248] {strides = array<i32>} : memref<100x64xf32, #tpu.memory_space<vmem>>, vector<16xf32>,
        %mul3A_1250 = arith.mulf %get3A_1249, %get3A_1229 : vector<16xf32>
        %add3A_1251 = arith.addf %scan3A_1218, %mul3A_1250 : vector<16xf32>
        %mul3A_1252 = arith.constant 64 : i32
        %mul3A_1253 = arith.muli %scan3A_1216, %mul3A_1252 : i32
        %add3A_1254 = arith.constant 16 : i32
        %add3A_1255 = arith.addi %mul3A_1253, %add3A_1254 : i32
        %get3A_1256 = arith.index_cast %add3A_1255 : i32 to index
        %get3A_1257 = tpu.vector_load %arg7[%get3A_1256] {strides = array<i32>} : memref<3200xf32, #tpu.memory_space<vmem>>, vector<16xf32>,
        %add3A_1258 = arith.constant 0 : i32
        %add3A_1259 = arith.addi %add3A_1258, %scan3A_1216 : i32
        %get3A_1260 = arith.constant 0 : i32
        %get3A_1261 = arith.constant 0 : i32
        %get3A_1262 = tpu.memref_slice %arg8[%scan3A_434, %get3A_1260, %get3A_1261] : memref<8x100x64xf32, #tpu.memory_space<vmem>> -> memref<1x100x64xf32, #tpu.memory_space<vmem>>
        %get3A_1263 = tpu.memref_squeeze %get3A_1262 : memref<1x100x64xf32, #tpu.memory_space<vmem>> -> memref<100x64xf32, #tpu.memory_space<vmem>>
        %get3A_1264 = arith.index_cast %add3A_1259 : i32 to index
        %get3A_1265 = arith.constant 16 : index
        %get3A_1266 = tpu.vector_load %get3A_1263[%get3A_1264, %get3A_1265] {strides = array<i32>} : memref<100x64xf32, #tpu.memory_space<vmem>>, vector<16xf32>,
        %mul3A_1267 = arith.mulf %get3A_1266, %get3A_1257 : vector<16xf32>
        %add3A_1268 = arith.addf %scan3A_1219, %mul3A_1267 : vector<16xf32>
        %add3A_1269 = arith.constant 50 : i32
        %add3A_1270 = arith.addi %add3A_1269, %scan3A_1216 : i32
        %get3A_1271 = arith.constant 0 : i32
        %get3A_1272 = arith.constant 0 : i32
        %get3A_1273 = tpu.memref_slice %arg8[%scan3A_434, %get3A_1271, %get3A_1272] : memref<8x100x64xf32, #tpu.memory_space<vmem>> -> memref<1x100x64xf32, #tpu.memory_space<vmem>>
        %get3A_1274 = tpu.memref_squeeze %get3A_1273 : memref<1x100x64xf32, #tpu.memory_space<vmem>> -> memref<100x64xf32, #tpu.memory_space<vmem>>
        %get3A_1275 = arith.index_cast %add3A_1270 : i32 to index
        %get3A_1276 = arith.constant 16 : index
        %get3A_1277 = tpu.vector_load %get3A_1274[%get3A_1275, %get3A_1276] {strides = array<i32>} : memref<100x64xf32, #tpu.memory_space<vmem>>, vector<16xf32>,
        %mul3A_1278 = arith.mulf %get3A_1277, %get3A_1257 : vector<16xf32>
        %add3A_1279 = arith.addf %scan3A_1220, %mul3A_1278 : vector<16xf32>
        %mul3A_1280 = arith.constant 64 : i32
        %mul3A_1281 = arith.muli %scan3A_1216, %mul3A_1280 : i32
        %add3A_1282 = arith.constant 32 : i32
        %add3A_1283 = arith.addi %mul3A_1281, %add3A_1282 : i32
        %get3A_1284 = arith.index_cast %add3A_1283 : i32 to index
        %get3A_1285 = tpu.vector_load %arg7[%get3A_1284] {strides = array<i32>} : memref<3200xf32, #tpu.memory_space<vmem>>, vector<16xf32>,
        %add3A_1286 = arith.constant 0 : i32
        %add3A_1287 = arith.addi %add3A_1286, %scan3A_1216 : i32
        %get3A_1288 = arith.constant 0 : i32
        %get3A_1289 = arith.constant 0 : i32
        %get3A_1290 = tpu.memref_slice %arg8[%scan3A_434, %get3A_1288, %get3A_1289] : memref<8x100x64xf32, #tpu.memory_space<vmem>> -> memref<1x100x64xf32, #tpu.memory_space<vmem>>
        %get3A_1291 = tpu.memref_squeeze %get3A_1290 : memref<1x100x64xf32, #tpu.memory_space<vmem>> -> memref<100x64xf32, #tpu.memory_space<vmem>>
        %get3A_1292 = arith.index_cast %add3A_1287 : i32 to index
        %get3A_1293 = arith.constant 32 : index
        %get3A_1294 = tpu.vector_load %get3A_1291[%get3A_1292, %get3A_1293] {strides = array<i32>} : memref<100x64xf32, #tpu.memory_space<vmem>>, vector<16xf32>,
        %mul3A_1295 = arith.mulf %get3A_1294, %get3A_1285 : vector<16xf32>
        %add3A_1296 = arith.addf %scan3A_1221, %mul3A_1295 : vector<16xf32>
        %add3A_1297 = arith.constant 50 : i32
        %add3A_1298 = arith.addi %add3A_1297, %scan3A_1216 : i32
        %get3A_1299 = arith.constant 0 : i32
        %get3A_1300 = arith.constant 0 : i32
        %get3A_1301 = tpu.memref_slice %arg8[%scan3A_434, %get3A_1299, %get3A_1300] : memref<8x100x64xf32, #tpu.memory_space<vmem>> -> memref<1x100x64xf32, #tpu.memory_space<vmem>>
        %get3A_1302 = tpu.memref_squeeze %get3A_1301 : memref<1x100x64xf32, #tpu.memory_space<vmem>> -> memref<100x64xf32, #tpu.memory_space<vmem>>
        %get3A_1303 = arith.index_cast %add3A_1298 : i32 to index
        %get3A_1304 = arith.constant 32 : index
        %get3A_1305 = tpu.vector_load %get3A_1302[%get3A_1303, %get3A_1304] {strides = array<i32>} : memref<100x64xf32, #tpu.memory_space<vmem>>, vector<16xf32>,
        %mul3A_1306 = arith.mulf %get3A_1305, %get3A_1285 : vector<16xf32>
        %add3A_1307 = arith.addf %scan3A_1222, %mul3A_1306 : vector<16xf32>
        %mul3A_1308 = arith.constant 64 : i32
        %mul3A_1309 = arith.muli %scan3A_1216, %mul3A_1308 : i32
        %add3A_1310 = arith.constant 48 : i32
        %add3A_1311 = arith.addi %mul3A_1309, %add3A_1310 : i32
        %get3A_1312 = arith.index_cast %add3A_1311 : i32 to index
        %get3A_1313 = tpu.vector_load %arg7[%get3A_1312] {strides = array<i32>} : memref<3200xf32, #tpu.memory_space<vmem>>, vector<16xf32>,
        %add3A_1314 = arith.constant 0 : i32
        %add3A_1315 = arith.addi %add3A_1314, %scan3A_1216 : i32
        %get3A_1316 = arith.constant 0 : i32
        %get3A_1317 = arith.constant 0 : i32
        %get3A_1318 = tpu.memref_slice %arg8[%scan3A_434, %get3A_1316, %get3A_1317] : memref<8x100x64xf32, #tpu.memory_space<vmem>> -> memref<1x100x64xf32, #tpu.memory_space<vmem>>
        %get3A_1319 = tpu.memref_squeeze %get3A_1318 : memref<1x100x64xf32, #tpu.memory_space<vmem>> -> memref<100x64xf32, #tpu.memory_space<vmem>>
        %get3A_1320 = arith.index_cast %add3A_1315 : i32 to index
        %get3A_1321 = arith.constant 48 : index
        %get3A_1322 = tpu.vector_load %get3A_1319[%get3A_1320, %get3A_1321] {strides = array<i32>} : memref<100x64xf32, #tpu.memory_space<vmem>>, vector<16xf32>,
        %mul3A_1323 = arith.mulf %get3A_1322, %get3A_1313 : vector<16xf32>
        %add3A_1324 = arith.addf %scan3A_1223, %mul3A_1323 : vector<16xf32>
        %add3A_1325 = arith.constant 50 : i32
        %add3A_1326 = arith.addi %add3A_1325, %scan3A_1216 : i32
        %get3A_1327 = arith.constant 0 : i32
        %get3A_1328 = arith.constant 0 : i32
        %get3A_1329 = tpu.memref_slice %arg8[%scan3A_434, %get3A_1327, %get3A_1328] : memref<8x100x64xf32, #tpu.memory_space<vmem>> -> memref<1x100x64xf32, #tpu.memory_space<vmem>>
        %get3A_1330 = tpu.memref_squeeze %get3A_1329 : memref<1x100x64xf32, #tpu.memory_space<vmem>> -> memref<100x64xf32, #tpu.memory_space<vmem>>
        %get3A_1331 = arith.index_cast %add3A_1326 : i32 to index
        %get3A_1332 = arith.constant 48 : index
        %get3A_1333 = tpu.vector_load %get3A_1330[%get3A_1331, %get3A_1332] {strides = array<i32>} : memref<100x64xf32, #tpu.memory_space<vmem>>, vector<16xf32>,
        %mul3A_1334 = arith.mulf %get3A_1333, %get3A_1313 : vector<16xf32>
        %add3A_1335 = arith.addf %scan3A_1224, %mul3A_1334 : vector<16xf32>
        scf.yield %add3A_1240, %add3A_1251, %add3A_1268, %add3A_1279, %add3A_1296, %add3A_1307, %add3A_1324, %add3A_1335 : vector<16xf32>, vector<16xf32>, vector<16xf32>, vector<16xf32>, vector<16xf32>, vector<16xf32>, vector<16xf32>, vector<16xf32>
      }
      %scan3A_440 = arith.constant 50 : i32
      %mul3A_441 = arith.constant 2.000000e-02 : f32
      %mul3A_442 = vector.broadcast %mul3A_441 : f32 to vector<16xf32>
      %mul3A_443 = arith.mulf %scan3A_439#0, %mul3A_442 : vector<16xf32>
      %add3A_444 = arith.constant 0 : i32
      %add3A_445 = arith.addi %mul3A_417, %add3A_444 : i32
      %mul3A_446 = arith.constant 64 : i32
      %mul3A_447 = arith.muli %add3A_445, %mul3A_446 : i32
      %add3A_448 = arith.constant 0 : i32
      %add3A_449 = arith.addi %mul3A_447, %add3A_448 : i32
      %swap3A_450 = arith.index_cast %add3A_449 : i32 to index
      %swap3A_451 = tpu.vector_load %arg9[%swap3A_450] {strides = array<i32>} : memref<8192xf32, #tpu.memory_space<vmem>>, vector<16xf32>,
      tpu.vector_store %arg9[%swap3A_450], %mul3A_443 {strides = array<i32>} : memref<8192xf32, #tpu.memory_space<vmem>>, vector<16xf32>,
      %mul3A_452 = arith.constant 2.000000e-02 : f32
      %mul3A_453 = vector.broadcast %mul3A_452 : f32 to vector<16xf32>
      %mul3A_454 = arith.mulf %scan3A_439#1, %mul3A_453 : vector<16xf32>
      %add3A_455 = arith.constant 1 : i32
      %add3A_456 = arith.addi %mul3A_417, %add3A_455 : i32
      %mul3A_457 = arith.constant 64 : i32
      %mul3A_458 = arith.muli %add3A_456, %mul3A_457 : i32
      %add3A_459 = arith.constant 0 : i32
      %add3A_460 = arith.addi %mul3A_458, %add3A_459 : i32
      %swap3A_461 = arith.index_cast %add3A_460 : i32 to index
      %swap3A_462 = tpu.vector_load %arg9[%swap3A_461] {strides = array<i32>} : memref<8192xf32, #tpu.memory_space<vmem>>, vector<16xf32>,
      tpu.vector_store %arg9[%swap3A_461], %mul3A_454 {strides = array<i32>} : memref<8192xf32, #tpu.memory_space<vmem>>, vector<16xf32>,
      %mul3A_463 = arith.constant 2.000000e-02 : f32
      %mul3A_464 = vector.broadcast %mul3A_463 : f32 to vector<16xf32>
      %mul3A_465 = arith.mulf %scan3A_439#2, %mul3A_464 : vector<16xf32>
      %add3A_466 = arith.constant 0 : i32
      %add3A_467 = arith.addi %mul3A_417, %add3A_466 : i32
      %mul3A_468 = arith.constant 64 : i32
      %mul3A_469 = arith.muli %add3A_467, %mul3A_468 : i32
      %add3A_470 = arith.constant 16 : i32
      %add3A_471 = arith.addi %mul3A_469, %add3A_470 : i32
      %swap3A_472 = arith.index_cast %add3A_471 : i32 to index
      %swap3A_473 = tpu.vector_load %arg9[%swap3A_472] {strides = array<i32>} : memref<8192xf32, #tpu.memory_space<vmem>>, vector<16xf32>,
      tpu.vector_store %arg9[%swap3A_472], %mul3A_465 {strides = array<i32>} : memref<8192xf32, #tpu.memory_space<vmem>>, vector<16xf32>,
      %mul3A_474 = arith.constant 2.000000e-02 : f32
      %mul3A_475 = vector.broadcast %mul3A_474 : f32 to vector<16xf32>
      %mul3A_476 = arith.mulf %scan3A_439#3, %mul3A_475 : vector<16xf32>
      %add3A_477 = arith.constant 1 : i32
      %add3A_478 = arith.addi %mul3A_417, %add3A_477 : i32
      %mul3A_479 = arith.constant 64 : i32
      %mul3A_480 = arith.muli %add3A_478, %mul3A_479 : i32
      %add3A_481 = arith.constant 16 : i32
      %add3A_482 = arith.addi %mul3A_480, %add3A_481 : i32
      %swap3A_483 = arith.index_cast %add3A_482 : i32 to index
      %swap3A_484 = tpu.vector_load %arg9[%swap3A_483] {strides = array<i32>} : memref<8192xf32, #tpu.memory_space<vmem>>, vector<16xf32>,
      tpu.vector_store %arg9[%swap3A_483], %mul3A_476 {strides = array<i32>} : memref<8192xf32, #tpu.memory_space<vmem>>, vector<16xf32>,
      %mul3A_485 = arith.constant 2.000000e-02 : f32
      %mul3A_486 = vector.broadcast %mul3A_485 : f32 to vector<16xf32>
      %mul3A_487 = arith.mulf %scan3A_439#4, %mul3A_486 : vector<16xf32>
      %add3A_488 = arith.constant 0 : i32
      %add3A_489 = arith.addi %mul3A_417, %add3A_488 : i32
      %mul3A_490 = arith.constant 64 : i32
      %mul3A_491 = arith.muli %add3A_489, %mul3A_490 : i32
      %add3A_492 = arith.constant 32 : i32
      %add3A_493 = arith.addi %mul3A_491, %add3A_492 : i32
      %swap3A_494 = arith.index_cast %add3A_493 : i32 to index
      %swap3A_495 = tpu.vector_load %arg9[%swap3A_494] {strides = array<i32>} : memref<8192xf32, #tpu.memory_space<vmem>>, vector<16xf32>,
      tpu.vector_store %arg9[%swap3A_494], %mul3A_487 {strides = array<i32>} : memref<8192xf32, #tpu.memory_space<vmem>>, vector<16xf32>,
      %mul3A_496 = arith.constant 2.000000e-02 : f32
      %mul3A_497 = vector.broadcast %mul3A_496 : f32 to vector<16xf32>
      %mul3A_498 = arith.mulf %scan3A_439#5, %mul3A_497 : vector<16xf32>
      %add3A_499 = arith.constant 1 : i32
      %add3A_500 = arith.addi %mul3A_417, %add3A_499 : i32
      %mul3A_501 = arith.constant 64 : i32
      %mul3A_502 = arith.muli %add3A_500, %mul3A_501 : i32
      %add3A_503 = arith.constant 32 : i32
      %add3A_504 = arith.addi %mul3A_502, %add3A_503 : i32
      %swap3A_505 = arith.index_cast %add3A_504 : i32 to index
      %swap3A_506 = tpu.vector_load %arg9[%swap3A_505] {strides = array<i32>} : memref<8192xf32, #tpu.memory_space<vmem>>, vector<16xf32>,
      tpu.vector_store %arg9[%swap3A_505], %mul3A_498 {strides = array<i32>} : memref<8192xf32, #tpu.memory_space<vmem>>, vector<16xf32>,
      %mul3A_507 = arith.constant 2.000000e-02 : f32
      %mul3A_508 = vector.broadcast %mul3A_507 : f32 to vector<16xf32>
      %mul3A_509 = arith.mulf %scan3A_439#6, %mul3A_508 : vector<16xf32>
      %add3A_510 = arith.constant 0 : i32
      %add3A_511 = arith.addi %mul3A_417, %add3A_510 : i32
      %mul3A_512 = arith.constant 64 : i32
      %mul3A_513 = arith.muli %add3A_511, %mul3A_512 : i32
      %add3A_514 = arith.constant 48 : i32
      %add3A_515 = arith.addi %mul3A_513, %add3A_514 : i32
      %swap3A_516 = arith.index_cast %add3A_515 : i32 to index
      %swap3A_517 = tpu.vector_load %arg9[%swap3A_516] {strides = array<i32>} : memref<8192xf32, #tpu.memory_space<vmem>>, vector<16xf32>,
      tpu.vector_store %arg9[%swap3A_516], %mul3A_509 {strides = array<i32>} : memref<8192xf32, #tpu.memory_space<vmem>>, vector<16xf32>,
      %mul3A_518 = arith.constant 2.000000e-02 : f32
      %mul3A_519 = vector.broadcast %mul3A_518 : f32 to vector<16xf32>
      %mul3A_520 = arith.mulf %scan3A_439#7, %mul3A_519 : vector<16xf32>
      %add3A_521 = arith.constant 1 : i32
      %add3A_522 = arith.addi %mul3A_417, %add3A_521 : i32
      %mul3A_523 = arith.constant 64 : i32
      %mul3A_524 = arith.muli %add3A_522, %mul3A_523 : i32
      %add3A_525 = arith.constant 48 : i32
      %add3A_526 = arith.addi %mul3A_524, %add3A_525 : i32
      %swap3A_527 = arith.index_cast %add3A_526 : i32 to index
      %swap3A_528 = tpu.vector_load %arg9[%swap3A_527] {strides = array<i32>} : memref<8192xf32, #tpu.memory_space<vmem>>, vector<16xf32>,
      tpu.vector_store %arg9[%swap3A_527], %mul3A_520 {strides = array<i32>} : memref<8192xf32, #tpu.memory_space<vmem>>, vector<16xf32>,
      %add3A_529 = arith.constant 8 : i32
      %add3A_530 = arith.addi %add3A_401, %add3A_529 : i32
      %lt3A_531 = arith.constant 64 : i32
      %lt3A_532 = arith.cmpi slt, %add3A_530, %lt3A_531 : i32
      %convert_element_type3A_533 = arith.extui %lt3A_532 : i1 to i32
      %cond3A_534 = arith.constant 0 : i32
      %cond3A_535 = arith.cmpi ne, %convert_element_type3A_533, %cond3A_534 : i32
      scf.if %cond3A_535 {
        %dma_start3A_1216 = arith.constant 2 : i32
        %dma_start3A_1217 = arith.constant 2 : i32
        %dma_start3A_1218 = arith.constant 0 : i32
        %dma_start3A_1219 = arith.constant 0 : i32
        %dma_start3A_1220 = tpu.memref_slice %arg8[%dma_start3A_1216, %dma_start3A_1218, %dma_start3A_1219] : memref<8x100x64xf32, #tpu.memory_space<vmem>> -> memref<1x100x64xf32, #tpu.memory_space<vmem>>
        %dma_start3A_1221 = tpu.memref_squeeze %dma_start3A_1220 : memref<1x100x64xf32, #tpu.memory_space<vmem>> -> memref<100x64xf32, #tpu.memory_space<vmem>>
        %dma_start3A_1222 = arith.constant 0 : i32
        %dma_start3A_1223 = tpu.memref_slice %arg6[%add3A_530, %dma_start3A_1222] : memref<64x100xi32, #tpu.memory_space<vmem>> -> memref<1x100xi32, #tpu.memory_space<vmem>>
        %dma_start3A_1224 = tpu.memref_squeeze %dma_start3A_1223 : memref<1x100xi32, #tpu.memory_space<vmem>> -> memref<100xi32, #tpu.memory_space<vmem>>
        %dma_start3A_1225 = arith.constant 0 : i32
        %dma_start3A_1226 = arith.constant 0 : i32
        %dma_start3A_1227 = tpu.memref_slice %arg2[%dma_start3A_1225, %dma_start3A_1226] : memref<1000000x64xf32, #tpu.memory_space<hbm>> -> memref<1000000x64xf32, #tpu.memory_space<hbm>>
        %dma_start3A_1228 = tpu.memref_slice %arg12[%dma_start3A_1217] : memref<8x!tpu.dma_semaphore, #tpu.memory_space<semaphore_mem>> -> memref<1x!tpu.dma_semaphore, #tpu.memory_space<semaphore_mem>>
        %dma_start3A_1229 = tpu.memref_squeeze %dma_start3A_1228 : memref<1x!tpu.dma_semaphore, #tpu.memory_space<semaphore_mem>> -> memref<!tpu.dma_semaphore, #tpu.memory_space<semaphore_mem>>
        tpu.enqueue_indirect_dma source(%dma_start3A_1227 : memref<1000000x64xf32, #tpu.memory_space<hbm>>) target(%dma_start3A_1221 : memref<100x64xf32, #tpu.memory_space<vmem>>) offsets(%dma_start3A_1224 : memref<100xi32, #tpu.memory_space<vmem>>) semaphore(%dma_start3A_1229 : memref<!tpu.dma_semaphore, #tpu.memory_space<semaphore_mem>>)
      } else {
      }
      %add3A_536 = arith.constant 3 : i32
      %add3A_537 = arith.addi %mul3A_133, %add3A_536 : i32
      %dma_wait3A_538 = arith.constant 3 : i32
      %dma_wait3A_539 = arith.constant 3 : i32
      %dma_wait3A_540 = arith.constant 0 : i32
      %dma_wait3A_541 = arith.constant 0 : i32
      %dma_wait3A_542 = tpu.memref_slice %arg8[%dma_wait3A_538, %dma_wait3A_540, %dma_wait3A_541] : memref<8x100x64xf32, #tpu.memory_space<vmem>> -> memref<1x100x64xf32, #tpu.memory_space<vmem>>
      %dma_wait3A_543 = tpu.memref_squeeze %dma_wait3A_542 : memref<1x100x64xf32, #tpu.memory_space<vmem>> -> memref<100x64xf32, #tpu.memory_space<vmem>>
      %dma_wait3A_544 = arith.constant 0 : i32
      %dma_wait3A_545 = tpu.memref_slice %arg6[%add3A_537, %dma_wait3A_544] : memref<64x100xi32, #tpu.memory_space<vmem>> -> memref<1x100xi32, #tpu.memory_space<vmem>>
      %dma_wait3A_546 = tpu.memref_squeeze %dma_wait3A_545 : memref<1x100xi32, #tpu.memory_space<vmem>> -> memref<100xi32, #tpu.memory_space<vmem>>
      %dma_wait3A_547 = arith.constant 0 : i32
      %dma_wait3A_548 = arith.constant 0 : i32
      %dma_wait3A_549 = tpu.memref_slice %arg2[%dma_wait3A_547, %dma_wait3A_548] : memref<1000000x64xf32, #tpu.memory_space<hbm>> -> memref<1000000x64xf32, #tpu.memory_space<hbm>>
      %dma_wait3A_550 = tpu.memref_slice %arg12[%dma_wait3A_539] : memref<8x!tpu.dma_semaphore, #tpu.memory_space<semaphore_mem>> -> memref<1x!tpu.dma_semaphore, #tpu.memory_space<semaphore_mem>>
      %dma_wait3A_551 = tpu.memref_squeeze %dma_wait3A_550 : memref<1x!tpu.dma_semaphore, #tpu.memory_space<semaphore_mem>> -> memref<!tpu.dma_semaphore, #tpu.memory_space<semaphore_mem>>
      tpu.wait_indirect_dma semaphore(%dma_wait3A_551 : memref<!tpu.dma_semaphore, #tpu.memory_space<semaphore_mem>>) src(%dma_wait3A_549 : memref<1000000x64xf32, #tpu.memory_space<hbm>>) dst(%dma_wait3A_543 : memref<100x64xf32, #tpu.memory_space<vmem>>)
      %mul3A_552 = arith.constant 2 : i32
      %mul3A_553 = arith.muli %add3A_537, %mul3A_552 : i32
      %broadcast_in_dim3A_554 = arith.constant 0.000000e+00 : f32
      %broadcast_in_dim3A_555 = vector.broadcast %broadcast_in_dim3A_554 : f32 to vector<16xf32>
      %broadcast_in_dim3A_556 = arith.constant 0.000000e+00 : f32
      %broadcast_in_dim3A_557 = vector.broadcast %broadcast_in_dim3A_556 : f32 to vector<16xf32>
      %broadcast_in_dim3A_558 = arith.constant 0.000000e+00 : f32
      %broadcast_in_dim3A_559 = vector.broadcast %broadcast_in_dim3A_558 : f32 to vector<16xf32>
      %broadcast_in_dim3A_560 = arith.constant 0.000000e+00 : f32
      %broadcast_in_dim3A_561 = vector.broadcast %broadcast_in_dim3A_560 : f32 to vector<16xf32>
      %broadcast_in_dim3A_562 = arith.constant 0.000000e+00 : f32
      %broadcast_in_dim3A_563 = vector.broadcast %broadcast_in_dim3A_562 : f32 to vector<16xf32>
      %broadcast_in_dim3A_564 = arith.constant 0.000000e+00 : f32
      %broadcast_in_dim3A_565 = vector.broadcast %broadcast_in_dim3A_564 : f32 to vector<16xf32>
      %broadcast_in_dim3A_566 = arith.constant 0.000000e+00 : f32
      %broadcast_in_dim3A_567 = vector.broadcast %broadcast_in_dim3A_566 : f32 to vector<16xf32>
      %broadcast_in_dim3A_568 = arith.constant 0.000000e+00 : f32
      %broadcast_in_dim3A_569 = vector.broadcast %broadcast_in_dim3A_568 : f32 to vector<16xf32>
      %scan3A_570 = arith.constant 3 : i32
      %scan3A_571 = arith.constant 0 : i32
      %scan3A_572 = arith.constant 50 : i32
      %scan3A_573 = arith.addi %scan3A_571, %scan3A_572 : i32
      %scan3A_574 = arith.constant 1 : i32
      %scan3A_575:8 = scf.for %scan3A_1216 = %scan3A_571 to %scan3A_573 step %scan3A_574 iter_args(%scan3A_1217 = %broadcast_in_dim3A_555, %scan3A_1218 = %broadcast_in_dim3A_557, %scan3A_1219 = %broadcast_in_dim3A_559, %scan3A_1220 = %broadcast_in_dim3A_561, %scan3A_1221 = %broadcast_in_dim3A_563, %scan3A_1222 = %broadcast_in_dim3A_565, %scan3A_1223 = %broadcast_in_dim3A_567, %scan3A_1224 = %broadcast_in_dim3A_569) -> (vector<16xf32>, vector<16xf32>, vector<16xf32>, vector<16xf32>, vector<16xf32>, vector<16xf32>, vector<16xf32>, vector<16xf32>)  : i32 {
        %mul3A_1225 = arith.constant 64 : i32
        %mul3A_1226 = arith.muli %scan3A_1216, %mul3A_1225 : i32
        %add3A_1227 = arith.constant 0 : i32
        %add3A_1228 = arith.addi %mul3A_1226, %add3A_1227 : i32
        %get3A = arith.index_cast %add3A_1228 : i32 to index
        %get3A_1229 = tpu.vector_load %arg7[%get3A] {strides = array<i32>} : memref<3200xf32, #tpu.memory_space<vmem>>, vector<16xf32>,
        %add3A_1230 = arith.constant 0 : i32
        %add3A_1231 = arith.addi %add3A_1230, %scan3A_1216 : i32
        %get3A_1232 = arith.constant 0 : i32
        %get3A_1233 = arith.constant 0 : i32
        %get3A_1234 = tpu.memref_slice %arg8[%scan3A_570, %get3A_1232, %get3A_1233] : memref<8x100x64xf32, #tpu.memory_space<vmem>> -> memref<1x100x64xf32, #tpu.memory_space<vmem>>
        %get3A_1235 = tpu.memref_squeeze %get3A_1234 : memref<1x100x64xf32, #tpu.memory_space<vmem>> -> memref<100x64xf32, #tpu.memory_space<vmem>>
        %get3A_1236 = arith.index_cast %add3A_1231 : i32 to index
        %get3A_1237 = arith.constant 0 : index
        %get3A_1238 = tpu.vector_load %get3A_1235[%get3A_1236, %get3A_1237] {strides = array<i32>} : memref<100x64xf32, #tpu.memory_space<vmem>>, vector<16xf32>,
        %mul3A_1239 = arith.mulf %get3A_1238, %get3A_1229 : vector<16xf32>
        %add3A_1240 = arith.addf %scan3A_1217, %mul3A_1239 : vector<16xf32>
        %add3A_1241 = arith.constant 50 : i32
        %add3A_1242 = arith.addi %add3A_1241, %scan3A_1216 : i32
        %get3A_1243 = arith.constant 0 : i32
        %get3A_1244 = arith.constant 0 : i32
        %get3A_1245 = tpu.memref_slice %arg8[%scan3A_570, %get3A_1243, %get3A_1244] : memref<8x100x64xf32, #tpu.memory_space<vmem>> -> memref<1x100x64xf32, #tpu.memory_space<vmem>>
        %get3A_1246 = tpu.memref_squeeze %get3A_1245 : memref<1x100x64xf32, #tpu.memory_space<vmem>> -> memref<100x64xf32, #tpu.memory_space<vmem>>
        %get3A_1247 = arith.index_cast %add3A_1242 : i32 to index
        %get3A_1248 = arith.constant 0 : index
        %get3A_1249 = tpu.vector_load %get3A_1246[%get3A_1247, %get3A_1248] {strides = array<i32>} : memref<100x64xf32, #tpu.memory_space<vmem>>, vector<16xf32>,
        %mul3A_1250 = arith.mulf %get3A_1249, %get3A_1229 : vector<16xf32>
        %add3A_1251 = arith.addf %scan3A_1218, %mul3A_1250 : vector<16xf32>
        %mul3A_1252 = arith.constant 64 : i32
        %mul3A_1253 = arith.muli %scan3A_1216, %mul3A_1252 : i32
        %add3A_1254 = arith.constant 16 : i32
        %add3A_1255 = arith.addi %mul3A_1253, %add3A_1254 : i32
        %get3A_1256 = arith.index_cast %add3A_1255 : i32 to index
        %get3A_1257 = tpu.vector_load %arg7[%get3A_1256] {strides = array<i32>} : memref<3200xf32, #tpu.memory_space<vmem>>, vector<16xf32>,
        %add3A_1258 = arith.constant 0 : i32
        %add3A_1259 = arith.addi %add3A_1258, %scan3A_1216 : i32
        %get3A_1260 = arith.constant 0 : i32
        %get3A_1261 = arith.constant 0 : i32
        %get3A_1262 = tpu.memref_slice %arg8[%scan3A_570, %get3A_1260, %get3A_1261] : memref<8x100x64xf32, #tpu.memory_space<vmem>> -> memref<1x100x64xf32, #tpu.memory_space<vmem>>
        %get3A_1263 = tpu.memref_squeeze %get3A_1262 : memref<1x100x64xf32, #tpu.memory_space<vmem>> -> memref<100x64xf32, #tpu.memory_space<vmem>>
        %get3A_1264 = arith.index_cast %add3A_1259 : i32 to index
        %get3A_1265 = arith.constant 16 : index
        %get3A_1266 = tpu.vector_load %get3A_1263[%get3A_1264, %get3A_1265] {strides = array<i32>} : memref<100x64xf32, #tpu.memory_space<vmem>>, vector<16xf32>,
        %mul3A_1267 = arith.mulf %get3A_1266, %get3A_1257 : vector<16xf32>
        %add3A_1268 = arith.addf %scan3A_1219, %mul3A_1267 : vector<16xf32>
        %add3A_1269 = arith.constant 50 : i32
        %add3A_1270 = arith.addi %add3A_1269, %scan3A_1216 : i32
        %get3A_1271 = arith.constant 0 : i32
        %get3A_1272 = arith.constant 0 : i32
        %get3A_1273 = tpu.memref_slice %arg8[%scan3A_570, %get3A_1271, %get3A_1272] : memref<8x100x64xf32, #tpu.memory_space<vmem>> -> memref<1x100x64xf32, #tpu.memory_space<vmem>>
        %get3A_1274 = tpu.memref_squeeze %get3A_1273 : memref<1x100x64xf32, #tpu.memory_space<vmem>> -> memref<100x64xf32, #tpu.memory_space<vmem>>
        %get3A_1275 = arith.index_cast %add3A_1270 : i32 to index
        %get3A_1276 = arith.constant 16 : index
        %get3A_1277 = tpu.vector_load %get3A_1274[%get3A_1275, %get3A_1276] {strides = array<i32>} : memref<100x64xf32, #tpu.memory_space<vmem>>, vector<16xf32>,
        %mul3A_1278 = arith.mulf %get3A_1277, %get3A_1257 : vector<16xf32>
        %add3A_1279 = arith.addf %scan3A_1220, %mul3A_1278 : vector<16xf32>
        %mul3A_1280 = arith.constant 64 : i32
        %mul3A_1281 = arith.muli %scan3A_1216, %mul3A_1280 : i32
        %add3A_1282 = arith.constant 32 : i32
        %add3A_1283 = arith.addi %mul3A_1281, %add3A_1282 : i32
        %get3A_1284 = arith.index_cast %add3A_1283 : i32 to index
        %get3A_1285 = tpu.vector_load %arg7[%get3A_1284] {strides = array<i32>} : memref<3200xf32, #tpu.memory_space<vmem>>, vector<16xf32>,
        %add3A_1286 = arith.constant 0 : i32
        %add3A_1287 = arith.addi %add3A_1286, %scan3A_1216 : i32
        %get3A_1288 = arith.constant 0 : i32
        %get3A_1289 = arith.constant 0 : i32
        %get3A_1290 = tpu.memref_slice %arg8[%scan3A_570, %get3A_1288, %get3A_1289] : memref<8x100x64xf32, #tpu.memory_space<vmem>> -> memref<1x100x64xf32, #tpu.memory_space<vmem>>
        %get3A_1291 = tpu.memref_squeeze %get3A_1290 : memref<1x100x64xf32, #tpu.memory_space<vmem>> -> memref<100x64xf32, #tpu.memory_space<vmem>>
        %get3A_1292 = arith.index_cast %add3A_1287 : i32 to index
        %get3A_1293 = arith.constant 32 : index
        %get3A_1294 = tpu.vector_load %get3A_1291[%get3A_1292, %get3A_1293] {strides = array<i32>} : memref<100x64xf32, #tpu.memory_space<vmem>>, vector<16xf32>,
        %mul3A_1295 = arith.mulf %get3A_1294, %get3A_1285 : vector<16xf32>
        %add3A_1296 = arith.addf %scan3A_1221, %mul3A_1295 : vector<16xf32>
        %add3A_1297 = arith.constant 50 : i32
        %add3A_1298 = arith.addi %add3A_1297, %scan3A_1216 : i32
        %get3A_1299 = arith.constant 0 : i32
        %get3A_1300 = arith.constant 0 : i32
        %get3A_1301 = tpu.memref_slice %arg8[%scan3A_570, %get3A_1299, %get3A_1300] : memref<8x100x64xf32, #tpu.memory_space<vmem>> -> memref<1x100x64xf32, #tpu.memory_space<vmem>>
        %get3A_1302 = tpu.memref_squeeze %get3A_1301 : memref<1x100x64xf32, #tpu.memory_space<vmem>> -> memref<100x64xf32, #tpu.memory_space<vmem>>
        %get3A_1303 = arith.index_cast %add3A_1298 : i32 to index
        %get3A_1304 = arith.constant 32 : index
        %get3A_1305 = tpu.vector_load %get3A_1302[%get3A_1303, %get3A_1304] {strides = array<i32>} : memref<100x64xf32, #tpu.memory_space<vmem>>, vector<16xf32>,
        %mul3A_1306 = arith.mulf %get3A_1305, %get3A_1285 : vector<16xf32>
        %add3A_1307 = arith.addf %scan3A_1222, %mul3A_1306 : vector<16xf32>
        %mul3A_1308 = arith.constant 64 : i32
        %mul3A_1309 = arith.muli %scan3A_1216, %mul3A_1308 : i32
        %add3A_1310 = arith.constant 48 : i32
        %add3A_1311 = arith.addi %mul3A_1309, %add3A_1310 : i32
        %get3A_1312 = arith.index_cast %add3A_1311 : i32 to index
        %get3A_1313 = tpu.vector_load %arg7[%get3A_1312] {strides = array<i32>} : memref<3200xf32, #tpu.memory_space<vmem>>, vector<16xf32>,
        %add3A_1314 = arith.constant 0 : i32
        %add3A_1315 = arith.addi %add3A_1314, %scan3A_1216 : i32
        %get3A_1316 = arith.constant 0 : i32
        %get3A_1317 = arith.constant 0 : i32
        %get3A_1318 = tpu.memref_slice %arg8[%scan3A_570, %get3A_1316, %get3A_1317] : memref<8x100x64xf32, #tpu.memory_space<vmem>> -> memref<1x100x64xf32, #tpu.memory_space<vmem>>
        %get3A_1319 = tpu.memref_squeeze %get3A_1318 : memref<1x100x64xf32, #tpu.memory_space<vmem>> -> memref<100x64xf32, #tpu.memory_space<vmem>>
        %get3A_1320 = arith.index_cast %add3A_1315 : i32 to index
        %get3A_1321 = arith.constant 48 : index
        %get3A_1322 = tpu.vector_load %get3A_1319[%get3A_1320, %get3A_1321] {strides = array<i32>} : memref<100x64xf32, #tpu.memory_space<vmem>>, vector<16xf32>,
        %mul3A_1323 = arith.mulf %get3A_1322, %get3A_1313 : vector<16xf32>
        %add3A_1324 = arith.addf %scan3A_1223, %mul3A_1323 : vector<16xf32>
        %add3A_1325 = arith.constant 50 : i32
        %add3A_1326 = arith.addi %add3A_1325, %scan3A_1216 : i32
        %get3A_1327 = arith.constant 0 : i32
        %get3A_1328 = arith.constant 0 : i32
        %get3A_1329 = tpu.memref_slice %arg8[%scan3A_570, %get3A_1327, %get3A_1328] : memref<8x100x64xf32, #tpu.memory_space<vmem>> -> memref<1x100x64xf32, #tpu.memory_space<vmem>>
        %get3A_1330 = tpu.memref_squeeze %get3A_1329 : memref<1x100x64xf32, #tpu.memory_space<vmem>> -> memref<100x64xf32, #tpu.memory_space<vmem>>
        %get3A_1331 = arith.index_cast %add3A_1326 : i32 to index
        %get3A_1332 = arith.constant 48 : index
        %get3A_1333 = tpu.vector_load %get3A_1330[%get3A_1331, %get3A_1332] {strides = array<i32>} : memref<100x64xf32, #tpu.memory_space<vmem>>, vector<16xf32>,
        %mul3A_1334 = arith.mulf %get3A_1333, %get3A_1313 : vector<16xf32>
        %add3A_1335 = arith.addf %scan3A_1224, %mul3A_1334 : vector<16xf32>
        scf.yield %add3A_1240, %add3A_1251, %add3A_1268, %add3A_1279, %add3A_1296, %add3A_1307, %add3A_1324, %add3A_1335 : vector<16xf32>, vector<16xf32>, vector<16xf32>, vector<16xf32>, vector<16xf32>, vector<16xf32>, vector<16xf32>, vector<16xf32>
      }
      %scan3A_576 = arith.constant 50 : i32
      %mul3A_577 = arith.constant 2.000000e-02 : f32
      %mul3A_578 = vector.broadcast %mul3A_577 : f32 to vector<16xf32>
      %mul3A_579 = arith.mulf %scan3A_575#0, %mul3A_578 : vector<16xf32>
      %add3A_580 = arith.constant 0 : i32
      %add3A_581 = arith.addi %mul3A_553, %add3A_580 : i32
      %mul3A_582 = arith.constant 64 : i32
      %mul3A_583 = arith.muli %add3A_581, %mul3A_582 : i32
      %add3A_584 = arith.constant 0 : i32
      %add3A_585 = arith.addi %mul3A_583, %add3A_584 : i32
      %swap3A_586 = arith.index_cast %add3A_585 : i32 to index
      %swap3A_587 = tpu.vector_load %arg9[%swap3A_586] {strides = array<i32>} : memref<8192xf32, #tpu.memory_space<vmem>>, vector<16xf32>,
      tpu.vector_store %arg9[%swap3A_586], %mul3A_579 {strides = array<i32>} : memref<8192xf32, #tpu.memory_space<vmem>>, vector<16xf32>,
      %mul3A_588 = arith.constant 2.000000e-02 : f32
      %mul3A_589 = vector.broadcast %mul3A_588 : f32 to vector<16xf32>
      %mul3A_590 = arith.mulf %scan3A_575#1, %mul3A_589 : vector<16xf32>
      %add3A_591 = arith.constant 1 : i32
      %add3A_592 = arith.addi %mul3A_553, %add3A_591 : i32
      %mul3A_593 = arith.constant 64 : i32
      %mul3A_594 = arith.muli %add3A_592, %mul3A_593 : i32
      %add3A_595 = arith.constant 0 : i32
      %add3A_596 = arith.addi %mul3A_594, %add3A_595 : i32
      %swap3A_597 = arith.index_cast %add3A_596 : i32 to index
      %swap3A_598 = tpu.vector_load %arg9[%swap3A_597] {strides = array<i32>} : memref<8192xf32, #tpu.memory_space<vmem>>, vector<16xf32>,
      tpu.vector_store %arg9[%swap3A_597], %mul3A_590 {strides = array<i32>} : memref<8192xf32, #tpu.memory_space<vmem>>, vector<16xf32>,
      %mul3A_599 = arith.constant 2.000000e-02 : f32
      %mul3A_600 = vector.broadcast %mul3A_599 : f32 to vector<16xf32>
      %mul3A_601 = arith.mulf %scan3A_575#2, %mul3A_600 : vector<16xf32>
      %add3A_602 = arith.constant 0 : i32
      %add3A_603 = arith.addi %mul3A_553, %add3A_602 : i32
      %mul3A_604 = arith.constant 64 : i32
      %mul3A_605 = arith.muli %add3A_603, %mul3A_604 : i32
      %add3A_606 = arith.constant 16 : i32
      %add3A_607 = arith.addi %mul3A_605, %add3A_606 : i32
      %swap3A_608 = arith.index_cast %add3A_607 : i32 to index
      %swap3A_609 = tpu.vector_load %arg9[%swap3A_608] {strides = array<i32>} : memref<8192xf32, #tpu.memory_space<vmem>>, vector<16xf32>,
      tpu.vector_store %arg9[%swap3A_608], %mul3A_601 {strides = array<i32>} : memref<8192xf32, #tpu.memory_space<vmem>>, vector<16xf32>,
      %mul3A_610 = arith.constant 2.000000e-02 : f32
      %mul3A_611 = vector.broadcast %mul3A_610 : f32 to vector<16xf32>
      %mul3A_612 = arith.mulf %scan3A_575#3, %mul3A_611 : vector<16xf32>
      %add3A_613 = arith.constant 1 : i32
      %add3A_614 = arith.addi %mul3A_553, %add3A_613 : i32
      %mul3A_615 = arith.constant 64 : i32
      %mul3A_616 = arith.muli %add3A_614, %mul3A_615 : i32
      %add3A_617 = arith.constant 16 : i32
      %add3A_618 = arith.addi %mul3A_616, %add3A_617 : i32
      %swap3A_619 = arith.index_cast %add3A_618 : i32 to index
      %swap3A_620 = tpu.vector_load %arg9[%swap3A_619] {strides = array<i32>} : memref<8192xf32, #tpu.memory_space<vmem>>, vector<16xf32>,
      tpu.vector_store %arg9[%swap3A_619], %mul3A_612 {strides = array<i32>} : memref<8192xf32, #tpu.memory_space<vmem>>, vector<16xf32>,
      %mul3A_621 = arith.constant 2.000000e-02 : f32
      %mul3A_622 = vector.broadcast %mul3A_621 : f32 to vector<16xf32>
      %mul3A_623 = arith.mulf %scan3A_575#4, %mul3A_622 : vector<16xf32>
      %add3A_624 = arith.constant 0 : i32
      %add3A_625 = arith.addi %mul3A_553, %add3A_624 : i32
      %mul3A_626 = arith.constant 64 : i32
      %mul3A_627 = arith.muli %add3A_625, %mul3A_626 : i32
      %add3A_628 = arith.constant 32 : i32
      %add3A_629 = arith.addi %mul3A_627, %add3A_628 : i32
      %swap3A_630 = arith.index_cast %add3A_629 : i32 to index
      %swap3A_631 = tpu.vector_load %arg9[%swap3A_630] {strides = array<i32>} : memref<8192xf32, #tpu.memory_space<vmem>>, vector<16xf32>,
      tpu.vector_store %arg9[%swap3A_630], %mul3A_623 {strides = array<i32>} : memref<8192xf32, #tpu.memory_space<vmem>>, vector<16xf32>,
      %mul3A_632 = arith.constant 2.000000e-02 : f32
      %mul3A_633 = vector.broadcast %mul3A_632 : f32 to vector<16xf32>
      %mul3A_634 = arith.mulf %scan3A_575#5, %mul3A_633 : vector<16xf32>
      %add3A_635 = arith.constant 1 : i32
      %add3A_636 = arith.addi %mul3A_553, %add3A_635 : i32
      %mul3A_637 = arith.constant 64 : i32
      %mul3A_638 = arith.muli %add3A_636, %mul3A_637 : i32
      %add3A_639 = arith.constant 32 : i32
      %add3A_640 = arith.addi %mul3A_638, %add3A_639 : i32
      %swap3A_641 = arith.index_cast %add3A_640 : i32 to index
      %swap3A_642 = tpu.vector_load %arg9[%swap3A_641] {strides = array<i32>} : memref<8192xf32, #tpu.memory_space<vmem>>, vector<16xf32>,
      tpu.vector_store %arg9[%swap3A_641], %mul3A_634 {strides = array<i32>} : memref<8192xf32, #tpu.memory_space<vmem>>, vector<16xf32>,
      %mul3A_643 = arith.constant 2.000000e-02 : f32
      %mul3A_644 = vector.broadcast %mul3A_643 : f32 to vector<16xf32>
      %mul3A_645 = arith.mulf %scan3A_575#6, %mul3A_644 : vector<16xf32>
      %add3A_646 = arith.constant 0 : i32
      %add3A_647 = arith.addi %mul3A_553, %add3A_646 : i32
      %mul3A_648 = arith.constant 64 : i32
      %mul3A_649 = arith.muli %add3A_647, %mul3A_648 : i32
      %add3A_650 = arith.constant 48 : i32
      %add3A_651 = arith.addi %mul3A_649, %add3A_650 : i32
      %swap3A_652 = arith.index_cast %add3A_651 : i32 to index
      %swap3A_653 = tpu.vector_load %arg9[%swap3A_652] {strides = array<i32>} : memref<8192xf32, #tpu.memory_space<vmem>>, vector<16xf32>,
      tpu.vector_store %arg9[%swap3A_652], %mul3A_645 {strides = array<i32>} : memref<8192xf32, #tpu.memory_space<vmem>>, vector<16xf32>,
      %mul3A_654 = arith.constant 2.000000e-02 : f32
      %mul3A_655 = vector.broadcast %mul3A_654 : f32 to vector<16xf32>
      %mul3A_656 = arith.mulf %scan3A_575#7, %mul3A_655 : vector<16xf32>
      %add3A_657 = arith.constant 1 : i32
      %add3A_658 = arith.addi %mul3A_553, %add3A_657 : i32
      %mul3A_659 = arith.constant 64 : i32
      %mul3A_660 = arith.muli %add3A_658, %mul3A_659 : i32
      %add3A_661 = arith.constant 48 : i32
      %add3A_662 = arith.addi %mul3A_660, %add3A_661 : i32
      %swap3A_663 = arith.index_cast %add3A_662 : i32 to index
      %swap3A_664 = tpu.vector_load %arg9[%swap3A_663] {strides = array<i32>} : memref<8192xf32, #tpu.memory_space<vmem>>, vector<16xf32>,
      tpu.vector_store %arg9[%swap3A_663], %mul3A_656 {strides = array<i32>} : memref<8192xf32, #tpu.memory_space<vmem>>, vector<16xf32>,
      %add3A_665 = arith.constant 8 : i32
      %add3A_666 = arith.addi %add3A_537, %add3A_665 : i32
      %lt3A_667 = arith.constant 64 : i32
      %lt3A_668 = arith.cmpi slt, %add3A_666, %lt3A_667 : i32
      %convert_element_type3A_669 = arith.extui %lt3A_668 : i1 to i32
      %cond3A_670 = arith.constant 0 : i32
      %cond3A_671 = arith.cmpi ne, %convert_element_type3A_669, %cond3A_670 : i32
      scf.if %cond3A_671 {
        %dma_start3A_1216 = arith.constant 3 : i32
        %dma_start3A_1217 = arith.constant 3 : i32
        %dma_start3A_1218 = arith.constant 0 : i32
        %dma_start3A_1219 = arith.constant 0 : i32
        %dma_start3A_1220 = tpu.memref_slice %arg8[%dma_start3A_1216, %dma_start3A_1218, %dma_start3A_1219] : memref<8x100x64xf32, #tpu.memory_space<vmem>> -> memref<1x100x64xf32, #tpu.memory_space<vmem>>
        %dma_start3A_1221 = tpu.memref_squeeze %dma_start3A_1220 : memref<1x100x64xf32, #tpu.memory_space<vmem>> -> memref<100x64xf32, #tpu.memory_space<vmem>>
        %dma_start3A_1222 = arith.constant 0 : i32
        %dma_start3A_1223 = tpu.memref_slice %arg6[%add3A_666, %dma_start3A_1222] : memref<64x100xi32, #tpu.memory_space<vmem>> -> memref<1x100xi32, #tpu.memory_space<vmem>>
        %dma_start3A_1224 = tpu.memref_squeeze %dma_start3A_1223 : memref<1x100xi32, #tpu.memory_space<vmem>> -> memref<100xi32, #tpu.memory_space<vmem>>
        %dma_start3A_1225 = arith.constant 0 : i32
        %dma_start3A_1226 = arith.constant 0 : i32
        %dma_start3A_1227 = tpu.memref_slice %arg2[%dma_start3A_1225, %dma_start3A_1226] : memref<1000000x64xf32, #tpu.memory_space<hbm>> -> memref<1000000x64xf32, #tpu.memory_space<hbm>>
        %dma_start3A_1228 = tpu.memref_slice %arg12[%dma_start3A_1217] : memref<8x!tpu.dma_semaphore, #tpu.memory_space<semaphore_mem>> -> memref<1x!tpu.dma_semaphore, #tpu.memory_space<semaphore_mem>>
        %dma_start3A_1229 = tpu.memref_squeeze %dma_start3A_1228 : memref<1x!tpu.dma_semaphore, #tpu.memory_space<semaphore_mem>> -> memref<!tpu.dma_semaphore, #tpu.memory_space<semaphore_mem>>
        tpu.enqueue_indirect_dma source(%dma_start3A_1227 : memref<1000000x64xf32, #tpu.memory_space<hbm>>) target(%dma_start3A_1221 : memref<100x64xf32, #tpu.memory_space<vmem>>) offsets(%dma_start3A_1224 : memref<100xi32, #tpu.memory_space<vmem>>) semaphore(%dma_start3A_1229 : memref<!tpu.dma_semaphore, #tpu.memory_space<semaphore_mem>>)
      } else {
      }
      %add3A_672 = arith.constant 4 : i32
      %add3A_673 = arith.addi %mul3A_133, %add3A_672 : i32
      %dma_wait3A_674 = arith.constant 4 : i32
      %dma_wait3A_675 = arith.constant 4 : i32
      %dma_wait3A_676 = arith.constant 0 : i32
      %dma_wait3A_677 = arith.constant 0 : i32
      %dma_wait3A_678 = tpu.memref_slice %arg8[%dma_wait3A_674, %dma_wait3A_676, %dma_wait3A_677] : memref<8x100x64xf32, #tpu.memory_space<vmem>> -> memref<1x100x64xf32, #tpu.memory_space<vmem>>
      %dma_wait3A_679 = tpu.memref_squeeze %dma_wait3A_678 : memref<1x100x64xf32, #tpu.memory_space<vmem>> -> memref<100x64xf32, #tpu.memory_space<vmem>>
      %dma_wait3A_680 = arith.constant 0 : i32
      %dma_wait3A_681 = tpu.memref_slice %arg6[%add3A_673, %dma_wait3A_680] : memref<64x100xi32, #tpu.memory_space<vmem>> -> memref<1x100xi32, #tpu.memory_space<vmem>>
      %dma_wait3A_682 = tpu.memref_squeeze %dma_wait3A_681 : memref<1x100xi32, #tpu.memory_space<vmem>> -> memref<100xi32, #tpu.memory_space<vmem>>
      %dma_wait3A_683 = arith.constant 0 : i32
      %dma_wait3A_684 = arith.constant 0 : i32
      %dma_wait3A_685 = tpu.memref_slice %arg2[%dma_wait3A_683, %dma_wait3A_684] : memref<1000000x64xf32, #tpu.memory_space<hbm>> -> memref<1000000x64xf32, #tpu.memory_space<hbm>>
      %dma_wait3A_686 = tpu.memref_slice %arg12[%dma_wait3A_675] : memref<8x!tpu.dma_semaphore, #tpu.memory_space<semaphore_mem>> -> memref<1x!tpu.dma_semaphore, #tpu.memory_space<semaphore_mem>>
      %dma_wait3A_687 = tpu.memref_squeeze %dma_wait3A_686 : memref<1x!tpu.dma_semaphore, #tpu.memory_space<semaphore_mem>> -> memref<!tpu.dma_semaphore, #tpu.memory_space<semaphore_mem>>
      tpu.wait_indirect_dma semaphore(%dma_wait3A_687 : memref<!tpu.dma_semaphore, #tpu.memory_space<semaphore_mem>>) src(%dma_wait3A_685 : memref<1000000x64xf32, #tpu.memory_space<hbm>>) dst(%dma_wait3A_679 : memref<100x64xf32, #tpu.memory_space<vmem>>)
      %mul3A_688 = arith.constant 2 : i32
      %mul3A_689 = arith.muli %add3A_673, %mul3A_688 : i32
      %broadcast_in_dim3A_690 = arith.constant 0.000000e+00 : f32
      %broadcast_in_dim3A_691 = vector.broadcast %broadcast_in_dim3A_690 : f32 to vector<16xf32>
      %broadcast_in_dim3A_692 = arith.constant 0.000000e+00 : f32
      %broadcast_in_dim3A_693 = vector.broadcast %broadcast_in_dim3A_692 : f32 to vector<16xf32>
      %broadcast_in_dim3A_694 = arith.constant 0.000000e+00 : f32
      %broadcast_in_dim3A_695 = vector.broadcast %broadcast_in_dim3A_694 : f32 to vector<16xf32>
      %broadcast_in_dim3A_696 = arith.constant 0.000000e+00 : f32
      %broadcast_in_dim3A_697 = vector.broadcast %broadcast_in_dim3A_696 : f32 to vector<16xf32>
      %broadcast_in_dim3A_698 = arith.constant 0.000000e+00 : f32
      %broadcast_in_dim3A_699 = vector.broadcast %broadcast_in_dim3A_698 : f32 to vector<16xf32>
      %broadcast_in_dim3A_700 = arith.constant 0.000000e+00 : f32
      %broadcast_in_dim3A_701 = vector.broadcast %broadcast_in_dim3A_700 : f32 to vector<16xf32>
      %broadcast_in_dim3A_702 = arith.constant 0.000000e+00 : f32
      %broadcast_in_dim3A_703 = vector.broadcast %broadcast_in_dim3A_702 : f32 to vector<16xf32>
      %broadcast_in_dim3A_704 = arith.constant 0.000000e+00 : f32
      %broadcast_in_dim3A_705 = vector.broadcast %broadcast_in_dim3A_704 : f32 to vector<16xf32>
      %scan3A_706 = arith.constant 4 : i32
      %scan3A_707 = arith.constant 0 : i32
      %scan3A_708 = arith.constant 50 : i32
      %scan3A_709 = arith.addi %scan3A_707, %scan3A_708 : i32
      %scan3A_710 = arith.constant 1 : i32
      %scan3A_711:8 = scf.for %scan3A_1216 = %scan3A_707 to %scan3A_709 step %scan3A_710 iter_args(%scan3A_1217 = %broadcast_in_dim3A_691, %scan3A_1218 = %broadcast_in_dim3A_693, %scan3A_1219 = %broadcast_in_dim3A_695, %scan3A_1220 = %broadcast_in_dim3A_697, %scan3A_1221 = %broadcast_in_dim3A_699, %scan3A_1222 = %broadcast_in_dim3A_701, %scan3A_1223 = %broadcast_in_dim3A_703, %scan3A_1224 = %broadcast_in_dim3A_705) -> (vector<16xf32>, vector<16xf32>, vector<16xf32>, vector<16xf32>, vector<16xf32>, vector<16xf32>, vector<16xf32>, vector<16xf32>)  : i32 {
        %mul3A_1225 = arith.constant 64 : i32
        %mul3A_1226 = arith.muli %scan3A_1216, %mul3A_1225 : i32
        %add3A_1227 = arith.constant 0 : i32
        %add3A_1228 = arith.addi %mul3A_1226, %add3A_1227 : i32
        %get3A = arith.index_cast %add3A_1228 : i32 to index
        %get3A_1229 = tpu.vector_load %arg7[%get3A] {strides = array<i32>} : memref<3200xf32, #tpu.memory_space<vmem>>, vector<16xf32>,
        %add3A_1230 = arith.constant 0 : i32
        %add3A_1231 = arith.addi %add3A_1230, %scan3A_1216 : i32
        %get3A_1232 = arith.constant 0 : i32
        %get3A_1233 = arith.constant 0 : i32
        %get3A_1234 = tpu.memref_slice %arg8[%scan3A_706, %get3A_1232, %get3A_1233] : memref<8x100x64xf32, #tpu.memory_space<vmem>> -> memref<1x100x64xf32, #tpu.memory_space<vmem>>
        %get3A_1235 = tpu.memref_squeeze %get3A_1234 : memref<1x100x64xf32, #tpu.memory_space<vmem>> -> memref<100x64xf32, #tpu.memory_space<vmem>>
        %get3A_1236 = arith.index_cast %add3A_1231 : i32 to index
        %get3A_1237 = arith.constant 0 : index
        %get3A_1238 = tpu.vector_load %get3A_1235[%get3A_1236, %get3A_1237] {strides = array<i32>} : memref<100x64xf32, #tpu.memory_space<vmem>>, vector<16xf32>,
        %mul3A_1239 = arith.mulf %get3A_1238, %get3A_1229 : vector<16xf32>
        %add3A_1240 = arith.addf %scan3A_1217, %mul3A_1239 : vector<16xf32>
        %add3A_1241 = arith.constant 50 : i32
        %add3A_1242 = arith.addi %add3A_1241, %scan3A_1216 : i32
        %get3A_1243 = arith.constant 0 : i32
        %get3A_1244 = arith.constant 0 : i32
        %get3A_1245 = tpu.memref_slice %arg8[%scan3A_706, %get3A_1243, %get3A_1244] : memref<8x100x64xf32, #tpu.memory_space<vmem>> -> memref<1x100x64xf32, #tpu.memory_space<vmem>>
        %get3A_1246 = tpu.memref_squeeze %get3A_1245 : memref<1x100x64xf32, #tpu.memory_space<vmem>> -> memref<100x64xf32, #tpu.memory_space<vmem>>
        %get3A_1247 = arith.index_cast %add3A_1242 : i32 to index
        %get3A_1248 = arith.constant 0 : index
        %get3A_1249 = tpu.vector_load %get3A_1246[%get3A_1247, %get3A_1248] {strides = array<i32>} : memref<100x64xf32, #tpu.memory_space<vmem>>, vector<16xf32>,
        %mul3A_1250 = arith.mulf %get3A_1249, %get3A_1229 : vector<16xf32>
        %add3A_1251 = arith.addf %scan3A_1218, %mul3A_1250 : vector<16xf32>
        %mul3A_1252 = arith.constant 64 : i32
        %mul3A_1253 = arith.muli %scan3A_1216, %mul3A_1252 : i32
        %add3A_1254 = arith.constant 16 : i32
        %add3A_1255 = arith.addi %mul3A_1253, %add3A_1254 : i32
        %get3A_1256 = arith.index_cast %add3A_1255 : i32 to index
        %get3A_1257 = tpu.vector_load %arg7[%get3A_1256] {strides = array<i32>} : memref<3200xf32, #tpu.memory_space<vmem>>, vector<16xf32>,
        %add3A_1258 = arith.constant 0 : i32
        %add3A_1259 = arith.addi %add3A_1258, %scan3A_1216 : i32
        %get3A_1260 = arith.constant 0 : i32
        %get3A_1261 = arith.constant 0 : i32
        %get3A_1262 = tpu.memref_slice %arg8[%scan3A_706, %get3A_1260, %get3A_1261] : memref<8x100x64xf32, #tpu.memory_space<vmem>> -> memref<1x100x64xf32, #tpu.memory_space<vmem>>
        %get3A_1263 = tpu.memref_squeeze %get3A_1262 : memref<1x100x64xf32, #tpu.memory_space<vmem>> -> memref<100x64xf32, #tpu.memory_space<vmem>>
        %get3A_1264 = arith.index_cast %add3A_1259 : i32 to index
        %get3A_1265 = arith.constant 16 : index
        %get3A_1266 = tpu.vector_load %get3A_1263[%get3A_1264, %get3A_1265] {strides = array<i32>} : memref<100x64xf32, #tpu.memory_space<vmem>>, vector<16xf32>,
        %mul3A_1267 = arith.mulf %get3A_1266, %get3A_1257 : vector<16xf32>
        %add3A_1268 = arith.addf %scan3A_1219, %mul3A_1267 : vector<16xf32>
        %add3A_1269 = arith.constant 50 : i32
        %add3A_1270 = arith.addi %add3A_1269, %scan3A_1216 : i32
        %get3A_1271 = arith.constant 0 : i32
        %get3A_1272 = arith.constant 0 : i32
        %get3A_1273 = tpu.memref_slice %arg8[%scan3A_706, %get3A_1271, %get3A_1272] : memref<8x100x64xf32, #tpu.memory_space<vmem>> -> memref<1x100x64xf32, #tpu.memory_space<vmem>>
        %get3A_1274 = tpu.memref_squeeze %get3A_1273 : memref<1x100x64xf32, #tpu.memory_space<vmem>> -> memref<100x64xf32, #tpu.memory_space<vmem>>
        %get3A_1275 = arith.index_cast %add3A_1270 : i32 to index
        %get3A_1276 = arith.constant 16 : index
        %get3A_1277 = tpu.vector_load %get3A_1274[%get3A_1275, %get3A_1276] {strides = array<i32>} : memref<100x64xf32, #tpu.memory_space<vmem>>, vector<16xf32>,
        %mul3A_1278 = arith.mulf %get3A_1277, %get3A_1257 : vector<16xf32>
        %add3A_1279 = arith.addf %scan3A_1220, %mul3A_1278 : vector<16xf32>
        %mul3A_1280 = arith.constant 64 : i32
        %mul3A_1281 = arith.muli %scan3A_1216, %mul3A_1280 : i32
        %add3A_1282 = arith.constant 32 : i32
        %add3A_1283 = arith.addi %mul3A_1281, %add3A_1282 : i32
        %get3A_1284 = arith.index_cast %add3A_1283 : i32 to index
        %get3A_1285 = tpu.vector_load %arg7[%get3A_1284] {strides = array<i32>} : memref<3200xf32, #tpu.memory_space<vmem>>, vector<16xf32>,
        %add3A_1286 = arith.constant 0 : i32
        %add3A_1287 = arith.addi %add3A_1286, %scan3A_1216 : i32
        %get3A_1288 = arith.constant 0 : i32
        %get3A_1289 = arith.constant 0 : i32
        %get3A_1290 = tpu.memref_slice %arg8[%scan3A_706, %get3A_1288, %get3A_1289] : memref<8x100x64xf32, #tpu.memory_space<vmem>> -> memref<1x100x64xf32, #tpu.memory_space<vmem>>
        %get3A_1291 = tpu.memref_squeeze %get3A_1290 : memref<1x100x64xf32, #tpu.memory_space<vmem>> -> memref<100x64xf32, #tpu.memory_space<vmem>>
        %get3A_1292 = arith.index_cast %add3A_1287 : i32 to index
        %get3A_1293 = arith.constant 32 : index
        %get3A_1294 = tpu.vector_load %get3A_1291[%get3A_1292, %get3A_1293] {strides = array<i32>} : memref<100x64xf32, #tpu.memory_space<vmem>>, vector<16xf32>,
        %mul3A_1295 = arith.mulf %get3A_1294, %get3A_1285 : vector<16xf32>
        %add3A_1296 = arith.addf %scan3A_1221, %mul3A_1295 : vector<16xf32>
        %add3A_1297 = arith.constant 50 : i32
        %add3A_1298 = arith.addi %add3A_1297, %scan3A_1216 : i32
        %get3A_1299 = arith.constant 0 : i32
        %get3A_1300 = arith.constant 0 : i32
        %get3A_1301 = tpu.memref_slice %arg8[%scan3A_706, %get3A_1299, %get3A_1300] : memref<8x100x64xf32, #tpu.memory_space<vmem>> -> memref<1x100x64xf32, #tpu.memory_space<vmem>>
        %get3A_1302 = tpu.memref_squeeze %get3A_1301 : memref<1x100x64xf32, #tpu.memory_space<vmem>> -> memref<100x64xf32, #tpu.memory_space<vmem>>
        %get3A_1303 = arith.index_cast %add3A_1298 : i32 to index
        %get3A_1304 = arith.constant 32 : index
        %get3A_1305 = tpu.vector_load %get3A_1302[%get3A_1303, %get3A_1304] {strides = array<i32>} : memref<100x64xf32, #tpu.memory_space<vmem>>, vector<16xf32>,
        %mul3A_1306 = arith.mulf %get3A_1305, %get3A_1285 : vector<16xf32>
        %add3A_1307 = arith.addf %scan3A_1222, %mul3A_1306 : vector<16xf32>
        %mul3A_1308 = arith.constant 64 : i32
        %mul3A_1309 = arith.muli %scan3A_1216, %mul3A_1308 : i32
        %add3A_1310 = arith.constant 48 : i32
        %add3A_1311 = arith.addi %mul3A_1309, %add3A_1310 : i32
        %get3A_1312 = arith.index_cast %add3A_1311 : i32 to index
        %get3A_1313 = tpu.vector_load %arg7[%get3A_1312] {strides = array<i32>} : memref<3200xf32, #tpu.memory_space<vmem>>, vector<16xf32>,
        %add3A_1314 = arith.constant 0 : i32
        %add3A_1315 = arith.addi %add3A_1314, %scan3A_1216 : i32
        %get3A_1316 = arith.constant 0 : i32
        %get3A_1317 = arith.constant 0 : i32
        %get3A_1318 = tpu.memref_slice %arg8[%scan3A_706, %get3A_1316, %get3A_1317] : memref<8x100x64xf32, #tpu.memory_space<vmem>> -> memref<1x100x64xf32, #tpu.memory_space<vmem>>
        %get3A_1319 = tpu.memref_squeeze %get3A_1318 : memref<1x100x64xf32, #tpu.memory_space<vmem>> -> memref<100x64xf32, #tpu.memory_space<vmem>>
        %get3A_1320 = arith.index_cast %add3A_1315 : i32 to index
        %get3A_1321 = arith.constant 48 : index
        %get3A_1322 = tpu.vector_load %get3A_1319[%get3A_1320, %get3A_1321] {strides = array<i32>} : memref<100x64xf32, #tpu.memory_space<vmem>>, vector<16xf32>,
        %mul3A_1323 = arith.mulf %get3A_1322, %get3A_1313 : vector<16xf32>
        %add3A_1324 = arith.addf %scan3A_1223, %mul3A_1323 : vector<16xf32>
        %add3A_1325 = arith.constant 50 : i32
        %add3A_1326 = arith.addi %add3A_1325, %scan3A_1216 : i32
        %get3A_1327 = arith.constant 0 : i32
        %get3A_1328 = arith.constant 0 : i32
        %get3A_1329 = tpu.memref_slice %arg8[%scan3A_706, %get3A_1327, %get3A_1328] : memref<8x100x64xf32, #tpu.memory_space<vmem>> -> memref<1x100x64xf32, #tpu.memory_space<vmem>>
        %get3A_1330 = tpu.memref_squeeze %get3A_1329 : memref<1x100x64xf32, #tpu.memory_space<vmem>> -> memref<100x64xf32, #tpu.memory_space<vmem>>
        %get3A_1331 = arith.index_cast %add3A_1326 : i32 to index
        %get3A_1332 = arith.constant 48 : index
        %get3A_1333 = tpu.vector_load %get3A_1330[%get3A_1331, %get3A_1332] {strides = array<i32>} : memref<100x64xf32, #tpu.memory_space<vmem>>, vector<16xf32>,
        %mul3A_1334 = arith.mulf %get3A_1333, %get3A_1313 : vector<16xf32>
        %add3A_1335 = arith.addf %scan3A_1224, %mul3A_1334 : vector<16xf32>
        scf.yield %add3A_1240, %add3A_1251, %add3A_1268, %add3A_1279, %add3A_1296, %add3A_1307, %add3A_1324, %add3A_1335 : vector<16xf32>, vector<16xf32>, vector<16xf32>, vector<16xf32>, vector<16xf32>, vector<16xf32>, vector<16xf32>, vector<16xf32>
      }
      %scan3A_712 = arith.constant 50 : i32
      %mul3A_713 = arith.constant 2.000000e-02 : f32
      %mul3A_714 = vector.broadcast %mul3A_713 : f32 to vector<16xf32>
      %mul3A_715 = arith.mulf %scan3A_711#0, %mul3A_714 : vector<16xf32>
      %add3A_716 = arith.constant 0 : i32
      %add3A_717 = arith.addi %mul3A_689, %add3A_716 : i32
      %mul3A_718 = arith.constant 64 : i32
      %mul3A_719 = arith.muli %add3A_717, %mul3A_718 : i32
      %add3A_720 = arith.constant 0 : i32
      %add3A_721 = arith.addi %mul3A_719, %add3A_720 : i32
      %swap3A_722 = arith.index_cast %add3A_721 : i32 to index
      %swap3A_723 = tpu.vector_load %arg9[%swap3A_722] {strides = array<i32>} : memref<8192xf32, #tpu.memory_space<vmem>>, vector<16xf32>,
      tpu.vector_store %arg9[%swap3A_722], %mul3A_715 {strides = array<i32>} : memref<8192xf32, #tpu.memory_space<vmem>>, vector<16xf32>,
      %mul3A_724 = arith.constant 2.000000e-02 : f32
      %mul3A_725 = vector.broadcast %mul3A_724 : f32 to vector<16xf32>
      %mul3A_726 = arith.mulf %scan3A_711#1, %mul3A_725 : vector<16xf32>
      %add3A_727 = arith.constant 1 : i32
      %add3A_728 = arith.addi %mul3A_689, %add3A_727 : i32
      %mul3A_729 = arith.constant 64 : i32
      %mul3A_730 = arith.muli %add3A_728, %mul3A_729 : i32
      %add3A_731 = arith.constant 0 : i32
      %add3A_732 = arith.addi %mul3A_730, %add3A_731 : i32
      %swap3A_733 = arith.index_cast %add3A_732 : i32 to index
      %swap3A_734 = tpu.vector_load %arg9[%swap3A_733] {strides = array<i32>} : memref<8192xf32, #tpu.memory_space<vmem>>, vector<16xf32>,
      tpu.vector_store %arg9[%swap3A_733], %mul3A_726 {strides = array<i32>} : memref<8192xf32, #tpu.memory_space<vmem>>, vector<16xf32>,
      %mul3A_735 = arith.constant 2.000000e-02 : f32
      %mul3A_736 = vector.broadcast %mul3A_735 : f32 to vector<16xf32>
      %mul3A_737 = arith.mulf %scan3A_711#2, %mul3A_736 : vector<16xf32>
      %add3A_738 = arith.constant 0 : i32
      %add3A_739 = arith.addi %mul3A_689, %add3A_738 : i32
      %mul3A_740 = arith.constant 64 : i32
      %mul3A_741 = arith.muli %add3A_739, %mul3A_740 : i32
      %add3A_742 = arith.constant 16 : i32
      %add3A_743 = arith.addi %mul3A_741, %add3A_742 : i32
      %swap3A_744 = arith.index_cast %add3A_743 : i32 to index
      %swap3A_745 = tpu.vector_load %arg9[%swap3A_744] {strides = array<i32>} : memref<8192xf32, #tpu.memory_space<vmem>>, vector<16xf32>,
      tpu.vector_store %arg9[%swap3A_744], %mul3A_737 {strides = array<i32>} : memref<8192xf32, #tpu.memory_space<vmem>>, vector<16xf32>,
      %mul3A_746 = arith.constant 2.000000e-02 : f32
      %mul3A_747 = vector.broadcast %mul3A_746 : f32 to vector<16xf32>
      %mul3A_748 = arith.mulf %scan3A_711#3, %mul3A_747 : vector<16xf32>
      %add3A_749 = arith.constant 1 : i32
      %add3A_750 = arith.addi %mul3A_689, %add3A_749 : i32
      %mul3A_751 = arith.constant 64 : i32
      %mul3A_752 = arith.muli %add3A_750, %mul3A_751 : i32
      %add3A_753 = arith.constant 16 : i32
      %add3A_754 = arith.addi %mul3A_752, %add3A_753 : i32
      %swap3A_755 = arith.index_cast %add3A_754 : i32 to index
      %swap3A_756 = tpu.vector_load %arg9[%swap3A_755] {strides = array<i32>} : memref<8192xf32, #tpu.memory_space<vmem>>, vector<16xf32>,
      tpu.vector_store %arg9[%swap3A_755], %mul3A_748 {strides = array<i32>} : memref<8192xf32, #tpu.memory_space<vmem>>, vector<16xf32>,
      %mul3A_757 = arith.constant 2.000000e-02 : f32
      %mul3A_758 = vector.broadcast %mul3A_757 : f32 to vector<16xf32>
      %mul3A_759 = arith.mulf %scan3A_711#4, %mul3A_758 : vector<16xf32>
      %add3A_760 = arith.constant 0 : i32
      %add3A_761 = arith.addi %mul3A_689, %add3A_760 : i32
      %mul3A_762 = arith.constant 64 : i32
      %mul3A_763 = arith.muli %add3A_761, %mul3A_762 : i32
      %add3A_764 = arith.constant 32 : i32
      %add3A_765 = arith.addi %mul3A_763, %add3A_764 : i32
      %swap3A_766 = arith.index_cast %add3A_765 : i32 to index
      %swap3A_767 = tpu.vector_load %arg9[%swap3A_766] {strides = array<i32>} : memref<8192xf32, #tpu.memory_space<vmem>>, vector<16xf32>,
      tpu.vector_store %arg9[%swap3A_766], %mul3A_759 {strides = array<i32>} : memref<8192xf32, #tpu.memory_space<vmem>>, vector<16xf32>,
      %mul3A_768 = arith.constant 2.000000e-02 : f32
      %mul3A_769 = vector.broadcast %mul3A_768 : f32 to vector<16xf32>
      %mul3A_770 = arith.mulf %scan3A_711#5, %mul3A_769 : vector<16xf32>
      %add3A_771 = arith.constant 1 : i32
      %add3A_772 = arith.addi %mul3A_689, %add3A_771 : i32
      %mul3A_773 = arith.constant 64 : i32
      %mul3A_774 = arith.muli %add3A_772, %mul3A_773 : i32
      %add3A_775 = arith.constant 32 : i32
      %add3A_776 = arith.addi %mul3A_774, %add3A_775 : i32
      %swap3A_777 = arith.index_cast %add3A_776 : i32 to index
      %swap3A_778 = tpu.vector_load %arg9[%swap3A_777] {strides = array<i32>} : memref<8192xf32, #tpu.memory_space<vmem>>, vector<16xf32>,
      tpu.vector_store %arg9[%swap3A_777], %mul3A_770 {strides = array<i32>} : memref<8192xf32, #tpu.memory_space<vmem>>, vector<16xf32>,
      %mul3A_779 = arith.constant 2.000000e-02 : f32
      %mul3A_780 = vector.broadcast %mul3A_779 : f32 to vector<16xf32>
      %mul3A_781 = arith.mulf %scan3A_711#6, %mul3A_780 : vector<16xf32>
      %add3A_782 = arith.constant 0 : i32
      %add3A_783 = arith.addi %mul3A_689, %add3A_782 : i32
      %mul3A_784 = arith.constant 64 : i32
      %mul3A_785 = arith.muli %add3A_783, %mul3A_784 : i32
      %add3A_786 = arith.constant 48 : i32
      %add3A_787 = arith.addi %mul3A_785, %add3A_786 : i32
      %swap3A_788 = arith.index_cast %add3A_787 : i32 to index
      %swap3A_789 = tpu.vector_load %arg9[%swap3A_788] {strides = array<i32>} : memref<8192xf32, #tpu.memory_space<vmem>>, vector<16xf32>,
      tpu.vector_store %arg9[%swap3A_788], %mul3A_781 {strides = array<i32>} : memref<8192xf32, #tpu.memory_space<vmem>>, vector<16xf32>,
      %mul3A_790 = arith.constant 2.000000e-02 : f32
      %mul3A_791 = vector.broadcast %mul3A_790 : f32 to vector<16xf32>
      %mul3A_792 = arith.mulf %scan3A_711#7, %mul3A_791 : vector<16xf32>
      %add3A_793 = arith.constant 1 : i32
      %add3A_794 = arith.addi %mul3A_689, %add3A_793 : i32
      %mul3A_795 = arith.constant 64 : i32
      %mul3A_796 = arith.muli %add3A_794, %mul3A_795 : i32
      %add3A_797 = arith.constant 48 : i32
      %add3A_798 = arith.addi %mul3A_796, %add3A_797 : i32
      %swap3A_799 = arith.index_cast %add3A_798 : i32 to index
      %swap3A_800 = tpu.vector_load %arg9[%swap3A_799] {strides = array<i32>} : memref<8192xf32, #tpu.memory_space<vmem>>, vector<16xf32>,
      tpu.vector_store %arg9[%swap3A_799], %mul3A_792 {strides = array<i32>} : memref<8192xf32, #tpu.memory_space<vmem>>, vector<16xf32>,
      %add3A_801 = arith.constant 8 : i32
      %add3A_802 = arith.addi %add3A_673, %add3A_801 : i32
      %lt3A_803 = arith.constant 64 : i32
      %lt3A_804 = arith.cmpi slt, %add3A_802, %lt3A_803 : i32
      %convert_element_type3A_805 = arith.extui %lt3A_804 : i1 to i32
      %cond3A_806 = arith.constant 0 : i32
      %cond3A_807 = arith.cmpi ne, %convert_element_type3A_805, %cond3A_806 : i32
      scf.if %cond3A_807 {
        %dma_start3A_1216 = arith.constant 4 : i32
        %dma_start3A_1217 = arith.constant 4 : i32
        %dma_start3A_1218 = arith.constant 0 : i32
        %dma_start3A_1219 = arith.constant 0 : i32
        %dma_start3A_1220 = tpu.memref_slice %arg8[%dma_start3A_1216, %dma_start3A_1218, %dma_start3A_1219] : memref<8x100x64xf32, #tpu.memory_space<vmem>> -> memref<1x100x64xf32, #tpu.memory_space<vmem>>
        %dma_start3A_1221 = tpu.memref_squeeze %dma_start3A_1220 : memref<1x100x64xf32, #tpu.memory_space<vmem>> -> memref<100x64xf32, #tpu.memory_space<vmem>>
        %dma_start3A_1222 = arith.constant 0 : i32
        %dma_start3A_1223 = tpu.memref_slice %arg6[%add3A_802, %dma_start3A_1222] : memref<64x100xi32, #tpu.memory_space<vmem>> -> memref<1x100xi32, #tpu.memory_space<vmem>>
        %dma_start3A_1224 = tpu.memref_squeeze %dma_start3A_1223 : memref<1x100xi32, #tpu.memory_space<vmem>> -> memref<100xi32, #tpu.memory_space<vmem>>
        %dma_start3A_1225 = arith.constant 0 : i32
        %dma_start3A_1226 = arith.constant 0 : i32
        %dma_start3A_1227 = tpu.memref_slice %arg2[%dma_start3A_1225, %dma_start3A_1226] : memref<1000000x64xf32, #tpu.memory_space<hbm>> -> memref<1000000x64xf32, #tpu.memory_space<hbm>>
        %dma_start3A_1228 = tpu.memref_slice %arg12[%dma_start3A_1217] : memref<8x!tpu.dma_semaphore, #tpu.memory_space<semaphore_mem>> -> memref<1x!tpu.dma_semaphore, #tpu.memory_space<semaphore_mem>>
        %dma_start3A_1229 = tpu.memref_squeeze %dma_start3A_1228 : memref<1x!tpu.dma_semaphore, #tpu.memory_space<semaphore_mem>> -> memref<!tpu.dma_semaphore, #tpu.memory_space<semaphore_mem>>
        tpu.enqueue_indirect_dma source(%dma_start3A_1227 : memref<1000000x64xf32, #tpu.memory_space<hbm>>) target(%dma_start3A_1221 : memref<100x64xf32, #tpu.memory_space<vmem>>) offsets(%dma_start3A_1224 : memref<100xi32, #tpu.memory_space<vmem>>) semaphore(%dma_start3A_1229 : memref<!tpu.dma_semaphore, #tpu.memory_space<semaphore_mem>>)
      } else {
      }
      %add3A_808 = arith.constant 5 : i32
      %add3A_809 = arith.addi %mul3A_133, %add3A_808 : i32
      %dma_wait3A_810 = arith.constant 5 : i32
      %dma_wait3A_811 = arith.constant 5 : i32
      %dma_wait3A_812 = arith.constant 0 : i32
      %dma_wait3A_813 = arith.constant 0 : i32
      %dma_wait3A_814 = tpu.memref_slice %arg8[%dma_wait3A_810, %dma_wait3A_812, %dma_wait3A_813] : memref<8x100x64xf32, #tpu.memory_space<vmem>> -> memref<1x100x64xf32, #tpu.memory_space<vmem>>
      %dma_wait3A_815 = tpu.memref_squeeze %dma_wait3A_814 : memref<1x100x64xf32, #tpu.memory_space<vmem>> -> memref<100x64xf32, #tpu.memory_space<vmem>>
      %dma_wait3A_816 = arith.constant 0 : i32
      %dma_wait3A_817 = tpu.memref_slice %arg6[%add3A_809, %dma_wait3A_816] : memref<64x100xi32, #tpu.memory_space<vmem>> -> memref<1x100xi32, #tpu.memory_space<vmem>>
      %dma_wait3A_818 = tpu.memref_squeeze %dma_wait3A_817 : memref<1x100xi32, #tpu.memory_space<vmem>> -> memref<100xi32, #tpu.memory_space<vmem>>
      %dma_wait3A_819 = arith.constant 0 : i32
      %dma_wait3A_820 = arith.constant 0 : i32
      %dma_wait3A_821 = tpu.memref_slice %arg2[%dma_wait3A_819, %dma_wait3A_820] : memref<1000000x64xf32, #tpu.memory_space<hbm>> -> memref<1000000x64xf32, #tpu.memory_space<hbm>>
      %dma_wait3A_822 = tpu.memref_slice %arg12[%dma_wait3A_811] : memref<8x!tpu.dma_semaphore, #tpu.memory_space<semaphore_mem>> -> memref<1x!tpu.dma_semaphore, #tpu.memory_space<semaphore_mem>>
      %dma_wait3A_823 = tpu.memref_squeeze %dma_wait3A_822 : memref<1x!tpu.dma_semaphore, #tpu.memory_space<semaphore_mem>> -> memref<!tpu.dma_semaphore, #tpu.memory_space<semaphore_mem>>
      tpu.wait_indirect_dma semaphore(%dma_wait3A_823 : memref<!tpu.dma_semaphore, #tpu.memory_space<semaphore_mem>>) src(%dma_wait3A_821 : memref<1000000x64xf32, #tpu.memory_space<hbm>>) dst(%dma_wait3A_815 : memref<100x64xf32, #tpu.memory_space<vmem>>)
      %mul3A_824 = arith.constant 2 : i32
      %mul3A_825 = arith.muli %add3A_809, %mul3A_824 : i32
      %broadcast_in_dim3A_826 = arith.constant 0.000000e+00 : f32
      %broadcast_in_dim3A_827 = vector.broadcast %broadcast_in_dim3A_826 : f32 to vector<16xf32>
      %broadcast_in_dim3A_828 = arith.constant 0.000000e+00 : f32
      %broadcast_in_dim3A_829 = vector.broadcast %broadcast_in_dim3A_828 : f32 to vector<16xf32>
      %broadcast_in_dim3A_830 = arith.constant 0.000000e+00 : f32
      %broadcast_in_dim3A_831 = vector.broadcast %broadcast_in_dim3A_830 : f32 to vector<16xf32>
      %broadcast_in_dim3A_832 = arith.constant 0.000000e+00 : f32
      %broadcast_in_dim3A_833 = vector.broadcast %broadcast_in_dim3A_832 : f32 to vector<16xf32>
      %broadcast_in_dim3A_834 = arith.constant 0.000000e+00 : f32
      %broadcast_in_dim3A_835 = vector.broadcast %broadcast_in_dim3A_834 : f32 to vector<16xf32>
      %broadcast_in_dim3A_836 = arith.constant 0.000000e+00 : f32
      %broadcast_in_dim3A_837 = vector.broadcast %broadcast_in_dim3A_836 : f32 to vector<16xf32>
      %broadcast_in_dim3A_838 = arith.constant 0.000000e+00 : f32
      %broadcast_in_dim3A_839 = vector.broadcast %broadcast_in_dim3A_838 : f32 to vector<16xf32>
      %broadcast_in_dim3A_840 = arith.constant 0.000000e+00 : f32
      %broadcast_in_dim3A_841 = vector.broadcast %broadcast_in_dim3A_840 : f32 to vector<16xf32>
      %scan3A_842 = arith.constant 5 : i32
      %scan3A_843 = arith.constant 0 : i32
      %scan3A_844 = arith.constant 50 : i32
      %scan3A_845 = arith.addi %scan3A_843, %scan3A_844 : i32
      %scan3A_846 = arith.constant 1 : i32
      %scan3A_847:8 = scf.for %scan3A_1216 = %scan3A_843 to %scan3A_845 step %scan3A_846 iter_args(%scan3A_1217 = %broadcast_in_dim3A_827, %scan3A_1218 = %broadcast_in_dim3A_829, %scan3A_1219 = %broadcast_in_dim3A_831, %scan3A_1220 = %broadcast_in_dim3A_833, %scan3A_1221 = %broadcast_in_dim3A_835, %scan3A_1222 = %broadcast_in_dim3A_837, %scan3A_1223 = %broadcast_in_dim3A_839, %scan3A_1224 = %broadcast_in_dim3A_841) -> (vector<16xf32>, vector<16xf32>, vector<16xf32>, vector<16xf32>, vector<16xf32>, vector<16xf32>, vector<16xf32>, vector<16xf32>)  : i32 {
        %mul3A_1225 = arith.constant 64 : i32
        %mul3A_1226 = arith.muli %scan3A_1216, %mul3A_1225 : i32
        %add3A_1227 = arith.constant 0 : i32
        %add3A_1228 = arith.addi %mul3A_1226, %add3A_1227 : i32
        %get3A = arith.index_cast %add3A_1228 : i32 to index
        %get3A_1229 = tpu.vector_load %arg7[%get3A] {strides = array<i32>} : memref<3200xf32, #tpu.memory_space<vmem>>, vector<16xf32>,
        %add3A_1230 = arith.constant 0 : i32
        %add3A_1231 = arith.addi %add3A_1230, %scan3A_1216 : i32
        %get3A_1232 = arith.constant 0 : i32
        %get3A_1233 = arith.constant 0 : i32
        %get3A_1234 = tpu.memref_slice %arg8[%scan3A_842, %get3A_1232, %get3A_1233] : memref<8x100x64xf32, #tpu.memory_space<vmem>> -> memref<1x100x64xf32, #tpu.memory_space<vmem>>
        %get3A_1235 = tpu.memref_squeeze %get3A_1234 : memref<1x100x64xf32, #tpu.memory_space<vmem>> -> memref<100x64xf32, #tpu.memory_space<vmem>>
        %get3A_1236 = arith.index_cast %add3A_1231 : i32 to index
        %get3A_1237 = arith.constant 0 : index
        %get3A_1238 = tpu.vector_load %get3A_1235[%get3A_1236, %get3A_1237] {strides = array<i32>} : memref<100x64xf32, #tpu.memory_space<vmem>>, vector<16xf32>,
        %mul3A_1239 = arith.mulf %get3A_1238, %get3A_1229 : vector<16xf32>
        %add3A_1240 = arith.addf %scan3A_1217, %mul3A_1239 : vector<16xf32>
        %add3A_1241 = arith.constant 50 : i32
        %add3A_1242 = arith.addi %add3A_1241, %scan3A_1216 : i32
        %get3A_1243 = arith.constant 0 : i32
        %get3A_1244 = arith.constant 0 : i32
        %get3A_1245 = tpu.memref_slice %arg8[%scan3A_842, %get3A_1243, %get3A_1244] : memref<8x100x64xf32, #tpu.memory_space<vmem>> -> memref<1x100x64xf32, #tpu.memory_space<vmem>>
        %get3A_1246 = tpu.memref_squeeze %get3A_1245 : memref<1x100x64xf32, #tpu.memory_space<vmem>> -> memref<100x64xf32, #tpu.memory_space<vmem>>
        %get3A_1247 = arith.index_cast %add3A_1242 : i32 to index
        %get3A_1248 = arith.constant 0 : index
        %get3A_1249 = tpu.vector_load %get3A_1246[%get3A_1247, %get3A_1248] {strides = array<i32>} : memref<100x64xf32, #tpu.memory_space<vmem>>, vector<16xf32>,
        %mul3A_1250 = arith.mulf %get3A_1249, %get3A_1229 : vector<16xf32>
        %add3A_1251 = arith.addf %scan3A_1218, %mul3A_1250 : vector<16xf32>
        %mul3A_1252 = arith.constant 64 : i32
        %mul3A_1253 = arith.muli %scan3A_1216, %mul3A_1252 : i32
        %add3A_1254 = arith.constant 16 : i32
        %add3A_1255 = arith.addi %mul3A_1253, %add3A_1254 : i32
        %get3A_1256 = arith.index_cast %add3A_1255 : i32 to index
        %get3A_1257 = tpu.vector_load %arg7[%get3A_1256] {strides = array<i32>} : memref<3200xf32, #tpu.memory_space<vmem>>, vector<16xf32>,
        %add3A_1258 = arith.constant 0 : i32
        %add3A_1259 = arith.addi %add3A_1258, %scan3A_1216 : i32
        %get3A_1260 = arith.constant 0 : i32
        %get3A_1261 = arith.constant 0 : i32
        %get3A_1262 = tpu.memref_slice %arg8[%scan3A_842, %get3A_1260, %get3A_1261] : memref<8x100x64xf32, #tpu.memory_space<vmem>> -> memref<1x100x64xf32, #tpu.memory_space<vmem>>
        %get3A_1263 = tpu.memref_squeeze %get3A_1262 : memref<1x100x64xf32, #tpu.memory_space<vmem>> -> memref<100x64xf32, #tpu.memory_space<vmem>>
        %get3A_1264 = arith.index_cast %add3A_1259 : i32 to index
        %get3A_1265 = arith.constant 16 : index
        %get3A_1266 = tpu.vector_load %get3A_1263[%get3A_1264, %get3A_1265] {strides = array<i32>} : memref<100x64xf32, #tpu.memory_space<vmem>>, vector<16xf32>,
        %mul3A_1267 = arith.mulf %get3A_1266, %get3A_1257 : vector<16xf32>
        %add3A_1268 = arith.addf %scan3A_1219, %mul3A_1267 : vector<16xf32>
        %add3A_1269 = arith.constant 50 : i32
        %add3A_1270 = arith.addi %add3A_1269, %scan3A_1216 : i32
        %get3A_1271 = arith.constant 0 : i32
        %get3A_1272 = arith.constant 0 : i32
        %get3A_1273 = tpu.memref_slice %arg8[%scan3A_842, %get3A_1271, %get3A_1272] : memref<8x100x64xf32, #tpu.memory_space<vmem>> -> memref<1x100x64xf32, #tpu.memory_space<vmem>>
        %get3A_1274 = tpu.memref_squeeze %get3A_1273 : memref<1x100x64xf32, #tpu.memory_space<vmem>> -> memref<100x64xf32, #tpu.memory_space<vmem>>
        %get3A_1275 = arith.index_cast %add3A_1270 : i32 to index
        %get3A_1276 = arith.constant 16 : index
        %get3A_1277 = tpu.vector_load %get3A_1274[%get3A_1275, %get3A_1276] {strides = array<i32>} : memref<100x64xf32, #tpu.memory_space<vmem>>, vector<16xf32>,
        %mul3A_1278 = arith.mulf %get3A_1277, %get3A_1257 : vector<16xf32>
        %add3A_1279 = arith.addf %scan3A_1220, %mul3A_1278 : vector<16xf32>
        %mul3A_1280 = arith.constant 64 : i32
        %mul3A_1281 = arith.muli %scan3A_1216, %mul3A_1280 : i32
        %add3A_1282 = arith.constant 32 : i32
        %add3A_1283 = arith.addi %mul3A_1281, %add3A_1282 : i32
        %get3A_1284 = arith.index_cast %add3A_1283 : i32 to index
        %get3A_1285 = tpu.vector_load %arg7[%get3A_1284] {strides = array<i32>} : memref<3200xf32, #tpu.memory_space<vmem>>, vector<16xf32>,
        %add3A_1286 = arith.constant 0 : i32
        %add3A_1287 = arith.addi %add3A_1286, %scan3A_1216 : i32
        %get3A_1288 = arith.constant 0 : i32
        %get3A_1289 = arith.constant 0 : i32
        %get3A_1290 = tpu.memref_slice %arg8[%scan3A_842, %get3A_1288, %get3A_1289] : memref<8x100x64xf32, #tpu.memory_space<vmem>> -> memref<1x100x64xf32, #tpu.memory_space<vmem>>
        %get3A_1291 = tpu.memref_squeeze %get3A_1290 : memref<1x100x64xf32, #tpu.memory_space<vmem>> -> memref<100x64xf32, #tpu.memory_space<vmem>>
        %get3A_1292 = arith.index_cast %add3A_1287 : i32 to index
        %get3A_1293 = arith.constant 32 : index
        %get3A_1294 = tpu.vector_load %get3A_1291[%get3A_1292, %get3A_1293] {strides = array<i32>} : memref<100x64xf32, #tpu.memory_space<vmem>>, vector<16xf32>,
        %mul3A_1295 = arith.mulf %get3A_1294, %get3A_1285 : vector<16xf32>
        %add3A_1296 = arith.addf %scan3A_1221, %mul3A_1295 : vector<16xf32>
        %add3A_1297 = arith.constant 50 : i32
        %add3A_1298 = arith.addi %add3A_1297, %scan3A_1216 : i32
        %get3A_1299 = arith.constant 0 : i32
        %get3A_1300 = arith.constant 0 : i32
        %get3A_1301 = tpu.memref_slice %arg8[%scan3A_842, %get3A_1299, %get3A_1300] : memref<8x100x64xf32, #tpu.memory_space<vmem>> -> memref<1x100x64xf32, #tpu.memory_space<vmem>>
        %get3A_1302 = tpu.memref_squeeze %get3A_1301 : memref<1x100x64xf32, #tpu.memory_space<vmem>> -> memref<100x64xf32, #tpu.memory_space<vmem>>
        %get3A_1303 = arith.index_cast %add3A_1298 : i32 to index
        %get3A_1304 = arith.constant 32 : index
        %get3A_1305 = tpu.vector_load %get3A_1302[%get3A_1303, %get3A_1304] {strides = array<i32>} : memref<100x64xf32, #tpu.memory_space<vmem>>, vector<16xf32>,
        %mul3A_1306 = arith.mulf %get3A_1305, %get3A_1285 : vector<16xf32>
        %add3A_1307 = arith.addf %scan3A_1222, %mul3A_1306 : vector<16xf32>
        %mul3A_1308 = arith.constant 64 : i32
        %mul3A_1309 = arith.muli %scan3A_1216, %mul3A_1308 : i32
        %add3A_1310 = arith.constant 48 : i32
        %add3A_1311 = arith.addi %mul3A_1309, %add3A_1310 : i32
        %get3A_1312 = arith.index_cast %add3A_1311 : i32 to index
        %get3A_1313 = tpu.vector_load %arg7[%get3A_1312] {strides = array<i32>} : memref<3200xf32, #tpu.memory_space<vmem>>, vector<16xf32>,
        %add3A_1314 = arith.constant 0 : i32
        %add3A_1315 = arith.addi %add3A_1314, %scan3A_1216 : i32
        %get3A_1316 = arith.constant 0 : i32
        %get3A_1317 = arith.constant 0 : i32
        %get3A_1318 = tpu.memref_slice %arg8[%scan3A_842, %get3A_1316, %get3A_1317] : memref<8x100x64xf32, #tpu.memory_space<vmem>> -> memref<1x100x64xf32, #tpu.memory_space<vmem>>
        %get3A_1319 = tpu.memref_squeeze %get3A_1318 : memref<1x100x64xf32, #tpu.memory_space<vmem>> -> memref<100x64xf32, #tpu.memory_space<vmem>>
        %get3A_1320 = arith.index_cast %add3A_1315 : i32 to index
        %get3A_1321 = arith.constant 48 : index
        %get3A_1322 = tpu.vector_load %get3A_1319[%get3A_1320, %get3A_1321] {strides = array<i32>} : memref<100x64xf32, #tpu.memory_space<vmem>>, vector<16xf32>,
        %mul3A_1323 = arith.mulf %get3A_1322, %get3A_1313 : vector<16xf32>
        %add3A_1324 = arith.addf %scan3A_1223, %mul3A_1323 : vector<16xf32>
        %add3A_1325 = arith.constant 50 : i32
        %add3A_1326 = arith.addi %add3A_1325, %scan3A_1216 : i32
        %get3A_1327 = arith.constant 0 : i32
        %get3A_1328 = arith.constant 0 : i32
        %get3A_1329 = tpu.memref_slice %arg8[%scan3A_842, %get3A_1327, %get3A_1328] : memref<8x100x64xf32, #tpu.memory_space<vmem>> -> memref<1x100x64xf32, #tpu.memory_space<vmem>>
        %get3A_1330 = tpu.memref_squeeze %get3A_1329 : memref<1x100x64xf32, #tpu.memory_space<vmem>> -> memref<100x64xf32, #tpu.memory_space<vmem>>
        %get3A_1331 = arith.index_cast %add3A_1326 : i32 to index
        %get3A_1332 = arith.constant 48 : index
        %get3A_1333 = tpu.vector_load %get3A_1330[%get3A_1331, %get3A_1332] {strides = array<i32>} : memref<100x64xf32, #tpu.memory_space<vmem>>, vector<16xf32>,
        %mul3A_1334 = arith.mulf %get3A_1333, %get3A_1313 : vector<16xf32>
        %add3A_1335 = arith.addf %scan3A_1224, %mul3A_1334 : vector<16xf32>
        scf.yield %add3A_1240, %add3A_1251, %add3A_1268, %add3A_1279, %add3A_1296, %add3A_1307, %add3A_1324, %add3A_1335 : vector<16xf32>, vector<16xf32>, vector<16xf32>, vector<16xf32>, vector<16xf32>, vector<16xf32>, vector<16xf32>, vector<16xf32>
      }
      %scan3A_848 = arith.constant 50 : i32
      %mul3A_849 = arith.constant 2.000000e-02 : f32
      %mul3A_850 = vector.broadcast %mul3A_849 : f32 to vector<16xf32>
      %mul3A_851 = arith.mulf %scan3A_847#0, %mul3A_850 : vector<16xf32>
      %add3A_852 = arith.constant 0 : i32
      %add3A_853 = arith.addi %mul3A_825, %add3A_852 : i32
      %mul3A_854 = arith.constant 64 : i32
      %mul3A_855 = arith.muli %add3A_853, %mul3A_854 : i32
      %add3A_856 = arith.constant 0 : i32
      %add3A_857 = arith.addi %mul3A_855, %add3A_856 : i32
      %swap3A_858 = arith.index_cast %add3A_857 : i32 to index
      %swap3A_859 = tpu.vector_load %arg9[%swap3A_858] {strides = array<i32>} : memref<8192xf32, #tpu.memory_space<vmem>>, vector<16xf32>,
      tpu.vector_store %arg9[%swap3A_858], %mul3A_851 {strides = array<i32>} : memref<8192xf32, #tpu.memory_space<vmem>>, vector<16xf32>,
      %mul3A_860 = arith.constant 2.000000e-02 : f32
      %mul3A_861 = vector.broadcast %mul3A_860 : f32 to vector<16xf32>
      %mul3A_862 = arith.mulf %scan3A_847#1, %mul3A_861 : vector<16xf32>
      %add3A_863 = arith.constant 1 : i32
      %add3A_864 = arith.addi %mul3A_825, %add3A_863 : i32
      %mul3A_865 = arith.constant 64 : i32
      %mul3A_866 = arith.muli %add3A_864, %mul3A_865 : i32
      %add3A_867 = arith.constant 0 : i32
      %add3A_868 = arith.addi %mul3A_866, %add3A_867 : i32
      %swap3A_869 = arith.index_cast %add3A_868 : i32 to index
      %swap3A_870 = tpu.vector_load %arg9[%swap3A_869] {strides = array<i32>} : memref<8192xf32, #tpu.memory_space<vmem>>, vector<16xf32>,
      tpu.vector_store %arg9[%swap3A_869], %mul3A_862 {strides = array<i32>} : memref<8192xf32, #tpu.memory_space<vmem>>, vector<16xf32>,
      %mul3A_871 = arith.constant 2.000000e-02 : f32
      %mul3A_872 = vector.broadcast %mul3A_871 : f32 to vector<16xf32>
      %mul3A_873 = arith.mulf %scan3A_847#2, %mul3A_872 : vector<16xf32>
      %add3A_874 = arith.constant 0 : i32
      %add3A_875 = arith.addi %mul3A_825, %add3A_874 : i32
      %mul3A_876 = arith.constant 64 : i32
      %mul3A_877 = arith.muli %add3A_875, %mul3A_876 : i32
      %add3A_878 = arith.constant 16 : i32
      %add3A_879 = arith.addi %mul3A_877, %add3A_878 : i32
      %swap3A_880 = arith.index_cast %add3A_879 : i32 to index
      %swap3A_881 = tpu.vector_load %arg9[%swap3A_880] {strides = array<i32>} : memref<8192xf32, #tpu.memory_space<vmem>>, vector<16xf32>,
      tpu.vector_store %arg9[%swap3A_880], %mul3A_873 {strides = array<i32>} : memref<8192xf32, #tpu.memory_space<vmem>>, vector<16xf32>,
      %mul3A_882 = arith.constant 2.000000e-02 : f32
      %mul3A_883 = vector.broadcast %mul3A_882 : f32 to vector<16xf32>
      %mul3A_884 = arith.mulf %scan3A_847#3, %mul3A_883 : vector<16xf32>
      %add3A_885 = arith.constant 1 : i32
      %add3A_886 = arith.addi %mul3A_825, %add3A_885 : i32
      %mul3A_887 = arith.constant 64 : i32
      %mul3A_888 = arith.muli %add3A_886, %mul3A_887 : i32
      %add3A_889 = arith.constant 16 : i32
      %add3A_890 = arith.addi %mul3A_888, %add3A_889 : i32
      %swap3A_891 = arith.index_cast %add3A_890 : i32 to index
      %swap3A_892 = tpu.vector_load %arg9[%swap3A_891] {strides = array<i32>} : memref<8192xf32, #tpu.memory_space<vmem>>, vector<16xf32>,
      tpu.vector_store %arg9[%swap3A_891], %mul3A_884 {strides = array<i32>} : memref<8192xf32, #tpu.memory_space<vmem>>, vector<16xf32>,
      %mul3A_893 = arith.constant 2.000000e-02 : f32
      %mul3A_894 = vector.broadcast %mul3A_893 : f32 to vector<16xf32>
      %mul3A_895 = arith.mulf %scan3A_847#4, %mul3A_894 : vector<16xf32>
      %add3A_896 = arith.constant 0 : i32
      %add3A_897 = arith.addi %mul3A_825, %add3A_896 : i32
      %mul3A_898 = arith.constant 64 : i32
      %mul3A_899 = arith.muli %add3A_897, %mul3A_898 : i32
      %add3A_900 = arith.constant 32 : i32
      %add3A_901 = arith.addi %mul3A_899, %add3A_900 : i32
      %swap3A_902 = arith.index_cast %add3A_901 : i32 to index
      %swap3A_903 = tpu.vector_load %arg9[%swap3A_902] {strides = array<i32>} : memref<8192xf32, #tpu.memory_space<vmem>>, vector<16xf32>,
      tpu.vector_store %arg9[%swap3A_902], %mul3A_895 {strides = array<i32>} : memref<8192xf32, #tpu.memory_space<vmem>>, vector<16xf32>,
      %mul3A_904 = arith.constant 2.000000e-02 : f32
      %mul3A_905 = vector.broadcast %mul3A_904 : f32 to vector<16xf32>
      %mul3A_906 = arith.mulf %scan3A_847#5, %mul3A_905 : vector<16xf32>
      %add3A_907 = arith.constant 1 : i32
      %add3A_908 = arith.addi %mul3A_825, %add3A_907 : i32
      %mul3A_909 = arith.constant 64 : i32
      %mul3A_910 = arith.muli %add3A_908, %mul3A_909 : i32
      %add3A_911 = arith.constant 32 : i32
      %add3A_912 = arith.addi %mul3A_910, %add3A_911 : i32
      %swap3A_913 = arith.index_cast %add3A_912 : i32 to index
      %swap3A_914 = tpu.vector_load %arg9[%swap3A_913] {strides = array<i32>} : memref<8192xf32, #tpu.memory_space<vmem>>, vector<16xf32>,
      tpu.vector_store %arg9[%swap3A_913], %mul3A_906 {strides = array<i32>} : memref<8192xf32, #tpu.memory_space<vmem>>, vector<16xf32>,
      %mul3A_915 = arith.constant 2.000000e-02 : f32
      %mul3A_916 = vector.broadcast %mul3A_915 : f32 to vector<16xf32>
      %mul3A_917 = arith.mulf %scan3A_847#6, %mul3A_916 : vector<16xf32>
      %add3A_918 = arith.constant 0 : i32
      %add3A_919 = arith.addi %mul3A_825, %add3A_918 : i32
      %mul3A_920 = arith.constant 64 : i32
      %mul3A_921 = arith.muli %add3A_919, %mul3A_920 : i32
      %add3A_922 = arith.constant 48 : i32
      %add3A_923 = arith.addi %mul3A_921, %add3A_922 : i32
      %swap3A_924 = arith.index_cast %add3A_923 : i32 to index
      %swap3A_925 = tpu.vector_load %arg9[%swap3A_924] {strides = array<i32>} : memref<8192xf32, #tpu.memory_space<vmem>>, vector<16xf32>,
      tpu.vector_store %arg9[%swap3A_924], %mul3A_917 {strides = array<i32>} : memref<8192xf32, #tpu.memory_space<vmem>>, vector<16xf32>,
      %mul3A_926 = arith.constant 2.000000e-02 : f32
      %mul3A_927 = vector.broadcast %mul3A_926 : f32 to vector<16xf32>
      %mul3A_928 = arith.mulf %scan3A_847#7, %mul3A_927 : vector<16xf32>
      %add3A_929 = arith.constant 1 : i32
      %add3A_930 = arith.addi %mul3A_825, %add3A_929 : i32
      %mul3A_931 = arith.constant 64 : i32
      %mul3A_932 = arith.muli %add3A_930, %mul3A_931 : i32
      %add3A_933 = arith.constant 48 : i32
      %add3A_934 = arith.addi %mul3A_932, %add3A_933 : i32
      %swap3A_935 = arith.index_cast %add3A_934 : i32 to index
      %swap3A_936 = tpu.vector_load %arg9[%swap3A_935] {strides = array<i32>} : memref<8192xf32, #tpu.memory_space<vmem>>, vector<16xf32>,
      tpu.vector_store %arg9[%swap3A_935], %mul3A_928 {strides = array<i32>} : memref<8192xf32, #tpu.memory_space<vmem>>, vector<16xf32>,
      %add3A_937 = arith.constant 8 : i32
      %add3A_938 = arith.addi %add3A_809, %add3A_937 : i32
      %lt3A_939 = arith.constant 64 : i32
      %lt3A_940 = arith.cmpi slt, %add3A_938, %lt3A_939 : i32
      %convert_element_type3A_941 = arith.extui %lt3A_940 : i1 to i32
      %cond3A_942 = arith.constant 0 : i32
      %cond3A_943 = arith.cmpi ne, %convert_element_type3A_941, %cond3A_942 : i32
      scf.if %cond3A_943 {
        %dma_start3A_1216 = arith.constant 5 : i32
        %dma_start3A_1217 = arith.constant 5 : i32
        %dma_start3A_1218 = arith.constant 0 : i32
        %dma_start3A_1219 = arith.constant 0 : i32
        %dma_start3A_1220 = tpu.memref_slice %arg8[%dma_start3A_1216, %dma_start3A_1218, %dma_start3A_1219] : memref<8x100x64xf32, #tpu.memory_space<vmem>> -> memref<1x100x64xf32, #tpu.memory_space<vmem>>
        %dma_start3A_1221 = tpu.memref_squeeze %dma_start3A_1220 : memref<1x100x64xf32, #tpu.memory_space<vmem>> -> memref<100x64xf32, #tpu.memory_space<vmem>>
        %dma_start3A_1222 = arith.constant 0 : i32
        %dma_start3A_1223 = tpu.memref_slice %arg6[%add3A_938, %dma_start3A_1222] : memref<64x100xi32, #tpu.memory_space<vmem>> -> memref<1x100xi32, #tpu.memory_space<vmem>>
        %dma_start3A_1224 = tpu.memref_squeeze %dma_start3A_1223 : memref<1x100xi32, #tpu.memory_space<vmem>> -> memref<100xi32, #tpu.memory_space<vmem>>
        %dma_start3A_1225 = arith.constant 0 : i32
        %dma_start3A_1226 = arith.constant 0 : i32
        %dma_start3A_1227 = tpu.memref_slice %arg2[%dma_start3A_1225, %dma_start3A_1226] : memref<1000000x64xf32, #tpu.memory_space<hbm>> -> memref<1000000x64xf32, #tpu.memory_space<hbm>>
        %dma_start3A_1228 = tpu.memref_slice %arg12[%dma_start3A_1217] : memref<8x!tpu.dma_semaphore, #tpu.memory_space<semaphore_mem>> -> memref<1x!tpu.dma_semaphore, #tpu.memory_space<semaphore_mem>>
        %dma_start3A_1229 = tpu.memref_squeeze %dma_start3A_1228 : memref<1x!tpu.dma_semaphore, #tpu.memory_space<semaphore_mem>> -> memref<!tpu.dma_semaphore, #tpu.memory_space<semaphore_mem>>
        tpu.enqueue_indirect_dma source(%dma_start3A_1227 : memref<1000000x64xf32, #tpu.memory_space<hbm>>) target(%dma_start3A_1221 : memref<100x64xf32, #tpu.memory_space<vmem>>) offsets(%dma_start3A_1224 : memref<100xi32, #tpu.memory_space<vmem>>) semaphore(%dma_start3A_1229 : memref<!tpu.dma_semaphore, #tpu.memory_space<semaphore_mem>>)
      } else {
      }
      %add3A_944 = arith.constant 6 : i32
      %add3A_945 = arith.addi %mul3A_133, %add3A_944 : i32
      %dma_wait3A_946 = arith.constant 6 : i32
      %dma_wait3A_947 = arith.constant 6 : i32
      %dma_wait3A_948 = arith.constant 0 : i32
      %dma_wait3A_949 = arith.constant 0 : i32
      %dma_wait3A_950 = tpu.memref_slice %arg8[%dma_wait3A_946, %dma_wait3A_948, %dma_wait3A_949] : memref<8x100x64xf32, #tpu.memory_space<vmem>> -> memref<1x100x64xf32, #tpu.memory_space<vmem>>
      %dma_wait3A_951 = tpu.memref_squeeze %dma_wait3A_950 : memref<1x100x64xf32, #tpu.memory_space<vmem>> -> memref<100x64xf32, #tpu.memory_space<vmem>>
      %dma_wait3A_952 = arith.constant 0 : i32
      %dma_wait3A_953 = tpu.memref_slice %arg6[%add3A_945, %dma_wait3A_952] : memref<64x100xi32, #tpu.memory_space<vmem>> -> memref<1x100xi32, #tpu.memory_space<vmem>>
      %dma_wait3A_954 = tpu.memref_squeeze %dma_wait3A_953 : memref<1x100xi32, #tpu.memory_space<vmem>> -> memref<100xi32, #tpu.memory_space<vmem>>
      %dma_wait3A_955 = arith.constant 0 : i32
      %dma_wait3A_956 = arith.constant 0 : i32
      %dma_wait3A_957 = tpu.memref_slice %arg2[%dma_wait3A_955, %dma_wait3A_956] : memref<1000000x64xf32, #tpu.memory_space<hbm>> -> memref<1000000x64xf32, #tpu.memory_space<hbm>>
      %dma_wait3A_958 = tpu.memref_slice %arg12[%dma_wait3A_947] : memref<8x!tpu.dma_semaphore, #tpu.memory_space<semaphore_mem>> -> memref<1x!tpu.dma_semaphore, #tpu.memory_space<semaphore_mem>>
      %dma_wait3A_959 = tpu.memref_squeeze %dma_wait3A_958 : memref<1x!tpu.dma_semaphore, #tpu.memory_space<semaphore_mem>> -> memref<!tpu.dma_semaphore, #tpu.memory_space<semaphore_mem>>
      tpu.wait_indirect_dma semaphore(%dma_wait3A_959 : memref<!tpu.dma_semaphore, #tpu.memory_space<semaphore_mem>>) src(%dma_wait3A_957 : memref<1000000x64xf32, #tpu.memory_space<hbm>>) dst(%dma_wait3A_951 : memref<100x64xf32, #tpu.memory_space<vmem>>)
      %mul3A_960 = arith.constant 2 : i32
      %mul3A_961 = arith.muli %add3A_945, %mul3A_960 : i32
      %broadcast_in_dim3A_962 = arith.constant 0.000000e+00 : f32
      %broadcast_in_dim3A_963 = vector.broadcast %broadcast_in_dim3A_962 : f32 to vector<16xf32>
      %broadcast_in_dim3A_964 = arith.constant 0.000000e+00 : f32
      %broadcast_in_dim3A_965 = vector.broadcast %broadcast_in_dim3A_964 : f32 to vector<16xf32>
      %broadcast_in_dim3A_966 = arith.constant 0.000000e+00 : f32
      %broadcast_in_dim3A_967 = vector.broadcast %broadcast_in_dim3A_966 : f32 to vector<16xf32>
      %broadcast_in_dim3A_968 = arith.constant 0.000000e+00 : f32
      %broadcast_in_dim3A_969 = vector.broadcast %broadcast_in_dim3A_968 : f32 to vector<16xf32>
      %broadcast_in_dim3A_970 = arith.constant 0.000000e+00 : f32
      %broadcast_in_dim3A_971 = vector.broadcast %broadcast_in_dim3A_970 : f32 to vector<16xf32>
      %broadcast_in_dim3A_972 = arith.constant 0.000000e+00 : f32
      %broadcast_in_dim3A_973 = vector.broadcast %broadcast_in_dim3A_972 : f32 to vector<16xf32>
      %broadcast_in_dim3A_974 = arith.constant 0.000000e+00 : f32
      %broadcast_in_dim3A_975 = vector.broadcast %broadcast_in_dim3A_974 : f32 to vector<16xf32>
      %broadcast_in_dim3A_976 = arith.constant 0.000000e+00 : f32
      %broadcast_in_dim3A_977 = vector.broadcast %broadcast_in_dim3A_976 : f32 to vector<16xf32>
      %scan3A_978 = arith.constant 6 : i32
      %scan3A_979 = arith.constant 0 : i32
      %scan3A_980 = arith.constant 50 : i32
      %scan3A_981 = arith.addi %scan3A_979, %scan3A_980 : i32
      %scan3A_982 = arith.constant 1 : i32
      %scan3A_983:8 = scf.for %scan3A_1216 = %scan3A_979 to %scan3A_981 step %scan3A_982 iter_args(%scan3A_1217 = %broadcast_in_dim3A_963, %scan3A_1218 = %broadcast_in_dim3A_965, %scan3A_1219 = %broadcast_in_dim3A_967, %scan3A_1220 = %broadcast_in_dim3A_969, %scan3A_1221 = %broadcast_in_dim3A_971, %scan3A_1222 = %broadcast_in_dim3A_973, %scan3A_1223 = %broadcast_in_dim3A_975, %scan3A_1224 = %broadcast_in_dim3A_977) -> (vector<16xf32>, vector<16xf32>, vector<16xf32>, vector<16xf32>, vector<16xf32>, vector<16xf32>, vector<16xf32>, vector<16xf32>)  : i32 {
        %mul3A_1225 = arith.constant 64 : i32
        %mul3A_1226 = arith.muli %scan3A_1216, %mul3A_1225 : i32
        %add3A_1227 = arith.constant 0 : i32
        %add3A_1228 = arith.addi %mul3A_1226, %add3A_1227 : i32
        %get3A = arith.index_cast %add3A_1228 : i32 to index
        %get3A_1229 = tpu.vector_load %arg7[%get3A] {strides = array<i32>} : memref<3200xf32, #tpu.memory_space<vmem>>, vector<16xf32>,
        %add3A_1230 = arith.constant 0 : i32
        %add3A_1231 = arith.addi %add3A_1230, %scan3A_1216 : i32
        %get3A_1232 = arith.constant 0 : i32
        %get3A_1233 = arith.constant 0 : i32
        %get3A_1234 = tpu.memref_slice %arg8[%scan3A_978, %get3A_1232, %get3A_1233] : memref<8x100x64xf32, #tpu.memory_space<vmem>> -> memref<1x100x64xf32, #tpu.memory_space<vmem>>
        %get3A_1235 = tpu.memref_squeeze %get3A_1234 : memref<1x100x64xf32, #tpu.memory_space<vmem>> -> memref<100x64xf32, #tpu.memory_space<vmem>>
        %get3A_1236 = arith.index_cast %add3A_1231 : i32 to index
        %get3A_1237 = arith.constant 0 : index
        %get3A_1238 = tpu.vector_load %get3A_1235[%get3A_1236, %get3A_1237] {strides = array<i32>} : memref<100x64xf32, #tpu.memory_space<vmem>>, vector<16xf32>,
        %mul3A_1239 = arith.mulf %get3A_1238, %get3A_1229 : vector<16xf32>
        %add3A_1240 = arith.addf %scan3A_1217, %mul3A_1239 : vector<16xf32>
        %add3A_1241 = arith.constant 50 : i32
        %add3A_1242 = arith.addi %add3A_1241, %scan3A_1216 : i32
        %get3A_1243 = arith.constant 0 : i32
        %get3A_1244 = arith.constant 0 : i32
        %get3A_1245 = tpu.memref_slice %arg8[%scan3A_978, %get3A_1243, %get3A_1244] : memref<8x100x64xf32, #tpu.memory_space<vmem>> -> memref<1x100x64xf32, #tpu.memory_space<vmem>>
        %get3A_1246 = tpu.memref_squeeze %get3A_1245 : memref<1x100x64xf32, #tpu.memory_space<vmem>> -> memref<100x64xf32, #tpu.memory_space<vmem>>
        %get3A_1247 = arith.index_cast %add3A_1242 : i32 to index
        %get3A_1248 = arith.constant 0 : index
        %get3A_1249 = tpu.vector_load %get3A_1246[%get3A_1247, %get3A_1248] {strides = array<i32>} : memref<100x64xf32, #tpu.memory_space<vmem>>, vector<16xf32>,
        %mul3A_1250 = arith.mulf %get3A_1249, %get3A_1229 : vector<16xf32>
        %add3A_1251 = arith.addf %scan3A_1218, %mul3A_1250 : vector<16xf32>
        %mul3A_1252 = arith.constant 64 : i32
        %mul3A_1253 = arith.muli %scan3A_1216, %mul3A_1252 : i32
        %add3A_1254 = arith.constant 16 : i32
        %add3A_1255 = arith.addi %mul3A_1253, %add3A_1254 : i32
        %get3A_1256 = arith.index_cast %add3A_1255 : i32 to index
        %get3A_1257 = tpu.vector_load %arg7[%get3A_1256] {strides = array<i32>} : memref<3200xf32, #tpu.memory_space<vmem>>, vector<16xf32>,
        %add3A_1258 = arith.constant 0 : i32
        %add3A_1259 = arith.addi %add3A_1258, %scan3A_1216 : i32
        %get3A_1260 = arith.constant 0 : i32
        %get3A_1261 = arith.constant 0 : i32
        %get3A_1262 = tpu.memref_slice %arg8[%scan3A_978, %get3A_1260, %get3A_1261] : memref<8x100x64xf32, #tpu.memory_space<vmem>> -> memref<1x100x64xf32, #tpu.memory_space<vmem>>
        %get3A_1263 = tpu.memref_squeeze %get3A_1262 : memref<1x100x64xf32, #tpu.memory_space<vmem>> -> memref<100x64xf32, #tpu.memory_space<vmem>>
        %get3A_1264 = arith.index_cast %add3A_1259 : i32 to index
        %get3A_1265 = arith.constant 16 : index
        %get3A_1266 = tpu.vector_load %get3A_1263[%get3A_1264, %get3A_1265] {strides = array<i32>} : memref<100x64xf32, #tpu.memory_space<vmem>>, vector<16xf32>,
        %mul3A_1267 = arith.mulf %get3A_1266, %get3A_1257 : vector<16xf32>
        %add3A_1268 = arith.addf %scan3A_1219, %mul3A_1267 : vector<16xf32>
        %add3A_1269 = arith.constant 50 : i32
        %add3A_1270 = arith.addi %add3A_1269, %scan3A_1216 : i32
        %get3A_1271 = arith.constant 0 : i32
        %get3A_1272 = arith.constant 0 : i32
        %get3A_1273 = tpu.memref_slice %arg8[%scan3A_978, %get3A_1271, %get3A_1272] : memref<8x100x64xf32, #tpu.memory_space<vmem>> -> memref<1x100x64xf32, #tpu.memory_space<vmem>>
        %get3A_1274 = tpu.memref_squeeze %get3A_1273 : memref<1x100x64xf32, #tpu.memory_space<vmem>> -> memref<100x64xf32, #tpu.memory_space<vmem>>
        %get3A_1275 = arith.index_cast %add3A_1270 : i32 to index
        %get3A_1276 = arith.constant 16 : index
        %get3A_1277 = tpu.vector_load %get3A_1274[%get3A_1275, %get3A_1276] {strides = array<i32>} : memref<100x64xf32, #tpu.memory_space<vmem>>, vector<16xf32>,
        %mul3A_1278 = arith.mulf %get3A_1277, %get3A_1257 : vector<16xf32>
        %add3A_1279 = arith.addf %scan3A_1220, %mul3A_1278 : vector<16xf32>
        %mul3A_1280 = arith.constant 64 : i32
        %mul3A_1281 = arith.muli %scan3A_1216, %mul3A_1280 : i32
        %add3A_1282 = arith.constant 32 : i32
        %add3A_1283 = arith.addi %mul3A_1281, %add3A_1282 : i32
        %get3A_1284 = arith.index_cast %add3A_1283 : i32 to index
        %get3A_1285 = tpu.vector_load %arg7[%get3A_1284] {strides = array<i32>} : memref<3200xf32, #tpu.memory_space<vmem>>, vector<16xf32>,
        %add3A_1286 = arith.constant 0 : i32
        %add3A_1287 = arith.addi %add3A_1286, %scan3A_1216 : i32
        %get3A_1288 = arith.constant 0 : i32
        %get3A_1289 = arith.constant 0 : i32
        %get3A_1290 = tpu.memref_slice %arg8[%scan3A_978, %get3A_1288, %get3A_1289] : memref<8x100x64xf32, #tpu.memory_space<vmem>> -> memref<1x100x64xf32, #tpu.memory_space<vmem>>
        %get3A_1291 = tpu.memref_squeeze %get3A_1290 : memref<1x100x64xf32, #tpu.memory_space<vmem>> -> memref<100x64xf32, #tpu.memory_space<vmem>>
        %get3A_1292 = arith.index_cast %add3A_1287 : i32 to index
        %get3A_1293 = arith.constant 32 : index
        %get3A_1294 = tpu.vector_load %get3A_1291[%get3A_1292, %get3A_1293] {strides = array<i32>} : memref<100x64xf32, #tpu.memory_space<vmem>>, vector<16xf32>,
        %mul3A_1295 = arith.mulf %get3A_1294, %get3A_1285 : vector<16xf32>
        %add3A_1296 = arith.addf %scan3A_1221, %mul3A_1295 : vector<16xf32>
        %add3A_1297 = arith.constant 50 : i32
        %add3A_1298 = arith.addi %add3A_1297, %scan3A_1216 : i32
        %get3A_1299 = arith.constant 0 : i32
        %get3A_1300 = arith.constant 0 : i32
        %get3A_1301 = tpu.memref_slice %arg8[%scan3A_978, %get3A_1299, %get3A_1300] : memref<8x100x64xf32, #tpu.memory_space<vmem>> -> memref<1x100x64xf32, #tpu.memory_space<vmem>>
        %get3A_1302 = tpu.memref_squeeze %get3A_1301 : memref<1x100x64xf32, #tpu.memory_space<vmem>> -> memref<100x64xf32, #tpu.memory_space<vmem>>
        %get3A_1303 = arith.index_cast %add3A_1298 : i32 to index
        %get3A_1304 = arith.constant 32 : index
        %get3A_1305 = tpu.vector_load %get3A_1302[%get3A_1303, %get3A_1304] {strides = array<i32>} : memref<100x64xf32, #tpu.memory_space<vmem>>, vector<16xf32>,
        %mul3A_1306 = arith.mulf %get3A_1305, %get3A_1285 : vector<16xf32>
        %add3A_1307 = arith.addf %scan3A_1222, %mul3A_1306 : vector<16xf32>
        %mul3A_1308 = arith.constant 64 : i32
        %mul3A_1309 = arith.muli %scan3A_1216, %mul3A_1308 : i32
        %add3A_1310 = arith.constant 48 : i32
        %add3A_1311 = arith.addi %mul3A_1309, %add3A_1310 : i32
        %get3A_1312 = arith.index_cast %add3A_1311 : i32 to index
        %get3A_1313 = tpu.vector_load %arg7[%get3A_1312] {strides = array<i32>} : memref<3200xf32, #tpu.memory_space<vmem>>, vector<16xf32>,
        %add3A_1314 = arith.constant 0 : i32
        %add3A_1315 = arith.addi %add3A_1314, %scan3A_1216 : i32
        %get3A_1316 = arith.constant 0 : i32
        %get3A_1317 = arith.constant 0 : i32
        %get3A_1318 = tpu.memref_slice %arg8[%scan3A_978, %get3A_1316, %get3A_1317] : memref<8x100x64xf32, #tpu.memory_space<vmem>> -> memref<1x100x64xf32, #tpu.memory_space<vmem>>
        %get3A_1319 = tpu.memref_squeeze %get3A_1318 : memref<1x100x64xf32, #tpu.memory_space<vmem>> -> memref<100x64xf32, #tpu.memory_space<vmem>>
        %get3A_1320 = arith.index_cast %add3A_1315 : i32 to index
        %get3A_1321 = arith.constant 48 : index
        %get3A_1322 = tpu.vector_load %get3A_1319[%get3A_1320, %get3A_1321] {strides = array<i32>} : memref<100x64xf32, #tpu.memory_space<vmem>>, vector<16xf32>,
        %mul3A_1323 = arith.mulf %get3A_1322, %get3A_1313 : vector<16xf32>
        %add3A_1324 = arith.addf %scan3A_1223, %mul3A_1323 : vector<16xf32>
        %add3A_1325 = arith.constant 50 : i32
        %add3A_1326 = arith.addi %add3A_1325, %scan3A_1216 : i32
        %get3A_1327 = arith.constant 0 : i32
        %get3A_1328 = arith.constant 0 : i32
        %get3A_1329 = tpu.memref_slice %arg8[%scan3A_978, %get3A_1327, %get3A_1328] : memref<8x100x64xf32, #tpu.memory_space<vmem>> -> memref<1x100x64xf32, #tpu.memory_space<vmem>>
        %get3A_1330 = tpu.memref_squeeze %get3A_1329 : memref<1x100x64xf32, #tpu.memory_space<vmem>> -> memref<100x64xf32, #tpu.memory_space<vmem>>
        %get3A_1331 = arith.index_cast %add3A_1326 : i32 to index
        %get3A_1332 = arith.constant 48 : index
        %get3A_1333 = tpu.vector_load %get3A_1330[%get3A_1331, %get3A_1332] {strides = array<i32>} : memref<100x64xf32, #tpu.memory_space<vmem>>, vector<16xf32>,
        %mul3A_1334 = arith.mulf %get3A_1333, %get3A_1313 : vector<16xf32>
        %add3A_1335 = arith.addf %scan3A_1224, %mul3A_1334 : vector<16xf32>
        scf.yield %add3A_1240, %add3A_1251, %add3A_1268, %add3A_1279, %add3A_1296, %add3A_1307, %add3A_1324, %add3A_1335 : vector<16xf32>, vector<16xf32>, vector<16xf32>, vector<16xf32>, vector<16xf32>, vector<16xf32>, vector<16xf32>, vector<16xf32>
      }
      %scan3A_984 = arith.constant 50 : i32
      %mul3A_985 = arith.constant 2.000000e-02 : f32
      %mul3A_986 = vector.broadcast %mul3A_985 : f32 to vector<16xf32>
      %mul3A_987 = arith.mulf %scan3A_983#0, %mul3A_986 : vector<16xf32>
      %add3A_988 = arith.constant 0 : i32
      %add3A_989 = arith.addi %mul3A_961, %add3A_988 : i32
      %mul3A_990 = arith.constant 64 : i32
      %mul3A_991 = arith.muli %add3A_989, %mul3A_990 : i32
      %add3A_992 = arith.constant 0 : i32
      %add3A_993 = arith.addi %mul3A_991, %add3A_992 : i32
      %swap3A_994 = arith.index_cast %add3A_993 : i32 to index
      %swap3A_995 = tpu.vector_load %arg9[%swap3A_994] {strides = array<i32>} : memref<8192xf32, #tpu.memory_space<vmem>>, vector<16xf32>,
      tpu.vector_store %arg9[%swap3A_994], %mul3A_987 {strides = array<i32>} : memref<8192xf32, #tpu.memory_space<vmem>>, vector<16xf32>,
      %mul3A_996 = arith.constant 2.000000e-02 : f32
      %mul3A_997 = vector.broadcast %mul3A_996 : f32 to vector<16xf32>
      %mul3A_998 = arith.mulf %scan3A_983#1, %mul3A_997 : vector<16xf32>
      %add3A_999 = arith.constant 1 : i32
      %add3A_1000 = arith.addi %mul3A_961, %add3A_999 : i32
      %mul3A_1001 = arith.constant 64 : i32
      %mul3A_1002 = arith.muli %add3A_1000, %mul3A_1001 : i32
      %add3A_1003 = arith.constant 0 : i32
      %add3A_1004 = arith.addi %mul3A_1002, %add3A_1003 : i32
      %swap3A_1005 = arith.index_cast %add3A_1004 : i32 to index
      %swap3A_1006 = tpu.vector_load %arg9[%swap3A_1005] {strides = array<i32>} : memref<8192xf32, #tpu.memory_space<vmem>>, vector<16xf32>,
      tpu.vector_store %arg9[%swap3A_1005], %mul3A_998 {strides = array<i32>} : memref<8192xf32, #tpu.memory_space<vmem>>, vector<16xf32>,
      %mul3A_1007 = arith.constant 2.000000e-02 : f32
      %mul3A_1008 = vector.broadcast %mul3A_1007 : f32 to vector<16xf32>
      %mul3A_1009 = arith.mulf %scan3A_983#2, %mul3A_1008 : vector<16xf32>
      %add3A_1010 = arith.constant 0 : i32
      %add3A_1011 = arith.addi %mul3A_961, %add3A_1010 : i32
      %mul3A_1012 = arith.constant 64 : i32
      %mul3A_1013 = arith.muli %add3A_1011, %mul3A_1012 : i32
      %add3A_1014 = arith.constant 16 : i32
      %add3A_1015 = arith.addi %mul3A_1013, %add3A_1014 : i32
      %swap3A_1016 = arith.index_cast %add3A_1015 : i32 to index
      %swap3A_1017 = tpu.vector_load %arg9[%swap3A_1016] {strides = array<i32>} : memref<8192xf32, #tpu.memory_space<vmem>>, vector<16xf32>,
      tpu.vector_store %arg9[%swap3A_1016], %mul3A_1009 {strides = array<i32>} : memref<8192xf32, #tpu.memory_space<vmem>>, vector<16xf32>,
      %mul3A_1018 = arith.constant 2.000000e-02 : f32
      %mul3A_1019 = vector.broadcast %mul3A_1018 : f32 to vector<16xf32>
      %mul3A_1020 = arith.mulf %scan3A_983#3, %mul3A_1019 : vector<16xf32>
      %add3A_1021 = arith.constant 1 : i32
      %add3A_1022 = arith.addi %mul3A_961, %add3A_1021 : i32
      %mul3A_1023 = arith.constant 64 : i32
      %mul3A_1024 = arith.muli %add3A_1022, %mul3A_1023 : i32
      %add3A_1025 = arith.constant 16 : i32
      %add3A_1026 = arith.addi %mul3A_1024, %add3A_1025 : i32
      %swap3A_1027 = arith.index_cast %add3A_1026 : i32 to index
      %swap3A_1028 = tpu.vector_load %arg9[%swap3A_1027] {strides = array<i32>} : memref<8192xf32, #tpu.memory_space<vmem>>, vector<16xf32>,
      tpu.vector_store %arg9[%swap3A_1027], %mul3A_1020 {strides = array<i32>} : memref<8192xf32, #tpu.memory_space<vmem>>, vector<16xf32>,
      %mul3A_1029 = arith.constant 2.000000e-02 : f32
      %mul3A_1030 = vector.broadcast %mul3A_1029 : f32 to vector<16xf32>
      %mul3A_1031 = arith.mulf %scan3A_983#4, %mul3A_1030 : vector<16xf32>
      %add3A_1032 = arith.constant 0 : i32
      %add3A_1033 = arith.addi %mul3A_961, %add3A_1032 : i32
      %mul3A_1034 = arith.constant 64 : i32
      %mul3A_1035 = arith.muli %add3A_1033, %mul3A_1034 : i32
      %add3A_1036 = arith.constant 32 : i32
      %add3A_1037 = arith.addi %mul3A_1035, %add3A_1036 : i32
      %swap3A_1038 = arith.index_cast %add3A_1037 : i32 to index
      %swap3A_1039 = tpu.vector_load %arg9[%swap3A_1038] {strides = array<i32>} : memref<8192xf32, #tpu.memory_space<vmem>>, vector<16xf32>,
      tpu.vector_store %arg9[%swap3A_1038], %mul3A_1031 {strides = array<i32>} : memref<8192xf32, #tpu.memory_space<vmem>>, vector<16xf32>,
      %mul3A_1040 = arith.constant 2.000000e-02 : f32
      %mul3A_1041 = vector.broadcast %mul3A_1040 : f32 to vector<16xf32>
      %mul3A_1042 = arith.mulf %scan3A_983#5, %mul3A_1041 : vector<16xf32>
      %add3A_1043 = arith.constant 1 : i32
      %add3A_1044 = arith.addi %mul3A_961, %add3A_1043 : i32
      %mul3A_1045 = arith.constant 64 : i32
      %mul3A_1046 = arith.muli %add3A_1044, %mul3A_1045 : i32
      %add3A_1047 = arith.constant 32 : i32
      %add3A_1048 = arith.addi %mul3A_1046, %add3A_1047 : i32
      %swap3A_1049 = arith.index_cast %add3A_1048 : i32 to index
      %swap3A_1050 = tpu.vector_load %arg9[%swap3A_1049] {strides = array<i32>} : memref<8192xf32, #tpu.memory_space<vmem>>, vector<16xf32>,
      tpu.vector_store %arg9[%swap3A_1049], %mul3A_1042 {strides = array<i32>} : memref<8192xf32, #tpu.memory_space<vmem>>, vector<16xf32>,
      %mul3A_1051 = arith.constant 2.000000e-02 : f32
      %mul3A_1052 = vector.broadcast %mul3A_1051 : f32 to vector<16xf32>
      %mul3A_1053 = arith.mulf %scan3A_983#6, %mul3A_1052 : vector<16xf32>
      %add3A_1054 = arith.constant 0 : i32
      %add3A_1055 = arith.addi %mul3A_961, %add3A_1054 : i32
      %mul3A_1056 = arith.constant 64 : i32
      %mul3A_1057 = arith.muli %add3A_1055, %mul3A_1056 : i32
      %add3A_1058 = arith.constant 48 : i32
      %add3A_1059 = arith.addi %mul3A_1057, %add3A_1058 : i32
      %swap3A_1060 = arith.index_cast %add3A_1059 : i32 to index
      %swap3A_1061 = tpu.vector_load %arg9[%swap3A_1060] {strides = array<i32>} : memref<8192xf32, #tpu.memory_space<vmem>>, vector<16xf32>,
      tpu.vector_store %arg9[%swap3A_1060], %mul3A_1053 {strides = array<i32>} : memref<8192xf32, #tpu.memory_space<vmem>>, vector<16xf32>,
      %mul3A_1062 = arith.constant 2.000000e-02 : f32
      %mul3A_1063 = vector.broadcast %mul3A_1062 : f32 to vector<16xf32>
      %mul3A_1064 = arith.mulf %scan3A_983#7, %mul3A_1063 : vector<16xf32>
      %add3A_1065 = arith.constant 1 : i32
      %add3A_1066 = arith.addi %mul3A_961, %add3A_1065 : i32
      %mul3A_1067 = arith.constant 64 : i32
      %mul3A_1068 = arith.muli %add3A_1066, %mul3A_1067 : i32
      %add3A_1069 = arith.constant 48 : i32
      %add3A_1070 = arith.addi %mul3A_1068, %add3A_1069 : i32
      %swap3A_1071 = arith.index_cast %add3A_1070 : i32 to index
      %swap3A_1072 = tpu.vector_load %arg9[%swap3A_1071] {strides = array<i32>} : memref<8192xf32, #tpu.memory_space<vmem>>, vector<16xf32>,
      tpu.vector_store %arg9[%swap3A_1071], %mul3A_1064 {strides = array<i32>} : memref<8192xf32, #tpu.memory_space<vmem>>, vector<16xf32>,
      %add3A_1073 = arith.constant 8 : i32
      %add3A_1074 = arith.addi %add3A_945, %add3A_1073 : i32
      %lt3A_1075 = arith.constant 64 : i32
      %lt3A_1076 = arith.cmpi slt, %add3A_1074, %lt3A_1075 : i32
      %convert_element_type3A_1077 = arith.extui %lt3A_1076 : i1 to i32
      %cond3A_1078 = arith.constant 0 : i32
      %cond3A_1079 = arith.cmpi ne, %convert_element_type3A_1077, %cond3A_1078 : i32
      scf.if %cond3A_1079 {
        %dma_start3A_1216 = arith.constant 6 : i32
        %dma_start3A_1217 = arith.constant 6 : i32
        %dma_start3A_1218 = arith.constant 0 : i32
        %dma_start3A_1219 = arith.constant 0 : i32
        %dma_start3A_1220 = tpu.memref_slice %arg8[%dma_start3A_1216, %dma_start3A_1218, %dma_start3A_1219] : memref<8x100x64xf32, #tpu.memory_space<vmem>> -> memref<1x100x64xf32, #tpu.memory_space<vmem>>
        %dma_start3A_1221 = tpu.memref_squeeze %dma_start3A_1220 : memref<1x100x64xf32, #tpu.memory_space<vmem>> -> memref<100x64xf32, #tpu.memory_space<vmem>>
        %dma_start3A_1222 = arith.constant 0 : i32
        %dma_start3A_1223 = tpu.memref_slice %arg6[%add3A_1074, %dma_start3A_1222] : memref<64x100xi32, #tpu.memory_space<vmem>> -> memref<1x100xi32, #tpu.memory_space<vmem>>
        %dma_start3A_1224 = tpu.memref_squeeze %dma_start3A_1223 : memref<1x100xi32, #tpu.memory_space<vmem>> -> memref<100xi32, #tpu.memory_space<vmem>>
        %dma_start3A_1225 = arith.constant 0 : i32
        %dma_start3A_1226 = arith.constant 0 : i32
        %dma_start3A_1227 = tpu.memref_slice %arg2[%dma_start3A_1225, %dma_start3A_1226] : memref<1000000x64xf32, #tpu.memory_space<hbm>> -> memref<1000000x64xf32, #tpu.memory_space<hbm>>
        %dma_start3A_1228 = tpu.memref_slice %arg12[%dma_start3A_1217] : memref<8x!tpu.dma_semaphore, #tpu.memory_space<semaphore_mem>> -> memref<1x!tpu.dma_semaphore, #tpu.memory_space<semaphore_mem>>
        %dma_start3A_1229 = tpu.memref_squeeze %dma_start3A_1228 : memref<1x!tpu.dma_semaphore, #tpu.memory_space<semaphore_mem>> -> memref<!tpu.dma_semaphore, #tpu.memory_space<semaphore_mem>>
        tpu.enqueue_indirect_dma source(%dma_start3A_1227 : memref<1000000x64xf32, #tpu.memory_space<hbm>>) target(%dma_start3A_1221 : memref<100x64xf32, #tpu.memory_space<vmem>>) offsets(%dma_start3A_1224 : memref<100xi32, #tpu.memory_space<vmem>>) semaphore(%dma_start3A_1229 : memref<!tpu.dma_semaphore, #tpu.memory_space<semaphore_mem>>)
      } else {
      }
      %add3A_1080 = arith.constant 7 : i32
      %add3A_1081 = arith.addi %mul3A_133, %add3A_1080 : i32
      %dma_wait3A_1082 = arith.constant 7 : i32
      %dma_wait3A_1083 = arith.constant 7 : i32
      %dma_wait3A_1084 = arith.constant 0 : i32
      %dma_wait3A_1085 = arith.constant 0 : i32
      %dma_wait3A_1086 = tpu.memref_slice %arg8[%dma_wait3A_1082, %dma_wait3A_1084, %dma_wait3A_1085] : memref<8x100x64xf32, #tpu.memory_space<vmem>> -> memref<1x100x64xf32, #tpu.memory_space<vmem>>
      %dma_wait3A_1087 = tpu.memref_squeeze %dma_wait3A_1086 : memref<1x100x64xf32, #tpu.memory_space<vmem>> -> memref<100x64xf32, #tpu.memory_space<vmem>>
      %dma_wait3A_1088 = arith.constant 0 : i32
      %dma_wait3A_1089 = tpu.memref_slice %arg6[%add3A_1081, %dma_wait3A_1088] : memref<64x100xi32, #tpu.memory_space<vmem>> -> memref<1x100xi32, #tpu.memory_space<vmem>>
      %dma_wait3A_1090 = tpu.memref_squeeze %dma_wait3A_1089 : memref<1x100xi32, #tpu.memory_space<vmem>> -> memref<100xi32, #tpu.memory_space<vmem>>
      %dma_wait3A_1091 = arith.constant 0 : i32
      %dma_wait3A_1092 = arith.constant 0 : i32
      %dma_wait3A_1093 = tpu.memref_slice %arg2[%dma_wait3A_1091, %dma_wait3A_1092] : memref<1000000x64xf32, #tpu.memory_space<hbm>> -> memref<1000000x64xf32, #tpu.memory_space<hbm>>
      %dma_wait3A_1094 = tpu.memref_slice %arg12[%dma_wait3A_1083] : memref<8x!tpu.dma_semaphore, #tpu.memory_space<semaphore_mem>> -> memref<1x!tpu.dma_semaphore, #tpu.memory_space<semaphore_mem>>
      %dma_wait3A_1095 = tpu.memref_squeeze %dma_wait3A_1094 : memref<1x!tpu.dma_semaphore, #tpu.memory_space<semaphore_mem>> -> memref<!tpu.dma_semaphore, #tpu.memory_space<semaphore_mem>>
      tpu.wait_indirect_dma semaphore(%dma_wait3A_1095 : memref<!tpu.dma_semaphore, #tpu.memory_space<semaphore_mem>>) src(%dma_wait3A_1093 : memref<1000000x64xf32, #tpu.memory_space<hbm>>) dst(%dma_wait3A_1087 : memref<100x64xf32, #tpu.memory_space<vmem>>)
      %mul3A_1096 = arith.constant 2 : i32
      %mul3A_1097 = arith.muli %add3A_1081, %mul3A_1096 : i32
      %broadcast_in_dim3A_1098 = arith.constant 0.000000e+00 : f32
      %broadcast_in_dim3A_1099 = vector.broadcast %broadcast_in_dim3A_1098 : f32 to vector<16xf32>
      %broadcast_in_dim3A_1100 = arith.constant 0.000000e+00 : f32
      %broadcast_in_dim3A_1101 = vector.broadcast %broadcast_in_dim3A_1100 : f32 to vector<16xf32>
      %broadcast_in_dim3A_1102 = arith.constant 0.000000e+00 : f32
      %broadcast_in_dim3A_1103 = vector.broadcast %broadcast_in_dim3A_1102 : f32 to vector<16xf32>
      %broadcast_in_dim3A_1104 = arith.constant 0.000000e+00 : f32
      %broadcast_in_dim3A_1105 = vector.broadcast %broadcast_in_dim3A_1104 : f32 to vector<16xf32>
      %broadcast_in_dim3A_1106 = arith.constant 0.000000e+00 : f32
      %broadcast_in_dim3A_1107 = vector.broadcast %broadcast_in_dim3A_1106 : f32 to vector<16xf32>
      %broadcast_in_dim3A_1108 = arith.constant 0.000000e+00 : f32
      %broadcast_in_dim3A_1109 = vector.broadcast %broadcast_in_dim3A_1108 : f32 to vector<16xf32>
      %broadcast_in_dim3A_1110 = arith.constant 0.000000e+00 : f32
      %broadcast_in_dim3A_1111 = vector.broadcast %broadcast_in_dim3A_1110 : f32 to vector<16xf32>
      %broadcast_in_dim3A_1112 = arith.constant 0.000000e+00 : f32
      %broadcast_in_dim3A_1113 = vector.broadcast %broadcast_in_dim3A_1112 : f32 to vector<16xf32>
      %scan3A_1114 = arith.constant 7 : i32
      %scan3A_1115 = arith.constant 0 : i32
      %scan3A_1116 = arith.constant 50 : i32
      %scan3A_1117 = arith.addi %scan3A_1115, %scan3A_1116 : i32
      %scan3A_1118 = arith.constant 1 : i32
      %scan3A_1119:8 = scf.for %scan3A_1216 = %scan3A_1115 to %scan3A_1117 step %scan3A_1118 iter_args(%scan3A_1217 = %broadcast_in_dim3A_1099, %scan3A_1218 = %broadcast_in_dim3A_1101, %scan3A_1219 = %broadcast_in_dim3A_1103, %scan3A_1220 = %broadcast_in_dim3A_1105, %scan3A_1221 = %broadcast_in_dim3A_1107, %scan3A_1222 = %broadcast_in_dim3A_1109, %scan3A_1223 = %broadcast_in_dim3A_1111, %scan3A_1224 = %broadcast_in_dim3A_1113) -> (vector<16xf32>, vector<16xf32>, vector<16xf32>, vector<16xf32>, vector<16xf32>, vector<16xf32>, vector<16xf32>, vector<16xf32>)  : i32 {
        %mul3A_1225 = arith.constant 64 : i32
        %mul3A_1226 = arith.muli %scan3A_1216, %mul3A_1225 : i32
        %add3A_1227 = arith.constant 0 : i32
        %add3A_1228 = arith.addi %mul3A_1226, %add3A_1227 : i32
        %get3A = arith.index_cast %add3A_1228 : i32 to index
        %get3A_1229 = tpu.vector_load %arg7[%get3A] {strides = array<i32>} : memref<3200xf32, #tpu.memory_space<vmem>>, vector<16xf32>,
        %add3A_1230 = arith.constant 0 : i32
        %add3A_1231 = arith.addi %add3A_1230, %scan3A_1216 : i32
        %get3A_1232 = arith.constant 0 : i32
        %get3A_1233 = arith.constant 0 : i32
        %get3A_1234 = tpu.memref_slice %arg8[%scan3A_1114, %get3A_1232, %get3A_1233] : memref<8x100x64xf32, #tpu.memory_space<vmem>> -> memref<1x100x64xf32, #tpu.memory_space<vmem>>
        %get3A_1235 = tpu.memref_squeeze %get3A_1234 : memref<1x100x64xf32, #tpu.memory_space<vmem>> -> memref<100x64xf32, #tpu.memory_space<vmem>>
        %get3A_1236 = arith.index_cast %add3A_1231 : i32 to index
        %get3A_1237 = arith.constant 0 : index
        %get3A_1238 = tpu.vector_load %get3A_1235[%get3A_1236, %get3A_1237] {strides = array<i32>} : memref<100x64xf32, #tpu.memory_space<vmem>>, vector<16xf32>,
        %mul3A_1239 = arith.mulf %get3A_1238, %get3A_1229 : vector<16xf32>
        %add3A_1240 = arith.addf %scan3A_1217, %mul3A_1239 : vector<16xf32>
        %add3A_1241 = arith.constant 50 : i32
        %add3A_1242 = arith.addi %add3A_1241, %scan3A_1216 : i32
        %get3A_1243 = arith.constant 0 : i32
        %get3A_1244 = arith.constant 0 : i32
        %get3A_1245 = tpu.memref_slice %arg8[%scan3A_1114, %get3A_1243, %get3A_1244] : memref<8x100x64xf32, #tpu.memory_space<vmem>> -> memref<1x100x64xf32, #tpu.memory_space<vmem>>
        %get3A_1246 = tpu.memref_squeeze %get3A_1245 : memref<1x100x64xf32, #tpu.memory_space<vmem>> -> memref<100x64xf32, #tpu.memory_space<vmem>>
        %get3A_1247 = arith.index_cast %add3A_1242 : i32 to index
        %get3A_1248 = arith.constant 0 : index
        %get3A_1249 = tpu.vector_load %get3A_1246[%get3A_1247, %get3A_1248] {strides = array<i32>} : memref<100x64xf32, #tpu.memory_space<vmem>>, vector<16xf32>,
        %mul3A_1250 = arith.mulf %get3A_1249, %get3A_1229 : vector<16xf32>
        %add3A_1251 = arith.addf %scan3A_1218, %mul3A_1250 : vector<16xf32>
        %mul3A_1252 = arith.constant 64 : i32
        %mul3A_1253 = arith.muli %scan3A_1216, %mul3A_1252 : i32
        %add3A_1254 = arith.constant 16 : i32
        %add3A_1255 = arith.addi %mul3A_1253, %add3A_1254 : i32
        %get3A_1256 = arith.index_cast %add3A_1255 : i32 to index
        %get3A_1257 = tpu.vector_load %arg7[%get3A_1256] {strides = array<i32>} : memref<3200xf32, #tpu.memory_space<vmem>>, vector<16xf32>,
        %add3A_1258 = arith.constant 0 : i32
        %add3A_1259 = arith.addi %add3A_1258, %scan3A_1216 : i32
        %get3A_1260 = arith.constant 0 : i32
        %get3A_1261 = arith.constant 0 : i32
        %get3A_1262 = tpu.memref_slice %arg8[%scan3A_1114, %get3A_1260, %get3A_1261] : memref<8x100x64xf32, #tpu.memory_space<vmem>> -> memref<1x100x64xf32, #tpu.memory_space<vmem>>
        %get3A_1263 = tpu.memref_squeeze %get3A_1262 : memref<1x100x64xf32, #tpu.memory_space<vmem>> -> memref<100x64xf32, #tpu.memory_space<vmem>>
        %get3A_1264 = arith.index_cast %add3A_1259 : i32 to index
        %get3A_1265 = arith.constant 16 : index
        %get3A_1266 = tpu.vector_load %get3A_1263[%get3A_1264, %get3A_1265] {strides = array<i32>} : memref<100x64xf32, #tpu.memory_space<vmem>>, vector<16xf32>,
        %mul3A_1267 = arith.mulf %get3A_1266, %get3A_1257 : vector<16xf32>
        %add3A_1268 = arith.addf %scan3A_1219, %mul3A_1267 : vector<16xf32>
        %add3A_1269 = arith.constant 50 : i32
        %add3A_1270 = arith.addi %add3A_1269, %scan3A_1216 : i32
        %get3A_1271 = arith.constant 0 : i32
        %get3A_1272 = arith.constant 0 : i32
        %get3A_1273 = tpu.memref_slice %arg8[%scan3A_1114, %get3A_1271, %get3A_1272] : memref<8x100x64xf32, #tpu.memory_space<vmem>> -> memref<1x100x64xf32, #tpu.memory_space<vmem>>
        %get3A_1274 = tpu.memref_squeeze %get3A_1273 : memref<1x100x64xf32, #tpu.memory_space<vmem>> -> memref<100x64xf32, #tpu.memory_space<vmem>>
        %get3A_1275 = arith.index_cast %add3A_1270 : i32 to index
        %get3A_1276 = arith.constant 16 : index
        %get3A_1277 = tpu.vector_load %get3A_1274[%get3A_1275, %get3A_1276] {strides = array<i32>} : memref<100x64xf32, #tpu.memory_space<vmem>>, vector<16xf32>,
        %mul3A_1278 = arith.mulf %get3A_1277, %get3A_1257 : vector<16xf32>
        %add3A_1279 = arith.addf %scan3A_1220, %mul3A_1278 : vector<16xf32>
        %mul3A_1280 = arith.constant 64 : i32
        %mul3A_1281 = arith.muli %scan3A_1216, %mul3A_1280 : i32
        %add3A_1282 = arith.constant 32 : i32
        %add3A_1283 = arith.addi %mul3A_1281, %add3A_1282 : i32
        %get3A_1284 = arith.index_cast %add3A_1283 : i32 to index
        %get3A_1285 = tpu.vector_load %arg7[%get3A_1284] {strides = array<i32>} : memref<3200xf32, #tpu.memory_space<vmem>>, vector<16xf32>,
        %add3A_1286 = arith.constant 0 : i32
        %add3A_1287 = arith.addi %add3A_1286, %scan3A_1216 : i32
        %get3A_1288 = arith.constant 0 : i32
        %get3A_1289 = arith.constant 0 : i32
        %get3A_1290 = tpu.memref_slice %arg8[%scan3A_1114, %get3A_1288, %get3A_1289] : memref<8x100x64xf32, #tpu.memory_space<vmem>> -> memref<1x100x64xf32, #tpu.memory_space<vmem>>
        %get3A_1291 = tpu.memref_squeeze %get3A_1290 : memref<1x100x64xf32, #tpu.memory_space<vmem>> -> memref<100x64xf32, #tpu.memory_space<vmem>>
        %get3A_1292 = arith.index_cast %add3A_1287 : i32 to index
        %get3A_1293 = arith.constant 32 : index
        %get3A_1294 = tpu.vector_load %get3A_1291[%get3A_1292, %get3A_1293] {strides = array<i32>} : memref<100x64xf32, #tpu.memory_space<vmem>>, vector<16xf32>,
        %mul3A_1295 = arith.mulf %get3A_1294, %get3A_1285 : vector<16xf32>
        %add3A_1296 = arith.addf %scan3A_1221, %mul3A_1295 : vector<16xf32>
        %add3A_1297 = arith.constant 50 : i32
        %add3A_1298 = arith.addi %add3A_1297, %scan3A_1216 : i32
        %get3A_1299 = arith.constant 0 : i32
        %get3A_1300 = arith.constant 0 : i32
        %get3A_1301 = tpu.memref_slice %arg8[%scan3A_1114, %get3A_1299, %get3A_1300] : memref<8x100x64xf32, #tpu.memory_space<vmem>> -> memref<1x100x64xf32, #tpu.memory_space<vmem>>
        %get3A_1302 = tpu.memref_squeeze %get3A_1301 : memref<1x100x64xf32, #tpu.memory_space<vmem>> -> memref<100x64xf32, #tpu.memory_space<vmem>>
        %get3A_1303 = arith.index_cast %add3A_1298 : i32 to index
        %get3A_1304 = arith.constant 32 : index
        %get3A_1305 = tpu.vector_load %get3A_1302[%get3A_1303, %get3A_1304] {strides = array<i32>} : memref<100x64xf32, #tpu.memory_space<vmem>>, vector<16xf32>,
        %mul3A_1306 = arith.mulf %get3A_1305, %get3A_1285 : vector<16xf32>
        %add3A_1307 = arith.addf %scan3A_1222, %mul3A_1306 : vector<16xf32>
        %mul3A_1308 = arith.constant 64 : i32
        %mul3A_1309 = arith.muli %scan3A_1216, %mul3A_1308 : i32
        %add3A_1310 = arith.constant 48 : i32
        %add3A_1311 = arith.addi %mul3A_1309, %add3A_1310 : i32
        %get3A_1312 = arith.index_cast %add3A_1311 : i32 to index
        %get3A_1313 = tpu.vector_load %arg7[%get3A_1312] {strides = array<i32>} : memref<3200xf32, #tpu.memory_space<vmem>>, vector<16xf32>,
        %add3A_1314 = arith.constant 0 : i32
        %add3A_1315 = arith.addi %add3A_1314, %scan3A_1216 : i32
        %get3A_1316 = arith.constant 0 : i32
        %get3A_1317 = arith.constant 0 : i32
        %get3A_1318 = tpu.memref_slice %arg8[%scan3A_1114, %get3A_1316, %get3A_1317] : memref<8x100x64xf32, #tpu.memory_space<vmem>> -> memref<1x100x64xf32, #tpu.memory_space<vmem>>
        %get3A_1319 = tpu.memref_squeeze %get3A_1318 : memref<1x100x64xf32, #tpu.memory_space<vmem>> -> memref<100x64xf32, #tpu.memory_space<vmem>>
        %get3A_1320 = arith.index_cast %add3A_1315 : i32 to index
        %get3A_1321 = arith.constant 48 : index
        %get3A_1322 = tpu.vector_load %get3A_1319[%get3A_1320, %get3A_1321] {strides = array<i32>} : memref<100x64xf32, #tpu.memory_space<vmem>>, vector<16xf32>,
        %mul3A_1323 = arith.mulf %get3A_1322, %get3A_1313 : vector<16xf32>
        %add3A_1324 = arith.addf %scan3A_1223, %mul3A_1323 : vector<16xf32>
        %add3A_1325 = arith.constant 50 : i32
        %add3A_1326 = arith.addi %add3A_1325, %scan3A_1216 : i32
        %get3A_1327 = arith.constant 0 : i32
        %get3A_1328 = arith.constant 0 : i32
        %get3A_1329 = tpu.memref_slice %arg8[%scan3A_1114, %get3A_1327, %get3A_1328] : memref<8x100x64xf32, #tpu.memory_space<vmem>> -> memref<1x100x64xf32, #tpu.memory_space<vmem>>
        %get3A_1330 = tpu.memref_squeeze %get3A_1329 : memref<1x100x64xf32, #tpu.memory_space<vmem>> -> memref<100x64xf32, #tpu.memory_space<vmem>>
        %get3A_1331 = arith.index_cast %add3A_1326 : i32 to index
        %get3A_1332 = arith.constant 48 : index
        %get3A_1333 = tpu.vector_load %get3A_1330[%get3A_1331, %get3A_1332] {strides = array<i32>} : memref<100x64xf32, #tpu.memory_space<vmem>>, vector<16xf32>,
        %mul3A_1334 = arith.mulf %get3A_1333, %get3A_1313 : vector<16xf32>
        %add3A_1335 = arith.addf %scan3A_1224, %mul3A_1334 : vector<16xf32>
        scf.yield %add3A_1240, %add3A_1251, %add3A_1268, %add3A_1279, %add3A_1296, %add3A_1307, %add3A_1324, %add3A_1335 : vector<16xf32>, vector<16xf32>, vector<16xf32>, vector<16xf32>, vector<16xf32>, vector<16xf32>, vector<16xf32>, vector<16xf32>
      }
      %scan3A_1120 = arith.constant 50 : i32
      %mul3A_1121 = arith.constant 2.000000e-02 : f32
      %mul3A_1122 = vector.broadcast %mul3A_1121 : f32 to vector<16xf32>
      %mul3A_1123 = arith.mulf %scan3A_1119#0, %mul3A_1122 : vector<16xf32>
      %add3A_1124 = arith.constant 0 : i32
      %add3A_1125 = arith.addi %mul3A_1097, %add3A_1124 : i32
      %mul3A_1126 = arith.constant 64 : i32
      %mul3A_1127 = arith.muli %add3A_1125, %mul3A_1126 : i32
      %add3A_1128 = arith.constant 0 : i32
      %add3A_1129 = arith.addi %mul3A_1127, %add3A_1128 : i32
      %swap3A_1130 = arith.index_cast %add3A_1129 : i32 to index
      %swap3A_1131 = tpu.vector_load %arg9[%swap3A_1130] {strides = array<i32>} : memref<8192xf32, #tpu.memory_space<vmem>>, vector<16xf32>,
      tpu.vector_store %arg9[%swap3A_1130], %mul3A_1123 {strides = array<i32>} : memref<8192xf32, #tpu.memory_space<vmem>>, vector<16xf32>,
      %mul3A_1132 = arith.constant 2.000000e-02 : f32
      %mul3A_1133 = vector.broadcast %mul3A_1132 : f32 to vector<16xf32>
      %mul3A_1134 = arith.mulf %scan3A_1119#1, %mul3A_1133 : vector<16xf32>
      %add3A_1135 = arith.constant 1 : i32
      %add3A_1136 = arith.addi %mul3A_1097, %add3A_1135 : i32
      %mul3A_1137 = arith.constant 64 : i32
      %mul3A_1138 = arith.muli %add3A_1136, %mul3A_1137 : i32
      %add3A_1139 = arith.constant 0 : i32
      %add3A_1140 = arith.addi %mul3A_1138, %add3A_1139 : i32
      %swap3A_1141 = arith.index_cast %add3A_1140 : i32 to index
      %swap3A_1142 = tpu.vector_load %arg9[%swap3A_1141] {strides = array<i32>} : memref<8192xf32, #tpu.memory_space<vmem>>, vector<16xf32>,
      tpu.vector_store %arg9[%swap3A_1141], %mul3A_1134 {strides = array<i32>} : memref<8192xf32, #tpu.memory_space<vmem>>, vector<16xf32>,
      %mul3A_1143 = arith.constant 2.000000e-02 : f32
      %mul3A_1144 = vector.broadcast %mul3A_1143 : f32 to vector<16xf32>
      %mul3A_1145 = arith.mulf %scan3A_1119#2, %mul3A_1144 : vector<16xf32>
      %add3A_1146 = arith.constant 0 : i32
      %add3A_1147 = arith.addi %mul3A_1097, %add3A_1146 : i32
      %mul3A_1148 = arith.constant 64 : i32
      %mul3A_1149 = arith.muli %add3A_1147, %mul3A_1148 : i32
      %add3A_1150 = arith.constant 16 : i32
      %add3A_1151 = arith.addi %mul3A_1149, %add3A_1150 : i32
      %swap3A_1152 = arith.index_cast %add3A_1151 : i32 to index
      %swap3A_1153 = tpu.vector_load %arg9[%swap3A_1152] {strides = array<i32>} : memref<8192xf32, #tpu.memory_space<vmem>>, vector<16xf32>,
      tpu.vector_store %arg9[%swap3A_1152], %mul3A_1145 {strides = array<i32>} : memref<8192xf32, #tpu.memory_space<vmem>>, vector<16xf32>,
      %mul3A_1154 = arith.constant 2.000000e-02 : f32
      %mul3A_1155 = vector.broadcast %mul3A_1154 : f32 to vector<16xf32>
      %mul3A_1156 = arith.mulf %scan3A_1119#3, %mul3A_1155 : vector<16xf32>
      %add3A_1157 = arith.constant 1 : i32
      %add3A_1158 = arith.addi %mul3A_1097, %add3A_1157 : i32
      %mul3A_1159 = arith.constant 64 : i32
      %mul3A_1160 = arith.muli %add3A_1158, %mul3A_1159 : i32
      %add3A_1161 = arith.constant 16 : i32
      %add3A_1162 = arith.addi %mul3A_1160, %add3A_1161 : i32
      %swap3A_1163 = arith.index_cast %add3A_1162 : i32 to index
      %swap3A_1164 = tpu.vector_load %arg9[%swap3A_1163] {strides = array<i32>} : memref<8192xf32, #tpu.memory_space<vmem>>, vector<16xf32>,
      tpu.vector_store %arg9[%swap3A_1163], %mul3A_1156 {strides = array<i32>} : memref<8192xf32, #tpu.memory_space<vmem>>, vector<16xf32>,
      %mul3A_1165 = arith.constant 2.000000e-02 : f32
      %mul3A_1166 = vector.broadcast %mul3A_1165 : f32 to vector<16xf32>
      %mul3A_1167 = arith.mulf %scan3A_1119#4, %mul3A_1166 : vector<16xf32>
      %add3A_1168 = arith.constant 0 : i32
      %add3A_1169 = arith.addi %mul3A_1097, %add3A_1168 : i32
      %mul3A_1170 = arith.constant 64 : i32
      %mul3A_1171 = arith.muli %add3A_1169, %mul3A_1170 : i32
      %add3A_1172 = arith.constant 32 : i32
      %add3A_1173 = arith.addi %mul3A_1171, %add3A_1172 : i32
      %swap3A_1174 = arith.index_cast %add3A_1173 : i32 to index
      %swap3A_1175 = tpu.vector_load %arg9[%swap3A_1174] {strides = array<i32>} : memref<8192xf32, #tpu.memory_space<vmem>>, vector<16xf32>,
      tpu.vector_store %arg9[%swap3A_1174], %mul3A_1167 {strides = array<i32>} : memref<8192xf32, #tpu.memory_space<vmem>>, vector<16xf32>,
      %mul3A_1176 = arith.constant 2.000000e-02 : f32
      %mul3A_1177 = vector.broadcast %mul3A_1176 : f32 to vector<16xf32>
      %mul3A_1178 = arith.mulf %scan3A_1119#5, %mul3A_1177 : vector<16xf32>
      %add3A_1179 = arith.constant 1 : i32
      %add3A_1180 = arith.addi %mul3A_1097, %add3A_1179 : i32
      %mul3A_1181 = arith.constant 64 : i32
      %mul3A_1182 = arith.muli %add3A_1180, %mul3A_1181 : i32
      %add3A_1183 = arith.constant 32 : i32
      %add3A_1184 = arith.addi %mul3A_1182, %add3A_1183 : i32
      %swap3A_1185 = arith.index_cast %add3A_1184 : i32 to index
      %swap3A_1186 = tpu.vector_load %arg9[%swap3A_1185] {strides = array<i32>} : memref<8192xf32, #tpu.memory_space<vmem>>, vector<16xf32>,
      tpu.vector_store %arg9[%swap3A_1185], %mul3A_1178 {strides = array<i32>} : memref<8192xf32, #tpu.memory_space<vmem>>, vector<16xf32>,
      %mul3A_1187 = arith.constant 2.000000e-02 : f32
      %mul3A_1188 = vector.broadcast %mul3A_1187 : f32 to vector<16xf32>
      %mul3A_1189 = arith.mulf %scan3A_1119#6, %mul3A_1188 : vector<16xf32>
      %add3A_1190 = arith.constant 0 : i32
      %add3A_1191 = arith.addi %mul3A_1097, %add3A_1190 : i32
      %mul3A_1192 = arith.constant 64 : i32
      %mul3A_1193 = arith.muli %add3A_1191, %mul3A_1192 : i32
      %add3A_1194 = arith.constant 48 : i32
      %add3A_1195 = arith.addi %mul3A_1193, %add3A_1194 : i32
      %swap3A_1196 = arith.index_cast %add3A_1195 : i32 to index
      %swap3A_1197 = tpu.vector_load %arg9[%swap3A_1196] {strides = array<i32>} : memref<8192xf32, #tpu.memory_space<vmem>>, vector<16xf32>,
      tpu.vector_store %arg9[%swap3A_1196], %mul3A_1189 {strides = array<i32>} : memref<8192xf32, #tpu.memory_space<vmem>>, vector<16xf32>,
      %mul3A_1198 = arith.constant 2.000000e-02 : f32
      %mul3A_1199 = vector.broadcast %mul3A_1198 : f32 to vector<16xf32>
      %mul3A_1200 = arith.mulf %scan3A_1119#7, %mul3A_1199 : vector<16xf32>
      %add3A_1201 = arith.constant 1 : i32
      %add3A_1202 = arith.addi %mul3A_1097, %add3A_1201 : i32
      %mul3A_1203 = arith.constant 64 : i32
      %mul3A_1204 = arith.muli %add3A_1202, %mul3A_1203 : i32
      %add3A_1205 = arith.constant 48 : i32
      %add3A_1206 = arith.addi %mul3A_1204, %add3A_1205 : i32
      %swap3A_1207 = arith.index_cast %add3A_1206 : i32 to index
      %swap3A_1208 = tpu.vector_load %arg9[%swap3A_1207] {strides = array<i32>} : memref<8192xf32, #tpu.memory_space<vmem>>, vector<16xf32>,
      tpu.vector_store %arg9[%swap3A_1207], %mul3A_1200 {strides = array<i32>} : memref<8192xf32, #tpu.memory_space<vmem>>, vector<16xf32>,
      %add3A_1209 = arith.constant 8 : i32
      %add3A_1210 = arith.addi %add3A_1081, %add3A_1209 : i32
      %lt3A_1211 = arith.constant 64 : i32
      %lt3A_1212 = arith.cmpi slt, %add3A_1210, %lt3A_1211 : i32
      %convert_element_type3A_1213 = arith.extui %lt3A_1212 : i1 to i32
      %cond3A_1214 = arith.constant 0 : i32
      %cond3A_1215 = arith.cmpi ne, %convert_element_type3A_1213, %cond3A_1214 : i32
      scf.if %cond3A_1215 {
        %dma_start3A_1216 = arith.constant 7 : i32
        %dma_start3A_1217 = arith.constant 7 : i32
        %dma_start3A_1218 = arith.constant 0 : i32
        %dma_start3A_1219 = arith.constant 0 : i32
        %dma_start3A_1220 = tpu.memref_slice %arg8[%dma_start3A_1216, %dma_start3A_1218, %dma_start3A_1219] : memref<8x100x64xf32, #tpu.memory_space<vmem>> -> memref<1x100x64xf32, #tpu.memory_space<vmem>>
        %dma_start3A_1221 = tpu.memref_squeeze %dma_start3A_1220 : memref<1x100x64xf32, #tpu.memory_space<vmem>> -> memref<100x64xf32, #tpu.memory_space<vmem>>
        %dma_start3A_1222 = arith.constant 0 : i32
        %dma_start3A_1223 = tpu.memref_slice %arg6[%add3A_1210, %dma_start3A_1222] : memref<64x100xi32, #tpu.memory_space<vmem>> -> memref<1x100xi32, #tpu.memory_space<vmem>>
        %dma_start3A_1224 = tpu.memref_squeeze %dma_start3A_1223 : memref<1x100xi32, #tpu.memory_space<vmem>> -> memref<100xi32, #tpu.memory_space<vmem>>
        %dma_start3A_1225 = arith.constant 0 : i32
        %dma_start3A_1226 = arith.constant 0 : i32
        %dma_start3A_1227 = tpu.memref_slice %arg2[%dma_start3A_1225, %dma_start3A_1226] : memref<1000000x64xf32, #tpu.memory_space<hbm>> -> memref<1000000x64xf32, #tpu.memory_space<hbm>>
        %dma_start3A_1228 = tpu.memref_slice %arg12[%dma_start3A_1217] : memref<8x!tpu.dma_semaphore, #tpu.memory_space<semaphore_mem>> -> memref<1x!tpu.dma_semaphore, #tpu.memory_space<semaphore_mem>>
        %dma_start3A_1229 = tpu.memref_squeeze %dma_start3A_1228 : memref<1x!tpu.dma_semaphore, #tpu.memory_space<semaphore_mem>> -> memref<!tpu.dma_semaphore, #tpu.memory_space<semaphore_mem>>
        tpu.enqueue_indirect_dma source(%dma_start3A_1227 : memref<1000000x64xf32, #tpu.memory_space<hbm>>) target(%dma_start3A_1221 : memref<100x64xf32, #tpu.memory_space<vmem>>) offsets(%dma_start3A_1224 : memref<100xi32, #tpu.memory_space<vmem>>) semaphore(%dma_start3A_1229 : memref<!tpu.dma_semaphore, #tpu.memory_space<semaphore_mem>>)
      } else {
      }
    }
    %scan3A_124 = arith.constant 8 : i32
    %scan3A_125 = arith.constant 0 : i32
    %scan3A_126 = arith.constant 0 : i32
    %scan3A_127 = arith.constant 128 : i32
    %scan3A_128 = arith.addi %scan3A_126, %scan3A_127 : i32
    %scan3A_129 = arith.constant 1 : i32
    scf.for %scan3A_131 = %scan3A_126 to %scan3A_128 step %scan3A_129  : i32 {
      %jit3A = arith.constant 2 : i32
      %div3A = arith.divsi %scan3A_131, %jit3A : i32
      %sign3A = arith.constant 0 : i32
      %sign3A_132 = arith.cmpi sgt, %scan3A_131, %sign3A : i32
      %sign3A_133 = arith.extui %sign3A_132 : i1 to i32
      %sign3A_134 = arith.constant 0 : i32
      %sign3A_135 = arith.cmpi slt, %scan3A_131, %sign3A_134 : i32
      %sign3A_136 = arith.extui %sign3A_135 : i1 to i32
      %sign3A_137 = arith.subi %sign3A_133, %sign3A_136 : i32
      %sign3A_138 = arith.constant 0 : i32
      %sign3A_139 = arith.cmpi sgt, %jit3A, %sign3A_138 : i32
      %sign3A_140 = arith.extui %sign3A_139 : i1 to i32
      %sign3A_141 = arith.constant 0 : i32
      %sign3A_142 = arith.cmpi slt, %jit3A, %sign3A_141 : i32
      %sign3A_143 = arith.extui %sign3A_142 : i1 to i32
      %sign3A_144 = arith.subi %sign3A_140, %sign3A_143 : i32
      %ne3A = arith.cmpi ne, %sign3A_137, %sign3A_144 : i32
      %rem3A = arith.remsi %scan3A_131, %jit3A : i32
      %ne3A_145 = arith.constant 0 : i32
      %ne3A_146 = arith.cmpi ne, %rem3A, %ne3A_145 : i32
      %and3A = arith.andi %ne3A, %ne3A_146 : i1
      %sub3A = arith.constant 1 : i32
      %sub3A_147 = arith.subi %div3A, %sub3A : i32
      %select_n3A = arith.select %and3A, %sub3A_147, %div3A : i32
      %jit3A_148 = arith.constant 2 : i32
      %eq3A = arith.constant 0 : i32
      %eq3A_149 = arith.cmpi eq, %jit3A_148, %eq3A : i32
      %jit3A_150 = arith.constant 1 : i32
      %select_n3A_151 = arith.select %eq3A_149, %jit3A_150, %jit3A_148 : i32
      %rem3A_152 = arith.remsi %scan3A_131, %select_n3A_151 : i32
      %ne3A_153 = arith.constant 0 : i32
      %ne3A_154 = arith.cmpi ne, %rem3A_152, %ne3A_153 : i32
      %lt3A = arith.constant 0 : i32
      %lt3A_155 = arith.cmpi slt, %rem3A_152, %lt3A : i32
      %lt3A_156 = arith.constant 0 : i32
      %lt3A_157 = arith.cmpi slt, %select_n3A_151, %lt3A_156 : i32
      %ne3A_158 = arith.xori %lt3A_155, %lt3A_157 : i1
      %and3A_159 = arith.andi %ne3A_158, %ne3A_154 : i1
      %add3A_160 = arith.addi %rem3A_152, %select_n3A_151 : i32
      %select_n3A_161 = arith.select %and3A_159, %add3A_160, %rem3A_152 : i32
      %mul3A_162 = arith.constant 50 : i32
      %mul3A_163 = arith.muli %select_n3A_161, %mul3A_162 : i32
      %add3A_164 = arith.constant 0 : i32
      %add3A_165 = arith.addi %mul3A_163, %add3A_164 : i32
      %get3A = arith.index_cast %select_n3A : i32 to index
      %get3A_166 = arith.index_cast %add3A_165 : i32 to index
      %get3A_167 = tpu.vector_load %arg6[%get3A, %get3A_166] {strides = array<i32>} : memref<64x100xi32, #tpu.memory_space<vmem>>, vector<16xi32>,
      %add3A_168 = arith.constant 16 : i32
      %add3A_169 = arith.addi %mul3A_163, %add3A_168 : i32
      %get3A_170 = arith.index_cast %select_n3A : i32 to index
      %get3A_171 = arith.index_cast %add3A_169 : i32 to index
      %get3A_172 = tpu.vector_load %arg6[%get3A_170, %get3A_171] {strides = array<i32>} : memref<64x100xi32, #tpu.memory_space<vmem>>, vector<16xi32>,
      %add3A_173 = arith.constant 32 : i32
      %add3A_174 = arith.addi %mul3A_163, %add3A_173 : i32
      %get3A_175 = arith.index_cast %select_n3A : i32 to index
      %get3A_176 = arith.index_cast %add3A_174 : i32 to index
      %get3A_177 = tpu.vector_load %arg6[%get3A_175, %get3A_176] {strides = array<i32>} : memref<64x100xi32, #tpu.memory_space<vmem>>, vector<16xi32>,
      %add3A_178 = arith.constant 34 : i32
      %add3A_179 = arith.addi %mul3A_163, %add3A_178 : i32
      %get3A_180 = arith.index_cast %select_n3A : i32 to index
      %get3A_181 = arith.index_cast %add3A_179 : i32 to index
      %get3A_182 = tpu.vector_load %arg6[%get3A_180, %get3A_181] {strides = array<i32>} : memref<64x100xi32, #tpu.memory_space<vmem>>, vector<16xi32>,
      %eq3A_183 = arith.constant 0 : i32
      %eq3A_184 = vector.broadcast %eq3A_183 : i32 to vector<16xi32>
      %eq3A_185 = arith.cmpi eq, %get3A_167, %eq3A_184 : vector<16xi32>
      %eq3A_186 = arith.constant 0 : i32
      %eq3A_187 = vector.broadcast %eq3A_186 : i32 to vector<16xi32>
      %eq3A_188 = arith.cmpi eq, %get3A_172, %eq3A_187 : vector<16xi32>
      %eq3A_189 = arith.constant 0 : i32
      %eq3A_190 = vector.broadcast %eq3A_189 : i32 to vector<16xi32>
      %eq3A_191 = arith.cmpi eq, %get3A_177, %eq3A_190 : vector<16xi32>
      %eq3A_192 = arith.constant 0 : i32
      %eq3A_193 = vector.broadcast %eq3A_192 : i32 to vector<16xi32>
      %eq3A_194 = arith.cmpi eq, %get3A_182, %eq3A_193 : vector<16xi32>
      %or3A = arith.ori %eq3A_185, %eq3A_188 : vector<16xi1>
      %or3A_195 = arith.ori %or3A, %eq3A_191 : vector<16xi1>
      %or3A_196 = arith.ori %or3A_195, %eq3A_194 : vector<16xi1>
      %reduce_or3A = arith.constant 1.000000e+00 : f32
      %reduce_or3A_197 = arith.constant 0.000000e+00 : f32
      %reduce_or3A_198 = vector.broadcast %reduce_or3A : f32 to vector<16xf32>
      %reduce_or3A_199 = vector.broadcast %reduce_or3A_197 : f32 to vector<16xf32>
      %reduce_or3A_200 = arith.select %or3A_196, %reduce_or3A_198, %reduce_or3A_199 : vector<16xi1>, vector<16xf32>
      %reduce_or3A_201 = arith.constant true
      %reduce_or3A_202 = vector.broadcast %reduce_or3A_201 : i1 to vector<16xi1>
      %reduce_or3A_203 = tpu.scan <max>, %reduce_or3A_200 masked %reduce_or3A_202 : vector<16xf32>, vector<16xi1> -> vector<16xf32>
      %reduce_or3A_204 = vector.extract %reduce_or3A_203[15] : f32 from vector<16xf32>
      %reduce_or3A_205 = arith.constant 0.000000e+00 : f32
      %reduce_or3A_206 = arith.cmpf ogt, %reduce_or3A_204, %reduce_or3A_205 : f32
      %convert_element_type3A = arith.extui %reduce_or3A_206 : i1 to i32
      %cond3A = arith.constant 0 : i32
      %cond3A_207 = arith.cmpi ne, %convert_element_type3A, %cond3A : i32
      scf.if %cond3A_207 {
        %jit3A_208 = arith.constant 1.000000e+00 : f32
        %jit3A_209 = arith.constant 0.000000e+00 : f32
        %broadcast_in_dim3A = vector.broadcast %jit3A_208 : f32 to vector<16xf32>
        %broadcast_in_dim3A_210 = vector.broadcast %jit3A_209 : f32 to vector<16xf32>
        %select_n3A_211 = arith.select %eq3A_185, %broadcast_in_dim3A, %broadcast_in_dim3A_210 : vector<16xi1>, vector<16xf32>
        %jit3A_212 = arith.constant 1.000000e+00 : f32
        %jit3A_213 = arith.constant 0.000000e+00 : f32
        %broadcast_in_dim3A_214 = vector.broadcast %jit3A_212 : f32 to vector<16xf32>
        %broadcast_in_dim3A_215 = vector.broadcast %jit3A_213 : f32 to vector<16xf32>
        %select_n3A_216 = arith.select %eq3A_188, %broadcast_in_dim3A_214, %broadcast_in_dim3A_215 : vector<16xi1>, vector<16xf32>
        %jit3A_217 = arith.constant 1.000000e+00 : f32
        %jit3A_218 = arith.constant 0.000000e+00 : f32
        %broadcast_in_dim3A_219 = vector.broadcast %jit3A_217 : f32 to vector<16xf32>
        %broadcast_in_dim3A_220 = vector.broadcast %jit3A_218 : f32 to vector<16xf32>
        %select_n3A_221 = arith.select %eq3A_191, %broadcast_in_dim3A_219, %broadcast_in_dim3A_220 : vector<16xi1>, vector<16xf32>
        %jit3A_222 = arith.constant 1.000000e+00 : f32
        %jit3A_223 = arith.constant 0.000000e+00 : f32
        %broadcast_in_dim3A_224 = vector.broadcast %jit3A_222 : f32 to vector<16xf32>
        %broadcast_in_dim3A_225 = vector.broadcast %jit3A_223 : f32 to vector<16xf32>
        %select_n3A_226 = arith.select %eq3A_194, %broadcast_in_dim3A_224, %broadcast_in_dim3A_225 : vector<16xi1>, vector<16xf32>
        %swap3A = arith.constant 0 : index
        %swap3A_227 = tpu.vector_load %arg11[%swap3A] {strides = array<i32>} : memref<80xf32, #tpu.memory_space<vmem>>, vector<16xf32>,
        tpu.vector_store %arg11[%swap3A], %select_n3A_211 {strides = array<i32>} : memref<80xf32, #tpu.memory_space<vmem>>, vector<16xf32>,
        %swap3A_228 = arith.constant 16 : index
        %swap3A_229 = tpu.vector_load %arg11[%swap3A_228] {strides = array<i32>} : memref<80xf32, #tpu.memory_space<vmem>>, vector<16xf32>,
        tpu.vector_store %arg11[%swap3A_228], %select_n3A_216 {strides = array<i32>} : memref<80xf32, #tpu.memory_space<vmem>>, vector<16xf32>,
        %swap3A_230 = arith.constant 32 : index
        %swap3A_231 = tpu.vector_load %arg11[%swap3A_230] {strides = array<i32>} : memref<80xf32, #tpu.memory_space<vmem>>, vector<16xf32>,
        tpu.vector_store %arg11[%swap3A_230], %select_n3A_221 {strides = array<i32>} : memref<80xf32, #tpu.memory_space<vmem>>, vector<16xf32>,
        %swap3A_232 = arith.constant 48 : index
        %swap3A_233 = tpu.vector_load %arg11[%swap3A_232] {strides = array<i32>} : memref<80xf32, #tpu.memory_space<vmem>>, vector<16xf32>,
        tpu.vector_store %arg11[%swap3A_232], %select_n3A_226 {strides = array<i32>} : memref<80xf32, #tpu.memory_space<vmem>>, vector<16xf32>,
        %broadcast_in_dim3A_234 = arith.constant 0.000000e+00 : f32
        %broadcast_in_dim3A_235 = vector.broadcast %broadcast_in_dim3A_234 : f32 to vector<16xf32>
        %broadcast_in_dim3A_236 = arith.constant 0.000000e+00 : f32
        %broadcast_in_dim3A_237 = vector.broadcast %broadcast_in_dim3A_236 : f32 to vector<16xf32>
        %broadcast_in_dim3A_238 = arith.constant 0.000000e+00 : f32
        %broadcast_in_dim3A_239 = vector.broadcast %broadcast_in_dim3A_238 : f32 to vector<16xf32>
        %broadcast_in_dim3A_240 = arith.constant 0.000000e+00 : f32
        %broadcast_in_dim3A_241 = vector.broadcast %broadcast_in_dim3A_240 : f32 to vector<16xf32>
        %scan3A_242 = arith.constant 0 : i32
        %scan3A_243 = arith.constant 50 : i32
        %scan3A_244 = arith.addi %scan3A_242, %scan3A_243 : i32
        %scan3A_245 = arith.constant 1 : i32
        %scan3A_246:4 = scf.for %scan3A_332 = %scan3A_242 to %scan3A_244 step %scan3A_245 iter_args(%scan3A_333 = %broadcast_in_dim3A_235, %scan3A_334 = %broadcast_in_dim3A_237, %scan3A_335 = %broadcast_in_dim3A_239, %scan3A_336 = %broadcast_in_dim3A_241) -> (vector<16xf32>, vector<16xf32>, vector<16xf32>, vector<16xf32>)  : i32 {
          %ge3A = arith.constant 48 : i32
          %ge3A_337 = arith.cmpi sge, %scan3A_332, %ge3A : i32
          %add3A_338 = arith.constant 14 : i32
          %add3A_339 = arith.addi %scan3A_332, %add3A_338 : i32
          %select_n3A_340 = arith.select %ge3A_337, %add3A_339, %scan3A_332 : i32
          %get3A_341 = arith.index_cast %select_n3A_340 : i32 to index
          %get3A_342 = tpu.vector_load %arg11[%get3A_341] {strides = array<i32>} : memref<80xf32, #tpu.memory_space<vmem>>, vector<16xf32>,
          %broadcast_in_dim3A_343 = arith.constant 0 : i32
          %broadcast_in_dim3A_344 = vector.broadcast %broadcast_in_dim3A_343 : i32 to vector<16x1xi32>
          %gather3A = vector.shape_cast %broadcast_in_dim3A_344 : vector<16x1xi32> to vector<16xi32>
          %gather3A_345 = tpu.dynamic_gather %get3A_342[%gather3A] in [0] : vector<16xf32>, vector<16xi32> -> vector<16xf32>
          %mul3A_346 = arith.constant 64 : i32
          %mul3A_347 = arith.muli %scan3A_332, %mul3A_346 : i32
          %add3A_348 = arith.constant 0 : i32
          %add3A_349 = arith.addi %mul3A_347, %add3A_348 : i32
          %get3A_350 = arith.index_cast %add3A_349 : i32 to index
          %get3A_351 = tpu.vector_load %arg7[%get3A_350] {strides = array<i32>} : memref<3200xf32, #tpu.memory_space<vmem>>, vector<16xf32>,
          %mul3A_352 = arith.mulf %get3A_351, %gather3A_345 : vector<16xf32>
          %add3A_353 = arith.addf %scan3A_333, %mul3A_352 : vector<16xf32>
          %mul3A_354 = arith.constant 64 : i32
          %mul3A_355 = arith.muli %scan3A_332, %mul3A_354 : i32
          %add3A_356 = arith.constant 16 : i32
          %add3A_357 = arith.addi %mul3A_355, %add3A_356 : i32
          %get3A_358 = arith.index_cast %add3A_357 : i32 to index
          %get3A_359 = tpu.vector_load %arg7[%get3A_358] {strides = array<i32>} : memref<3200xf32, #tpu.memory_space<vmem>>, vector<16xf32>,
          %mul3A_360 = arith.mulf %get3A_359, %gather3A_345 : vector<16xf32>
          %add3A_361 = arith.addf %scan3A_334, %mul3A_360 : vector<16xf32>
          %mul3A_362 = arith.constant 64 : i32
          %mul3A_363 = arith.muli %scan3A_332, %mul3A_362 : i32
          %add3A_364 = arith.constant 32 : i32
          %add3A_365 = arith.addi %mul3A_363, %add3A_364 : i32
          %get3A_366 = arith.index_cast %add3A_365 : i32 to index
          %get3A_367 = tpu.vector_load %arg7[%get3A_366] {strides = array<i32>} : memref<3200xf32, #tpu.memory_space<vmem>>, vector<16xf32>,
          %mul3A_368 = arith.mulf %get3A_367, %gather3A_345 : vector<16xf32>
          %add3A_369 = arith.addf %scan3A_335, %mul3A_368 : vector<16xf32>
          %mul3A_370 = arith.constant 64 : i32
          %mul3A_371 = arith.muli %scan3A_332, %mul3A_370 : i32
          %add3A_372 = arith.constant 48 : i32
          %add3A_373 = arith.addi %mul3A_371, %add3A_372 : i32
          %get3A_374 = arith.index_cast %add3A_373 : i32 to index
          %get3A_375 = tpu.vector_load %arg7[%get3A_374] {strides = array<i32>} : memref<3200xf32, #tpu.memory_space<vmem>>, vector<16xf32>,
          %mul3A_376 = arith.mulf %get3A_375, %gather3A_345 : vector<16xf32>
          %add3A_377 = arith.addf %scan3A_336, %mul3A_376 : vector<16xf32>
          scf.yield %add3A_353, %add3A_361, %add3A_369, %add3A_377 : vector<16xf32>, vector<16xf32>, vector<16xf32>, vector<16xf32>
        }
        %scan3A_247 = arith.constant 50 : i32
        %get3A_248 = arith.constant 0 : i32
        %get3A_249 = arith.index_cast %get3A_248 : i32 to index
        %get3A_250 = arith.constant 0 : index
        %get3A_251 = tpu.vector_load %arg10[%get3A_249, %get3A_250] {strides = array<i32>} : memref<1x64xf32, #tpu.memory_space<vmem>>, vector<16xf32>,
        %mul3A_252 = arith.constant 64 : i32
        %mul3A_253 = arith.muli %scan3A_131, %mul3A_252 : i32
        %add3A_254 = arith.constant 0 : i32
        %add3A_255 = arith.addi %mul3A_253, %add3A_254 : i32
        %get3A_256 = arith.index_cast %add3A_255 : i32 to index
        %get3A_257 = tpu.vector_load %arg9[%get3A_256] {strides = array<i32>} : memref<8192xf32, #tpu.memory_space<vmem>>, vector<16xf32>,
        %mul3A_258 = arith.mulf %get3A_251, %scan3A_246#0 : vector<16xf32>
        %mul3A_259 = arith.constant 2.000000e-02 : f32
        %mul3A_260 = vector.broadcast %mul3A_259 : f32 to vector<16xf32>
        %mul3A_261 = arith.mulf %mul3A_258, %mul3A_260 : vector<16xf32>
        %sub3A_262 = arith.subf %get3A_257, %mul3A_261 : vector<16xf32>
        %mul3A_263 = arith.constant 64 : i32
        %mul3A_264 = arith.muli %scan3A_131, %mul3A_263 : i32
        %add3A_265 = arith.constant 0 : i32
        %add3A_266 = arith.addi %mul3A_264, %add3A_265 : i32
        %swap3A_267 = arith.index_cast %add3A_266 : i32 to index
        %swap3A_268 = tpu.vector_load %arg9[%swap3A_267] {strides = array<i32>} : memref<8192xf32, #tpu.memory_space<vmem>>, vector<16xf32>,
        tpu.vector_store %arg9[%swap3A_267], %sub3A_262 {strides = array<i32>} : memref<8192xf32, #tpu.memory_space<vmem>>, vector<16xf32>,
        %get3A_269 = arith.constant 0 : i32
        %get3A_270 = arith.index_cast %get3A_269 : i32 to index
        %get3A_271 = arith.constant 16 : index
        %get3A_272 = tpu.vector_load %arg10[%get3A_270, %get3A_271] {strides = array<i32>} : memref<1x64xf32, #tpu.memory_space<vmem>>, vector<16xf32>,
        %mul3A_273 = arith.constant 64 : i32
        %mul3A_274 = arith.muli %scan3A_131, %mul3A_273 : i32
        %add3A_275 = arith.constant 16 : i32
        %add3A_276 = arith.addi %mul3A_274, %add3A_275 : i32
        %get3A_277 = arith.index_cast %add3A_276 : i32 to index
        %get3A_278 = tpu.vector_load %arg9[%get3A_277] {strides = array<i32>} : memref<8192xf32, #tpu.memory_space<vmem>>, vector<16xf32>,
        %mul3A_279 = arith.mulf %get3A_272, %scan3A_246#1 : vector<16xf32>
        %mul3A_280 = arith.constant 2.000000e-02 : f32
        %mul3A_281 = vector.broadcast %mul3A_280 : f32 to vector<16xf32>
        %mul3A_282 = arith.mulf %mul3A_279, %mul3A_281 : vector<16xf32>
        %sub3A_283 = arith.subf %get3A_278, %mul3A_282 : vector<16xf32>
        %mul3A_284 = arith.constant 64 : i32
        %mul3A_285 = arith.muli %scan3A_131, %mul3A_284 : i32
        %add3A_286 = arith.constant 16 : i32
        %add3A_287 = arith.addi %mul3A_285, %add3A_286 : i32
        %swap3A_288 = arith.index_cast %add3A_287 : i32 to index
        %swap3A_289 = tpu.vector_load %arg9[%swap3A_288] {strides = array<i32>} : memref<8192xf32, #tpu.memory_space<vmem>>, vector<16xf32>,
        tpu.vector_store %arg9[%swap3A_288], %sub3A_283 {strides = array<i32>} : memref<8192xf32, #tpu.memory_space<vmem>>, vector<16xf32>,
        %get3A_290 = arith.constant 0 : i32
        %get3A_291 = arith.index_cast %get3A_290 : i32 to index
        %get3A_292 = arith.constant 32 : index
        %get3A_293 = tpu.vector_load %arg10[%get3A_291, %get3A_292] {strides = array<i32>} : memref<1x64xf32, #tpu.memory_space<vmem>>, vector<16xf32>,
        %mul3A_294 = arith.constant 64 : i32
        %mul3A_295 = arith.muli %scan3A_131, %mul3A_294 : i32
        %add3A_296 = arith.constant 32 : i32
        %add3A_297 = arith.addi %mul3A_295, %add3A_296 : i32
        %get3A_298 = arith.index_cast %add3A_297 : i32 to index
        %get3A_299 = tpu.vector_load %arg9[%get3A_298] {strides = array<i32>} : memref<8192xf32, #tpu.memory_space<vmem>>, vector<16xf32>,
        %mul3A_300 = arith.mulf %get3A_293, %scan3A_246#2 : vector<16xf32>
        %mul3A_301 = arith.constant 2.000000e-02 : f32
        %mul3A_302 = vector.broadcast %mul3A_301 : f32 to vector<16xf32>
        %mul3A_303 = arith.mulf %mul3A_300, %mul3A_302 : vector<16xf32>
        %sub3A_304 = arith.subf %get3A_299, %mul3A_303 : vector<16xf32>
        %mul3A_305 = arith.constant 64 : i32
        %mul3A_306 = arith.muli %scan3A_131, %mul3A_305 : i32
        %add3A_307 = arith.constant 32 : i32
        %add3A_308 = arith.addi %mul3A_306, %add3A_307 : i32
        %swap3A_309 = arith.index_cast %add3A_308 : i32 to index
        %swap3A_310 = tpu.vector_load %arg9[%swap3A_309] {strides = array<i32>} : memref<8192xf32, #tpu.memory_space<vmem>>, vector<16xf32>,
        tpu.vector_store %arg9[%swap3A_309], %sub3A_304 {strides = array<i32>} : memref<8192xf32, #tpu.memory_space<vmem>>, vector<16xf32>,
        %get3A_311 = arith.constant 0 : i32
        %get3A_312 = arith.index_cast %get3A_311 : i32 to index
        %get3A_313 = arith.constant 48 : index
        %get3A_314 = tpu.vector_load %arg10[%get3A_312, %get3A_313] {strides = array<i32>} : memref<1x64xf32, #tpu.memory_space<vmem>>, vector<16xf32>,
        %mul3A_315 = arith.constant 64 : i32
        %mul3A_316 = arith.muli %scan3A_131, %mul3A_315 : i32
        %add3A_317 = arith.constant 48 : i32
        %add3A_318 = arith.addi %mul3A_316, %add3A_317 : i32
        %get3A_319 = arith.index_cast %add3A_318 : i32 to index
        %get3A_320 = tpu.vector_load %arg9[%get3A_319] {strides = array<i32>} : memref<8192xf32, #tpu.memory_space<vmem>>, vector<16xf32>,
        %mul3A_321 = arith.mulf %get3A_314, %scan3A_246#3 : vector<16xf32>
        %mul3A_322 = arith.constant 2.000000e-02 : f32
        %mul3A_323 = vector.broadcast %mul3A_322 : f32 to vector<16xf32>
        %mul3A_324 = arith.mulf %mul3A_321, %mul3A_323 : vector<16xf32>
        %sub3A_325 = arith.subf %get3A_320, %mul3A_324 : vector<16xf32>
        %mul3A_326 = arith.constant 64 : i32
        %mul3A_327 = arith.muli %scan3A_131, %mul3A_326 : i32
        %add3A_328 = arith.constant 48 : i32
        %add3A_329 = arith.addi %mul3A_327, %add3A_328 : i32
        %swap3A_330 = arith.index_cast %add3A_329 : i32 to index
        %swap3A_331 = tpu.vector_load %arg9[%swap3A_330] {strides = array<i32>} : memref<8192xf32, #tpu.memory_space<vmem>>, vector<16xf32>,
        tpu.vector_store %arg9[%swap3A_330], %sub3A_325 {strides = array<i32>} : memref<8192xf32, #tpu.memory_space<vmem>>, vector<16xf32>,
      } else {
      }
    }
    %scan3A_130 = arith.constant 128 : i32
    "tpu.region"() ({
      %run_scoped3A = tpu.sem_alloc : memref<!tpu.dma_semaphore, #tpu.memory_space<semaphore_mem>>
      %dma_start3A_131 = arith.constant 0 : i32
      %dma_start3A_132 = tpu.memref_slice %arg5[%add3A, %dma_start3A_131] : memref<32x8192xf32, #tpu.memory_space<hbm>> -> memref<1x8192xf32, #tpu.memory_space<hbm>>
      %dma_start3A_133 = tpu.memref_squeeze %dma_start3A_132 : memref<1x8192xf32, #tpu.memory_space<hbm>> -> memref<8192xf32, #tpu.memory_space<hbm>>
      %dma_start3A_134 = arith.constant 0 : i32
      %dma_start3A_135 = tpu.memref_slice %arg5[%add3A, %dma_start3A_134] : memref<32x8192xf32, #tpu.memory_space<hbm>> -> memref<1x8192xf32, #tpu.memory_space<hbm>>
      %dma_start3A_136 = tpu.memref_squeeze %dma_start3A_135 : memref<1x8192xf32, #tpu.memory_space<hbm>> -> memref<8192xf32, #tpu.memory_space<hbm>>
      tpu.enqueue_dma source(%arg9 : memref<8192xf32, #tpu.memory_space<vmem>>) target(%dma_start3A_136 : memref<8192xf32, #tpu.memory_space<hbm>>) target_semaphore(%run_scoped3A : memref<!tpu.dma_semaphore, #tpu.memory_space<semaphore_mem>>)
      %dma_wait3A = arith.constant 0 : i32
      %dma_wait3A_137 = tpu.memref_slice %arg5[%add3A, %dma_wait3A] : memref<32x8192xf32, #tpu.memory_space<hbm>> -> memref<1x8192xf32, #tpu.memory_space<hbm>>
      %dma_wait3A_138 = tpu.memref_squeeze %dma_wait3A_137 : memref<1x8192xf32, #tpu.memory_space<hbm>> -> memref<8192xf32, #tpu.memory_space<hbm>>
      %dma_wait3A_139 = arith.constant 0 : i32
      %dma_wait3A_140 = tpu.memref_slice %arg5[%add3A, %dma_wait3A_139] : memref<32x8192xf32, #tpu.memory_space<hbm>> -> memref<1x8192xf32, #tpu.memory_space<hbm>>
      %dma_wait3A_141 = tpu.memref_squeeze %dma_wait3A_140 : memref<1x8192xf32, #tpu.memory_space<hbm>> -> memref<8192xf32, #tpu.memory_space<hbm>>
      tpu.wait_dma2 semaphore(%run_scoped3A : memref<!tpu.dma_semaphore, #tpu.memory_space<semaphore_mem>>) src(%arg9 : memref<8192xf32, #tpu.memory_space<vmem>>) dst(%dma_wait3A_141 : memref<8192xf32, #tpu.memory_space<hbm>>)
      tpu.yield
    }) : () -> ()
    return
  }
}

</mosaic_0001>

<sc_bundles>
// kernel: kernel.3.cloned.1.call-start
scs
__scs_entry_jumppad:
0x0: {  	(pc) =	sbr.rel $0x88, $3  }
0x1: {  	(tag) =	ssettag $0x0;
	lr =	simm.s32 $0x1  }
0x2: {  	[smem:$0x3F9E] =	sst lr;
	_ =	strace $0xD0000000  }
0x3: {  	_ = 	snop  }
0x4: {  	_ = 	snop  }
0x5: {  	_ = 	snop  }
0x6: {  	_ = 	snop  }
0x7: {  	_ = 	snop  }
__scs_overlays_trampoline_lowered:
0x8: {  	[smem:$0x3FAD] =	sst s0  }
0x9: {  	[smem:$0x3FAE] =	sst s1  }
0xa: {  	[smem:$0x3FAF] =	sst s2  }
0xb: {  	[smem:$0x3FB0] =	sst s3  }
0xc: {  	[smem:$0x3FB1] =	sst s4  }
0xd: {  	[smem:$0x3FB2] =	sst s5  }
0xe: {  	[smem:$0x3FB3] =	sst s6  }
0xf: {  	[smem:$0x3FB4] =	sst s7  }
0x10: {  	[smem:$0x3FB5] =	sst s8  }
0x11: {  	[smem:$0x3FB6] =	sst s9;
	s0 =	simm.s32 @!p0 $0x0  }
0x12: {  	s1 =	sld [smem:$0x3F9C];
	s0 =	simm.s32 @p0 $0x1  }
0x13: {  	[smem:$0x3FB7] =	sst s0;
	s0 =	simm.s32 @!p1 $0x0  }
0x14: {  	s2 =	sld [smem:$0x3F9B];
	s0 =	simm.s32 @p1 $0x1  }
0x15: {  	[smem:$0x3FB8] =	sst s0;
	s0 =	simm.s32 @!p2 $0x0  }
0x16: {  	s3 =	sld [smem:$0x3FDB];
	s0 =	simm.s32 @p2 $0x1  }
0x17: {  	s4 =	simm.s32 $0x1BF5;
	[smem:$0x3FBA] =	sst s0  }
0x18: {  	s0 =	sld [smem:$0x3F9D];
	_ =	swait.ge [sflag:s4], $0x0  }
0x19: {  	s7 =	sld [smem:$0x3F9E]  }
0x1a: {  	s8 =	sadd.s32 $0xFFFFE003, lr  }
0x1b: {  	s9 =	sadd.s32 $0xFFFFFEF7, lr;
	s5 =	simm.s32 $0xFFFFFFFF;
	p2 =	slt.u32 s8, $0xFFFFF086  }
0x1c: {  	p1 =	slt.u32 s9, $0xF7A;
	s5 =	simm.s32 @!p2 $0x0  }
0x1d: {  	s5 =	simm.s32 @p1 $0x1;
	p0 =	seq.s32 s7, s2  }
0x1e: {  	s7 =	smul.u32 @!p0 $0xF7A, s2;
	p2 =	seq.s32 @!p0 s5, $0x0  }
0x1f: {  	s9 =	smul.u32 $0xF7A, s1;
	s8 =	simm.s32 @!p0 $0x1BF5;
	p2 =	por !p2, p0  }
0x20: {  	[sflag:s8] =	ssyncset.s32 @!p0 $0xFFFFF086;
	s6 =	sadd.s32 @!p0 s3, s7;
	s7 =	simm.s32 @!p0 $0x108  }
0x21: {  	s3 =	sadd.s32 s3, s9;
	s6 =	sadd.s32 @!p0 $0x88, s6;
	s7 =	simm.s32 @p2 $0x1082  }
0x22: {  	[simem:s7], [sflag:s8] =	dma.local @!p0 [hbm:s6], $0xF7A  }
0x23: {  	s9 =	sor.u32 $0xD0000000, s2;
	s6 =	simm.s32 $0x108;
	_ =	swait.ge @!p0 [sflag:s8], $0x0  }
0x24: {  	s3 =	sadd.s32 $0x88, s3;
	s6 =	simm.s32 @!p1 $0x1082;
	[sflag:s4] =	ssyncset.s32 $0xFFFFF086  }
0x25: {  	[simem:s6], [sflag:s4] =	dma.local [hbm:s3], $0xF7A  }
0x26: {  	[smem:$0x3F9E] =	sst s1;
	(tag) =	ssettag s2;
	_ =	strace s9  }
0x27: {  	s1 =	sld [smem:$0x3FAE]  }
0x28: {  	s2 =	sld [smem:$0x3FAF]  }
0x29: {  	s4 =	sld [smem:$0x3FB1]  }
0x2a: {  	p0 =	seq.s32 s5, $0x0;
	s5 =	sld [smem:$0x3FB2]  }
0x2b: {  	s6 =	sld [smem:$0x3FB3]  }
0x2c: {  	s7 =	sld [smem:$0x3FB4]  }
0x2d: {  	s3 =	simm.s32 $0x108;
	s8 =	sld [smem:$0x3FB5]  }
0x2e: {  	s3 =	simm.s32 @!p0 $0x1082;
	s9 =	sld [smem:$0x3FB6]  }
0x2f: {  	lr =	sadd.s32 s0, s3;
	s0 =	sld [smem:$0x3FAD]  }
0x30: {  	s3 =	sld [smem:$0x3FB0]  }
0x31: {  	[smem:$0x3FB9] =	sst s10  }
0x32: {  	s10 =	sld [smem:$0x3FB7];
	_ =	sdelay $0x3  }
0x33: {  	p0 =	seq.s32 s10, $0x1;
	s10 =	sld [smem:$0x3FB9];
	_ =	sdelay $0x3  }
0x34: {  	[smem:$0x3FB9] =	sst s10  }
0x35: {  	s10 =	sld [smem:$0x3FB8];
	_ =	sdelay $0x3  }
0x36: {  	p1 =	seq.s32 s10, $0x1;
	s10 =	sld [smem:$0x3FB9];
	_ =	sdelay $0x3  }
0x37: {  	[smem:$0x3FB9] =	sst s10  }
0x38: {  	s10 =	sld [smem:$0x3FBA]  }
0x39: {  	_ = 	snop;
	(pc) =	sbr.ind lr, $3  }
0x3a: {  	_ = 	snop  }
0x3b: {  	_ = 	snop  }
0x3c: {  	p2 =	seq.s32 s10, $0x1;
	s10 =	sld [smem:$0x3FB9]  }
0x3d: {  	_ =	shalt  }
0x3e: {  	_ =	shalt  }
0x3f: {  	_ =	shalt  }
0x40: {  	_ =	shalt  }
0x41: {  	_ =	shalt  }
0x42: {  	_ =	shalt  }
0x43: {  	_ =	shalt  }
0x44: {  	_ =	shalt  }
0x45: {  	_ =	shalt  }
0x46: {  	_ =	shalt  }
0x47: {  	_ =	shalt  }
0x48: {  	_ =	shalt  }
0x49: {  	_ =	shalt  }
0x4a: {  	_ =	shalt  }
0x4b: {  	_ =	shalt  }
0x4c: {  	_ =	shalt  }
0x4d: {  	_ =	shalt  }
0x4e: {  	_ =	shalt  }
0x4f: {  	_ =	shalt  }
0x50: {  	_ =	shalt  }
0x51: {  	_ =	shalt  }
0x52: {  	_ =	shalt  }
0x53: {  	_ =	shalt  }
0x54: {  	_ =	shalt  }
0x55: {  	_ =	shalt  }
0x56: {  	_ =	shalt  }
0x57: {  	_ =	shalt  }
0x58: {  	_ =	shalt  }
0x59: {  	_ =	shalt  }
0x5a: {  	_ =	shalt  }
0x5b: {  	_ =	shalt  }
0x5c: {  	_ =	shalt  }
0x5d: {  	_ =	shalt  }
0x5e: {  	_ =	shalt  }
0x5f: {  	_ =	shalt  }
0x60: {  	_ =	shalt  }
0x61: {  	_ =	shalt  }
0x62: {  	_ =	shalt  }
0x63: {  	_ =	shalt  }
0x64: {  	_ =	shalt  }
0x65: {  	_ =	shalt  }
0x66: {  	_ =	shalt  }
0x67: {  	_ =	shalt  }
0x68: {  	_ =	shalt  }
0x69: {  	_ =	shalt  }
0x6a: {  	_ =	shalt  }
0x6b: {  	_ =	shalt  }
0x6c: {  	_ =	shalt  }
0x6d: {  	_ =	shalt  }
0x6e: {  	_ =	shalt  }
0x6f: {  	_ =	shalt  }
0x70: {  	_ =	shalt  }
0x71: {  	_ =	shalt  }
0x72: {  	_ =	shalt  }
0x73: {  	_ =	shalt  }
0x74: {  	_ =	shalt  }
0x75: {  	_ =	shalt  }
0x76: {  	_ =	shalt  }
0x77: {  	_ =	shalt  }
0x78: {  	_ =	shalt  }
0x79: {  	_ =	shalt  }
0x7a: {  	_ =	shalt  }
0x7b: {  	_ =	shalt  }
0x7c: {  	_ =	shalt  }
0x7d: {  	_ =	shalt  }
0x7e: {  	_ =	shalt  }
0x7f: {  	_ =	shalt  }
0x80: {  	_ =	shalt  }
0x81: {  	_ =	shalt  }
0x82: {  	_ =	shalt  }
0x83: {  	_ =	shalt  }
0x84: {  	_ =	shalt  }
0x85: {  	_ =	shalt  }
0x86: {  	_ =	shalt  }
0x87: {  	_ =	shalt  }
.Lfunc_end0:
.L_simem_size_0:
called_computation_lowered:
.L_overlay_start_0:
0x88: {  	s2 =	sld [smem:$0x3FD9]  }
0x89: {  	s3 =	sld [smem:$0x3FFE];
	_ =	sdelay $0x1  }
0x8a: {  	s1 =	srdreg.scid  }
0x8b: {  	s0 =	sand.u32 $0x1, s1  }
0x8c: {  	s17 =	sshll.u32 s0, $0xA;
	s2 =	sadd.s32 s3, s2  }
0x8d: {  	s2 =	sadd.s32 s2, s17  }
0x8e: {  	[smem:$0x3FC5] =	sst s2  }
0x8f: {  	_ = 	snop  }
0x90: {  	s2 =	sld [smem:$0x3FD0];
	(tm) =	ssettm $0x1  }
0x91: {  	s18 =	sld [smem:$0x3FFB];
	_ =	sdelay $0x3  }
0x92: {  	_ =	strace s18  }
0x93: {  	s3 =	sld [smem:$0x3FFC];
	_ =	sdelay $0x3  }
0x94: {  	_ =	strace s3  }
0x95: {  	s3 =	sld [smem:$0x3FFD];
	_ =	sdelay $0x3  }
0x96: {  	_ =	strace s3  }
0x97: {  	_ =	strace $0x8FFFFFFF  }
0x98: {  	s19 =	sld [smem:$0x3FDB];
	_ =	sdelay $0x1  }
0x99: {  	s4 =	simm.s32 $_scs_section_size  }
0x9a: {  	s5 =	simm.s32 $_size__tile_overlayer_lowered;
	s6 =	simm.s32 $_tile_overlayer_lowered  }
0x9b: {  	s22 =	simm.s32 $0x1BFF;
	s21 =	sshll.u32 s6, $0x1;
	s3 =	sadd.s32 s4, s19  }
0x9c: {  	s7 =	simm.s32 $0x0;
	s20 =	sshll.u32 s5, $0x1;
	s5 =	sadd.s32 s21, s3  }
0x9d: {  	[timem:s7], [sflag:s22] =	dma.local [hbm:s5], s20  }
0x9e: {  	_ =	swait.ge [sflag:s22], s20  }
0x9f: {  	s4 =	ssub.s32 $0x0, s20;
	[sflag:s22] =	ssyncset.done $0x0  }
0xa0: {  	[sflag:s22] =	ssyncadd.s32 s4;
	_ =	sdelay $0x1  }
0xa1: {  	s23 =	simm.s32 $0x1B8B  }
0xa2: {  	_ =	swait.ge [sflag:s23], $0x1  }
0xa3: {  	[sflag:s23] =	ssyncset.done $0x0  }
0xa4: {  	s25 =	simm.s32 $0x1B8E;
	s24 =	sld [smem:$0x3FFE];
	[sflag:s23] =	ssyncadd.s32 $0xFFFFFFFF  }
0xa5: {  	s26 =	simm.s32 $execute0_lowered;
	[smem:$0x3FD2] =	sst s25  }
0xa6: {  	s5 =	sshll.u32 s26, $0x1;
	_ =	strace $0x80000046;
	[dreg:$0x1] =	wrdreg $0xFFFFFFFF  }
0xa7: {  	s28 =	simm.s32 $_size_execute0_lowered;
	s3 =	sadd.s32 s3, s5;
	[dreg:$0x0] =	wrdreg $0x0  }
0xa8: {  	s5 =	sshll.u32 s28, $0x1;
	[dreg:$0x2] =	wrdreg s3  }
0xa9: {  	[dreg:$0x3] =	wrdreg s5  }
0xaa: {  	[dreg:$0x4] =	wrdreg $0xC0  }
0xab: {  	_ =	task [dreg:s7], $0x5FFFF  }
0xac: {  	[dreg:$0x1] =	wrdreg $0xFFFFFFFF  }
0xad: {  	[dreg:$0x0] =	wrdreg $0x60  }
0xae: {  	[dreg:$0x2] =	wrdreg s24  }
0xaf: {  	[dreg:$0x3] =	wrdreg s2  }
0xb0: {  	[dreg:$0x4] =	wrdreg $0x9  }
0xb1: {  	_ =	task.clear_ibuf [dreg:s7], $0x5FFFF;
	_ =	strace $0x90000046  }
0xb2: {  	s29 =	simm.s32 $0x9;
	_ =	strace $0x80000048  }
0xb3: {  	_ =	swait.ge [sflag:s29], $0x1  }
0xb4: {  	[sflag:s29] =	ssyncadd.s32 $0xFFFFFFFF  }
0xb5: {  	_ =	strace $0x90000048  }
0xb6: {  	_ =	sfence  }
0xb7: {  	s30 =	sld [smem:$0x0];
	_ =	sdelay $0x2  }
0xb8: {  	s31 =	sshll.u32 s1, $0xD;
	s1 =	sshrl.u32 s1, $0x2  }
0xb9: {  	s3 =	sand.u32 $0x4000, s31;
	s1 =	sadd.s32 s1, s30  }
0xba: {  	s0 =	sor.u32 s3, s0;
	s1 =	sshll.u32 s1, $0x11  }
0xbb: {  	s0 =	sor.u32 s1, s0  }
0xbc: {  	s0 =	sadd.s32 $0x8F2B, s0  }
0xbd: {  	[sflag:s0] =	ssyncadd.remote.s32 $0x1  }
0xbe: {  	_ =	sfence.sel $0xFFFF  }
0xbf: {  	[dreg:$0x0] =	wrdreg $0xFFFFFFFF;
	(pc) =	sbr.abs _section_cstart, $3  }
0xc0: {  	[dreg:$0x1] =	wrdreg $0xFFFFFFFF  }
0xc1: {  	_ =	task.clear_ibuf [dreg:s7], $0x2FFFF;
	_ =	strace $0x9FFFFFFF  }
0xc2: {  	(tm) =	ssettm $0x7FFFFFFF  }
0xc3: {  	_ =	shalt  }
tec
execute0_lowered:
.L_overlay_start_1:
0x0: {  	(tag) =	ssettag $0x1  }
0x1: {  	s0 =	rddreg [dreg:$0x0];
	s1 =	srdreg.scid  }
0x2: {  	s2 =	stileid.u32;
	s6 =	rddreg [dreg:$0x1]  }
0x3: {  	s11 =	simm.s32 $0x64;
	s21 =	simm.s32 $0x208;
	s22 =	simm.s32 $0xA380  }
0x4: {  	s23 =	simm.s32 $0x270;
	s24 =	simm.s32 $0xBC80;
	s25 =	simm.s32 $0x2D8  }
0x5: {  	s28 =	simm.s32 $0x1;
	s29 =	simm.s32 $0x2;
	s30 =	simm.s32 $0x3  }
0x6: {  	s31 =	simm.s32 $0x4;
	s9 =	simm.s32 $0x7;
	s10 =	simm.s32 $0x8  }
0x7: {  	s12 =	simm.s32 $0xEE80;
	s1 =	sand.u32 $0x1, s1;
	s3 =	sshll.u32 s2, $0x1  }
0x8: {  	s13 =	simm.s32 $0x0;
	s2 =	simm.s32 $0x0;
	s5 =	sor.u32 s1, s3  }
0x9: {  	[smem:$0x7FF] =	sst s2;
	s3 =	sadd.s32 $0xF42C00, s0;
	s4 =	smul.u32 $0x340, s5  }
.Ltmp0:
0xa: {  	s1 =	ssub.s32 $0x2, s1;
	s8 =	sshll.u32 s5, $0xA;
	(pc) =	sbr.rel .LBB2_1-.Ltmp0, $4  }
0xb: {  	_ =	strace $0x80000047;
	s26 =	sshrl.u32 s1, $0x1;
	s6 =	sadd.s32 s6, s8  }
0xc: {  	s8 =	simm.s32 $0x9;
	s7 =	sadd.s32 s4, s0;
	s4 =	sadd.s32 $0x7000, s0  }
0xd: {  	s0 =	ssub.s32 s1, s26;
	s26 =	simm.s32 $0xD580;
	s1 =	simm.s32 $0x5  }
0xe: {  	v0 =	vimm.f32 $0.0e+00;
	v1 =	vimm.s32 $0x0;
	s5 =	sadd.s32 $0x800, s7;
	s7 =	smax.u32 s0, $0x1;
	s0 =	simm.s32 $0x6  }
.LBB2_25:
0xf: {  	s13 =	sadd.s32 $0x1, s13  }
0x10: {  	p0 =	sne.s32 s13, s7  }
.Ltmp1:
0x11: {  	_ = 	snop;
	(pc) =	sbr.rel @!p0 .LBB2_26-.Ltmp1, $4  }
0x12: {  	[hbm4b:s6+s2] =	stream.linear.scatter [tilespmem:s12], [sflag:$0x9], $0x2000, $0x38;
	[tilespmem:$0x10F10] =	vst v63  }
0x13: {  	_ =	swait.ge [sflag:s8], $0x2000  }
0x14: {  	[sflag:s8] =	ssyncset.done $0x0  }
0x15: {  	[sflag:s8] =	ssyncadd.s32 $0xFFFFE000  }
.LBB2_1:
0x16: {  	[tilespmem:s2], [sflag:$0x9] =	stream.linear.gather [hbm4b:s5+s2], $0x1A00, $0x38;
	[tilespmem:$0x10F10] =	vst v63  }
0x17: {  	_ =	swait.ge [sflag:s8], $0x1A00  }
0x18: {  	[sflag:s8] =	ssyncset.done $0x0  }
0x19: {  	s14 =	simm.s32 $0x1A00;
	[sflag:s8] =	ssyncadd.s32 $0xFFFFE600  }
0x1a: {  	[tilespmem:s14], [sflag:$0x9] =	stream.linear.gather [hbm4b:s4+s2], $0xC80, $0x38;
	[tilespmem:$0x10F10] =	vst v63  }
0x1b: {  	_ =	swait.ge [sflag:s8], $0xC80  }
0x1c: {  	[sflag:s8] =	ssyncset.done $0x0  }
0x1d: {  	s18 =	simm.s32 $0x10E80;
	[sflag:s8] =	ssyncadd.s32 $0xFFFFF380  }
0x1e: {  	[tilespmem:s18], [sflag:$0x9] =	stream.linear.gather [hbm4b:s3+s2], $0x40, $0x38;
	[tilespmem:$0x10F10] =	vst v63  }
0x1f: {  	_ =	swait.ge [sflag:s8], $0x40  }
0x20: {  	[sflag:s8] =	ssyncset.done $0x0  }
0x21: {  	s19 =	simm.s32 $0x2680;
	[sflag:s8] =	ssyncadd.s32 $0xFFFFFFC0  }
0x22: {  	[tilespmem:s19], [sflag:$0x1] =	stream.indirect.gather [hbm4b:s3+s11], $0x40, s2, s11, $0xb8;
	[tilespmem:$0x10F10] =	vst v63  }
0x23: {  	s20 =	simm.s32 $0x68;
	s15 =	simm.s32 $0x3F80  }
0x24: {  	[tilespmem:s15], [sflag:$0x2] =	stream.indirect.gather [hbm4b:s3+s11], $0x40, s20, s11, $0xb8;
	[tilespmem:$0x10F10] =	vst v63  }
0x25: {  	s16 =	simm.s32 $0x5880;
	s15 =	simm.s32 $0xD0  }
0x26: {  	[tilespmem:s16], [sflag:$0x3] =	stream.indirect.gather [hbm4b:s3+s11], $0x40, s15, s11, $0xb8;
	[tilespmem:$0x10F10] =	vst v63  }
0x27: {  	s17 =	simm.s32 $0x138;
	s18 =	simm.s32 $0x7180  }
0x28: {  	[tilespmem:s18], [sflag:$0x4] =	stream.indirect.gather [hbm4b:s3+s11], $0x40, s17, s11, $0xb8;
	[tilespmem:$0x10F10] =	vst v63  }
0x29: {  	s19 =	simm.s32 $0x1A0;
	s20 =	simm.s32 $0x8A80  }
0x2a: {  	[tilespmem:s20], [sflag:$0x5] =	stream.indirect.gather [hbm4b:s3+s11], $0x40, s19, s11, $0xb8;
	[tilespmem:$0x10F10] =	vst v63  }
0x2b: {  	_ = 	snop  }
0x2c: {  	[tilespmem:s22], [sflag:$0x6] =	stream.indirect.gather [hbm4b:s3+s11], $0x40, s21, s11, $0xb8;
	[tilespmem:$0x10F10] =	vst v63  }
0x2d: {  	_ = 	snop  }
0x2e: {  	[tilespmem:s24], [sflag:$0x7] =	stream.indirect.gather [hbm4b:s3+s11], $0x40, s23, s11, $0xb8;
	[tilespmem:$0x10F10] =	vst v63  }
0x2f: {  	s14 =	simm.s32 $0x0  }
0x30: {  	[tilespmem:s26], [sflag:$0x8] =	stream.indirect.gather [hbm4b:s3+s11], $0x40, s25, s11, $0xb8;
	[tilespmem:$0x10F10] =	vst v63  }
.LBB2_2:
0x31: {  	_ =	swait.ge [sflag:s28], $0x1900  }
0x32: {  	[sflag:s28] =	ssyncset.done $0x0  }
0x33: {  	s16 =	simm.s32 $0x0;
	[sflag:s28] =	ssyncadd.s32 $0xFFFFE700  }
0x34: {  	v3 =	vld [tilespmem:s16+$0x1A30]  }
0x35: {  	v2 =	vld [tilespmem:s16+$0x3330]  }
0x36: {  	v4 =	vld [tilespmem:s16+$0x1A00]  }
0x37: {  	v5 =	vld [tilespmem:s16+$0x2680]  }
0x38: {  	v7 =	vld [tilespmem:s16+$0x3300]  }
0x39: {  	v8 =	vld [tilespmem:s16+$0x1A10]  }
0x3a: {  	v9 =	vld [tilespmem:s16+$0x2690]  }
0x3b: {  	v10 =	vld [tilespmem:s16+$0x3310];
	_ =	sdelay $0x2  }
0x3c: {  	v12 =	vld [tilespmem:s16+$0x1A20];
	v2 =	vmul.f32 v2, v3  }
0x3d: {  	v6 =	vimm.f32 $0.0e+00;
	v15 =	vld [tilespmem:s16+$0x26A0];
	v5 =	vmul.f32 v5, v4;
	v4 =	vmul.f32 v7, v4  }
0x3e: {  	v11 =	vimm.f32 $0.0e+00;
	v13 =	vld [tilespmem:s16+$0x3320];
	v16 =	vmul.f32 v9, v8;
	v17 =	vmul.f32 v10, v8  }
0x3f: {  	s15 =	simm.s32 $0x40;
	v14 =	vld [tilespmem:s16+$0x26B0];
	v10 =	vimm.f32 $0.0e+00;
	v8 =	vimm.f32 $0.0e+00;
	v2 =	vadd.f32 v2, v6  }
0x40: {  	s16 =	simm.s32 $0x200;
	v9 =	vld [tilespmem:s15+$0x1A30];
	v7 =	vimm.f32 $0.0e+00;
	v5 =	vadd.f32 v5, v6;
	v4 =	vadd.f32 v4, v6  }
.LBB2_3:
0x41: {  	p0 =	sne.s32 s16, $0x3100;
	v18 =	vld [tilespmem:s15+$0x3330];
	v6 =	vadd.f32 v16, v6  }
0x42: {  	v16 =	vld [tilespmem:s15+$0x1A00];
	v11 =	vadd.f32 v17, v11;
	v15 =	vmul.f32 v15, v12  }
0x43: {  	v17 =	vld [tilespmem:s15+$0x2680];
	v12 =	vmul.f32 v13, v12  }
0x44: {  	v13 =	vld [tilespmem:s15+$0x3300];
	v10 =	vadd.f32 v15, v10;
	v14 =	vmul.f32 v14, v3  }
0x45: {  	v19 =	vld [tilespmem:s15+$0x1A10];
	v8 =	vadd.f32 v12, v8;
	v3 =	vmov v9  }
0x46: {  	v9 =	vld [tilespmem:s15+$0x2690];
	v15 =	vmul.f32 v18, v3;
	v7 =	vadd.f32 v14, v7  }
0x47: {  	v18 =	vld [tilespmem:s15+$0x3310]  }
.Ltmp2:
0x48: {  	v14 =	vmul.f32 v17, v16;
	v12 =	vld [tilespmem:s15+$0x1A20];
	v2 =	vadd.f32 v15, v2;
	(pc) =	sbr.rel @p0 .LBB2_3-.Ltmp2, $4  }
0x49: {  	v16 =	vmul.f32 v13, v16;
	v15 =	vld [tilespmem:s15+$0x26A0]  }
0x4a: {  	v5 =	vadd.f32 v14, v5;
	v13 =	vld [tilespmem:s15+$0x3320]  }
0x4b: {  	v4 =	vadd.f32 v16, v4;
	v16 =	vmul.f32 v9, v19;
	v14 =	vld [tilespmem:s15+$0x26B0];
	s15 =	sshra.s32 s16, $0x2  }
0x4c: {  	s16 =	sadd.s32 $0x100, s16;
	v9 =	vld [tilespmem:s15+$0x1A30];
	v17 =	vmul.f32 v18, v19  }
0x4d: {  	v18 =	vld [tilespmem:s15+$0x1A00]  }
0x4e: {  	v19 =	vld [tilespmem:s15+$0x2680]  }
0x4f: {  	v20 =	vld [tilespmem:s15+$0x3300]  }
0x50: {  	v21 =	vld [tilespmem:s15+$0x1A10]  }
0x51: {  	v22 =	vld [tilespmem:s15+$0x2690]  }
0x52: {  	v23 =	vld [tilespmem:s15+$0x3310]  }
0x53: {  	v24 =	vld [tilespmem:s15+$0x1A20]  }
0x54: {  	v6 =	vadd.f32 v16, v6;
	v16 =	vld [tilespmem:s15+$0x26A0];
	v15 =	vmul.f32 v15, v12  }
0x55: {  	v11 =	vadd.f32 v17, v11;
	v17 =	vld [tilespmem:s15+$0x3320];
	v12 =	vmul.f32 v13, v12;
	v13 =	vmul.f32 v19, v18  }
0x56: {  	v10 =	vadd.f32 v15, v10;
	v3 =	vmul.f32 v14, v3;
	v15 =	vld [tilespmem:s15+$0x26B0];
	v14 =	vmul.f32 v20, v18  }
0x57: {  	v8 =	vadd.f32 v12, v8;
	v12 =	vld [tilespmem:s15+$0x3330];
	v5 =	vadd.f32 v13, v5;
	v13 =	vmul.f32 v22, v21  }
0x58: {  	v3 =	vadd.f32 v3, v7;
	v7 =	vmul.f32 v23, v21;
	v4 =	vadd.f32 v14, v4  }
0x59: {  	s19 =	sshll.u32 s14, $0xA;
	v6 =	vadd.f32 v13, v6;
	v13 =	vmul.f32 v16, v24;
	v5 =	vmul.f32 $1.999999960e-02, v5  }
0x5a: {  	s15 =	sand.u32 $0x3FFFFC00, s19;
	v7 =	vadd.f32 v7, v11;
	v11 =	vmul.f32 v17, v24;
	v4 =	vmul.f32 $1.999999960e-02, v4  }
0x5b: {  	v10 =	vadd.f32 v13, v10;
	v13 =	vmul.f32 v15, v9;
	[tilespmem:s15+$0xEE80] =	vst v5;
	v5 =	vmul.f32 $1.999999960e-02, v6  }
0x5c: {  	v8 =	vadd.f32 v11, v8;
	v6 =	vmul.f32 v12, v9;
	[tilespmem:s15+$0xEEC0] =	vst v4;
	v4 =	vmul.f32 $1.999999960e-02, v7  }
0x5d: {  	v3 =	vadd.f32 v13, v3;
	[tilespmem:s15+$0xEE90] =	vst v5;
	v5 =	vmul.f32 $1.999999960e-02, v10  }
0x5e: {  	p0 =	seq.s32 s14, $0x7;
	v2 =	vadd.f32 v6, v2;
	[tilespmem:s15+$0xEED0] =	vst v4;
	v4 =	vmul.f32 $1.999999960e-02, v8  }
0x5f: {  	s16 =	smul.u32 @!p0 $0xD00, s14;
	[tilespmem:s15+$0xEEA0] =	vst v5;
	v3 =	vmul.f32 $1.999999960e-02, v3  }
0x60: {  	[tilespmem:s15+$0xEEE0] =	vst v4;
	v2 =	vmul.f32 $1.999999960e-02, v2  }
0x61: {  	s16 =	sshra.s32 @!p0 s16, $0x2;
	[tilespmem:s15+$0xEEB0] =	vst v3  }
0x62: {  	s18 =	simm.s32 @!p0 $0x64;
	s17 =	sadd.s32 @!p0 $0x340, s16;
	s19 =	simm.s32 @!p0 $0x2680;
	[tilespmem:s15+$0xEEF0] =	vst v2  }
0x63: {  	[tilespmem:s19], [sflag:$0x1] =	stream.indirect.gather @!p0 [hbm4b:s3+s18], $0x40, s17, s18, $0xb8;
	[tilespmem:$0x10F10] =	vst v63  }
0x64: {  	_ =	swait.ge [sflag:s29], $0x1900  }
0x65: {  	[sflag:s29] =	ssyncset.done $0x0  }
0x66: {  	s20 =	simm.s32 $0x0;
	[sflag:s29] =	ssyncadd.s32 $0xFFFFE700  }
0x67: {  	v3 =	vld [tilespmem:s20+$0x1A30]  }
0x68: {  	v2 =	vld [tilespmem:s20+$0x4C30]  }
0x69: {  	v4 =	vld [tilespmem:s20+$0x1A00]  }
0x6a: {  	v5 =	vld [tilespmem:s20+$0x3F80]  }
0x6b: {  	v7 =	vld [tilespmem:s20+$0x4C00]  }
0x6c: {  	v8 =	vld [tilespmem:s20+$0x1A10]  }
0x6d: {  	v9 =	vld [tilespmem:s20+$0x3F90]  }
0x6e: {  	v10 =	vld [tilespmem:s20+$0x4C10];
	_ =	sdelay $0x2  }
0x6f: {  	v12 =	vld [tilespmem:s20+$0x1A20];
	v2 =	vmul.f32 v2, v3  }
0x70: {  	v11 =	vimm.f32 $0.0e+00;
	v15 =	vld [tilespmem:s20+$0x3FA0];
	v5 =	vmul.f32 v5, v4;
	v4 =	vmul.f32 v7, v4  }
0x71: {  	v6 =	vimm.f32 $0.0e+00;
	v13 =	vld [tilespmem:s20+$0x4C20];
	v16 =	vmul.f32 v9, v8;
	v17 =	vmul.f32 v10, v8  }
0x72: {  	s17 =	simm.s32 $0x40;
	v14 =	vld [tilespmem:s20+$0x3FB0];
	v9 =	vimm.f32 $0.0e+00;
	v8 =	vimm.f32 $0.0e+00;
	v2 =	vadd.f32 v2, v6  }
0x73: {  	s18 =	simm.s32 $0x200;
	v10 =	vld [tilespmem:s17+$0x1A30];
	v7 =	vimm.f32 $0.0e+00;
	v5 =	vadd.f32 v5, v6;
	v4 =	vadd.f32 v4, v6  }
.LBB2_5:
0x74: {  	p1 =	sne.s32 s18, $0x3100;
	v18 =	vld [tilespmem:s17+$0x4C30];
	v6 =	vadd.f32 v16, v6  }
0x75: {  	v16 =	vld [tilespmem:s17+$0x1A00];
	v11 =	vadd.f32 v17, v11;
	v15 =	vmul.f32 v15, v12  }
0x76: {  	v17 =	vld [tilespmem:s17+$0x3F80];
	v12 =	vmul.f32 v13, v12  }
0x77: {  	v13 =	vld [tilespmem:s17+$0x4C00];
	v9 =	vadd.f32 v15, v9;
	v14 =	vmul.f32 v14, v3  }
0x78: {  	v19 =	vld [tilespmem:s17+$0x1A10];
	v8 =	vadd.f32 v12, v8;
	v3 =	vmov v10  }
0x79: {  	v10 =	vld [tilespmem:s17+$0x3F90];
	v15 =	vmul.f32 v18, v3;
	v7 =	vadd.f32 v14, v7  }
0x7a: {  	v18 =	vld [tilespmem:s17+$0x4C10]  }
.Ltmp3:
0x7b: {  	v14 =	vmul.f32 v17, v16;
	v12 =	vld [tilespmem:s17+$0x1A20];
	v2 =	vadd.f32 v15, v2;
	(pc) =	sbr.rel @p1 .LBB2_5-.Ltmp3, $4  }
0x7c: {  	v16 =	vmul.f32 v13, v16;
	v15 =	vld [tilespmem:s17+$0x3FA0]  }
0x7d: {  	v5 =	vadd.f32 v14, v5;
	v13 =	vld [tilespmem:s17+$0x4C20]  }
0x7e: {  	v4 =	vadd.f32 v16, v4;
	v16 =	vmul.f32 v10, v19;
	v14 =	vld [tilespmem:s17+$0x3FB0];
	s17 =	sshra.s32 s18, $0x2  }
0x7f: {  	s18 =	sadd.s32 $0x100, s18;
	v10 =	vld [tilespmem:s17+$0x1A30];
	v17 =	vmul.f32 v18, v19  }
0x80: {  	v18 =	vld [tilespmem:s17+$0x1A00]  }
0x81: {  	v19 =	vld [tilespmem:s17+$0x3F80]  }
0x82: {  	v20 =	vld [tilespmem:s17+$0x4C00]  }
0x83: {  	v21 =	vld [tilespmem:s17+$0x1A10]  }
0x84: {  	v22 =	vld [tilespmem:s17+$0x3F90]  }
0x85: {  	v23 =	vld [tilespmem:s17+$0x4C10]  }
0x86: {  	v24 =	vld [tilespmem:s17+$0x1A20]  }
0x87: {  	v6 =	vadd.f32 v16, v6;
	v16 =	vld [tilespmem:s17+$0x3FA0];
	v15 =	vmul.f32 v15, v12  }
0x88: {  	v11 =	vadd.f32 v17, v11;
	v17 =	vld [tilespmem:s17+$0x4C20];
	v12 =	vmul.f32 v13, v12;
	v13 =	vmul.f32 v19, v18  }
0x89: {  	v9 =	vadd.f32 v15, v9;
	v3 =	vmul.f32 v14, v3;
	v15 =	vld [tilespmem:s17+$0x3FB0];
	v14 =	vmul.f32 v20, v18  }
0x8a: {  	v8 =	vadd.f32 v12, v8;
	v12 =	vld [tilespmem:s17+$0x4C30];
	v5 =	vadd.f32 v13, v5;
	v13 =	vmul.f32 v22, v21  }
0x8b: {  	v3 =	vadd.f32 v3, v7;
	v7 =	vmul.f32 v23, v21;
	v4 =	vadd.f32 v14, v4  }
0x8c: {  	v6 =	vadd.f32 v13, v6;
	v13 =	vmul.f32 v16, v24;
	v5 =	vmul.f32 $1.999999960e-02, v5  }
0x8d: {  	v7 =	vadd.f32 v7, v11;
	v11 =	vmul.f32 v17, v24;
	v4 =	vmul.f32 $1.999999960e-02, v4  }
0x8e: {  	v9 =	vadd.f32 v13, v9;
	v13 =	vmul.f32 v15, v10;
	[tilespmem:s15+$0xEF00] =	vst v5;
	v5 =	vmul.f32 $1.999999960e-02, v6  }
0x8f: {  	v8 =	vadd.f32 v11, v8;
	v6 =	vmul.f32 v12, v10;
	[tilespmem:s15+$0xEF40] =	vst v4;
	v4 =	vmul.f32 $1.999999960e-02, v7  }
0x90: {  	v3 =	vadd.f32 v13, v3;
	[tilespmem:s15+$0xEF10] =	vst v5;
	v5 =	vmul.f32 $1.999999960e-02, v9  }
0x91: {  	v2 =	vadd.f32 v6, v2;
	[tilespmem:s15+$0xEF50] =	vst v4;
	v4 =	vmul.f32 $1.999999960e-02, v8  }
0x92: {  	[tilespmem:s15+$0xEF20] =	vst v5;
	v3 =	vmul.f32 $1.999999960e-02, v3  }
0x93: {  	[tilespmem:s15+$0xEF60] =	vst v4;
	v2 =	vmul.f32 $1.999999960e-02, v2  }
0x94: {  	[tilespmem:s15+$0xEF30] =	vst v3  }
0x95: {  	s18 =	simm.s32 @!p0 $0x64;
	s19 =	simm.s32 @!p0 $0x3F80;
	s17 =	sadd.s32 @!p0 $0x3A8, s16;
	[tilespmem:s15+$0xEF70] =	vst v2  }
0x96: {  	[tilespmem:s19], [sflag:$0x2] =	stream.indirect.gather @!p0 [hbm4b:s3+s18], $0x40, s17, s18, $0xb8;
	[tilespmem:$0x10F10] =	vst v63  }
0x97: {  	_ =	swait.ge [sflag:s30], $0x1900  }
0x98: {  	[sflag:s30] =	ssyncset.done $0x0  }
0x99: {  	s20 =	simm.s32 $0x0;
	[sflag:s30] =	ssyncadd.s32 $0xFFFFE700  }
0x9a: {  	v3 =	vld [tilespmem:s20+$0x1A30]  }
0x9b: {  	v2 =	vld [tilespmem:s20+$0x6530]  }
0x9c: {  	v4 =	vld [tilespmem:s20+$0x1A00]  }
0x9d: {  	v5 =	vld [tilespmem:s20+$0x5880]  }
0x9e: {  	v7 =	vld [tilespmem:s20+$0x6500]  }
0x9f: {  	v8 =	vld [tilespmem:s20+$0x1A10]  }
0xa0: {  	v9 =	vld [tilespmem:s20+$0x5890]  }
0xa1: {  	v10 =	vld [tilespmem:s20+$0x6510];
	_ =	sdelay $0x2  }
0xa2: {  	v12 =	vld [tilespmem:s20+$0x1A20];
	v2 =	vmul.f32 v2, v3  }
0xa3: {  	v11 =	vimm.f32 $0.0e+00;
	v15 =	vld [tilespmem:s20+$0x58A0];
	v5 =	vmul.f32 v5, v4;
	v4 =	vmul.f32 v7, v4  }
0xa4: {  	v6 =	vimm.f32 $0.0e+00;
	v13 =	vld [tilespmem:s20+$0x6520];
	v16 =	vmul.f32 v9, v8;
	v17 =	vmul.f32 v10, v8  }
0xa5: {  	s17 =	simm.s32 $0x40;
	v14 =	vld [tilespmem:s20+$0x58B0];
	v9 =	vimm.f32 $0.0e+00;
	v8 =	vimm.f32 $0.0e+00;
	v2 =	vadd.f32 v2, v6  }
0xa6: {  	s18 =	simm.s32 $0x200;
	v10 =	vld [tilespmem:s17+$0x1A30];
	v7 =	vimm.f32 $0.0e+00;
	v5 =	vadd.f32 v5, v6;
	v4 =	vadd.f32 v4, v6  }
.LBB2_7:
0xa7: {  	p1 =	sne.s32 s18, $0x3100;
	v18 =	vld [tilespmem:s17+$0x6530];
	v6 =	vadd.f32 v16, v6  }
0xa8: {  	v16 =	vld [tilespmem:s17+$0x1A00];
	v11 =	vadd.f32 v17, v11;
	v15 =	vmul.f32 v15, v12  }
0xa9: {  	v17 =	vld [tilespmem:s17+$0x5880];
	v12 =	vmul.f32 v13, v12  }
0xaa: {  	v13 =	vld [tilespmem:s17+$0x6500];
	v9 =	vadd.f32 v15, v9;
	v14 =	vmul.f32 v14, v3  }
0xab: {  	v19 =	vld [tilespmem:s17+$0x1A10];
	v8 =	vadd.f32 v12, v8;
	v3 =	vmov v10  }
0xac: {  	v10 =	vld [tilespmem:s17+$0x5890];
	v15 =	vmul.f32 v18, v3;
	v7 =	vadd.f32 v14, v7  }
0xad: {  	v18 =	vld [tilespmem:s17+$0x6510]  }
.Ltmp4:
0xae: {  	v14 =	vmul.f32 v17, v16;
	v12 =	vld [tilespmem:s17+$0x1A20];
	v2 =	vadd.f32 v15, v2;
	(pc) =	sbr.rel @p1 .LBB2_7-.Ltmp4, $4  }
0xaf: {  	v16 =	vmul.f32 v13, v16;
	v15 =	vld [tilespmem:s17+$0x58A0]  }
0xb0: {  	v5 =	vadd.f32 v14, v5;
	v13 =	vld [tilespmem:s17+$0x6520]  }
0xb1: {  	v4 =	vadd.f32 v16, v4;
	v16 =	vmul.f32 v10, v19;
	v14 =	vld [tilespmem:s17+$0x58B0];
	s17 =	sshra.s32 s18, $0x2  }
0xb2: {  	s18 =	sadd.s32 $0x100, s18;
	v10 =	vld [tilespmem:s17+$0x1A30];
	v17 =	vmul.f32 v18, v19  }
0xb3: {  	v18 =	vld [tilespmem:s17+$0x1A00]  }
0xb4: {  	v19 =	vld [tilespmem:s17+$0x5880]  }
0xb5: {  	v20 =	vld [tilespmem:s17+$0x6500]  }
0xb6: {  	v21 =	vld [tilespmem:s17+$0x1A10]  }
0xb7: {  	v22 =	vld [tilespmem:s17+$0x5890]  }
0xb8: {  	v23 =	vld [tilespmem:s17+$0x6510]  }
0xb9: {  	v24 =	vld [tilespmem:s17+$0x1A20]  }
0xba: {  	v6 =	vadd.f32 v16, v6;
	v16 =	vld [tilespmem:s17+$0x58A0];
	v15 =	vmul.f32 v15, v12  }
0xbb: {  	v11 =	vadd.f32 v17, v11;
	v17 =	vld [tilespmem:s17+$0x6520];
	v12 =	vmul.f32 v13, v12;
	v13 =	vmul.f32 v19, v18  }
0xbc: {  	v9 =	vadd.f32 v15, v9;
	v3 =	vmul.f32 v14, v3;
	v15 =	vld [tilespmem:s17+$0x58B0];
	v14 =	vmul.f32 v20, v18  }
0xbd: {  	v8 =	vadd.f32 v12, v8;
	v12 =	vld [tilespmem:s17+$0x6530];
	v5 =	vadd.f32 v13, v5;
	v13 =	vmul.f32 v22, v21  }
0xbe: {  	v3 =	vadd.f32 v3, v7;
	v7 =	vmul.f32 v23, v21;
	v4 =	vadd.f32 v14, v4  }
0xbf: {  	v6 =	vadd.f32 v13, v6;
	v13 =	vmul.f32 v16, v24;
	v5 =	vmul.f32 $1.999999960e-02, v5  }
0xc0: {  	v7 =	vadd.f32 v7, v11;
	v11 =	vmul.f32 v17, v24;
	v4 =	vmul.f32 $1.999999960e-02, v4  }
0xc1: {  	v9 =	vadd.f32 v13, v9;
	v13 =	vmul.f32 v15, v10;
	[tilespmem:s15+$0xEF80] =	vst v5;
	v5 =	vmul.f32 $1.999999960e-02, v6  }
0xc2: {  	v8 =	vadd.f32 v11, v8;
	v6 =	vmul.f32 v12, v10;
	[tilespmem:s15+$0xEFC0] =	vst v4;
	v4 =	vmul.f32 $1.999999960e-02, v7  }
0xc3: {  	v3 =	vadd.f32 v13, v3;
	[tilespmem:s15+$0xEF90] =	vst v5;
	v5 =	vmul.f32 $1.999999960e-02, v9  }
0xc4: {  	v2 =	vadd.f32 v6, v2;
	[tilespmem:s15+$0xEFD0] =	vst v4;
	v4 =	vmul.f32 $1.999999960e-02, v8  }
0xc5: {  	[tilespmem:s15+$0xEFA0] =	vst v5;
	v3 =	vmul.f32 $1.999999960e-02, v3  }
0xc6: {  	[tilespmem:s15+$0xEFE0] =	vst v4;
	v2 =	vmul.f32 $1.999999960e-02, v2  }
0xc7: {  	[tilespmem:s15+$0xEFB0] =	vst v3  }
0xc8: {  	s18 =	simm.s32 @!p0 $0x64;
	s19 =	simm.s32 @!p0 $0x5880;
	s17 =	sadd.s32 @!p0 $0x410, s16;
	[tilespmem:s15+$0xEFF0] =	vst v2  }
0xc9: {  	[tilespmem:s19], [sflag:$0x3] =	stream.indirect.gather @!p0 [hbm4b:s3+s18], $0x40, s17, s18, $0xb8;
	[tilespmem:$0x10F10] =	vst v63  }
0xca: {  	_ =	swait.ge [sflag:s31], $0x1900  }
0xcb: {  	[sflag:s31] =	ssyncset.done $0x0  }
0xcc: {  	s20 =	simm.s32 $0x0;
	[sflag:s31] =	ssyncadd.s32 $0xFFFFE700  }
0xcd: {  	v3 =	vld [tilespmem:s20+$0x1A30]  }
0xce: {  	v2 =	vld [tilespmem:s20+$0x7E30]  }
0xcf: {  	v4 =	vld [tilespmem:s20+$0x1A00]  }
0xd0: {  	v5 =	vld [tilespmem:s20+$0x7180]  }
0xd1: {  	v7 =	vld [tilespmem:s20+$0x7E00]  }
0xd2: {  	v8 =	vld [tilespmem:s20+$0x1A10]  }
0xd3: {  	v9 =	vld [tilespmem:s20+$0x7190]  }
0xd4: {  	v10 =	vld [tilespmem:s20+$0x7E10];
	_ =	sdelay $0x2  }
0xd5: {  	v12 =	vld [tilespmem:s20+$0x1A20];
	v2 =	vmul.f32 v2, v3  }
0xd6: {  	v11 =	vimm.f32 $0.0e+00;
	v15 =	vld [tilespmem:s20+$0x71A0];
	v5 =	vmul.f32 v5, v4;
	v4 =	vmul.f32 v7, v4  }
0xd7: {  	v6 =	vimm.f32 $0.0e+00;
	v13 =	vld [tilespmem:s20+$0x7E20];
	v16 =	vmul.f32 v9, v8;
	v17 =	vmul.f32 v10, v8  }
0xd8: {  	s17 =	simm.s32 $0x40;
	v14 =	vld [tilespmem:s20+$0x71B0];
	v9 =	vimm.f32 $0.0e+00;
	v8 =	vimm.f32 $0.0e+00;
	v2 =	vadd.f32 v2, v6  }
0xd9: {  	s18 =	simm.s32 $0x200;
	v10 =	vld [tilespmem:s17+$0x1A30];
	v7 =	vimm.f32 $0.0e+00;
	v5 =	vadd.f32 v5, v6;
	v4 =	vadd.f32 v4, v6  }
.LBB2_9:
0xda: {  	p1 =	sne.s32 s18, $0x3100;
	v18 =	vld [tilespmem:s17+$0x7E30];
	v6 =	vadd.f32 v16, v6  }
0xdb: {  	v16 =	vld [tilespmem:s17+$0x1A00];
	v11 =	vadd.f32 v17, v11;
	v15 =	vmul.f32 v15, v12  }
0xdc: {  	v17 =	vld [tilespmem:s17+$0x7180];
	v12 =	vmul.f32 v13, v12  }
0xdd: {  	v13 =	vld [tilespmem:s17+$0x7E00];
	v9 =	vadd.f32 v15, v9;
	v14 =	vmul.f32 v14, v3  }
0xde: {  	v19 =	vld [tilespmem:s17+$0x1A10];
	v8 =	vadd.f32 v12, v8;
	v3 =	vmov v10  }
0xdf: {  	v10 =	vld [tilespmem:s17+$0x7190];
	v15 =	vmul.f32 v18, v3;
	v7 =	vadd.f32 v14, v7  }
0xe0: {  	v18 =	vld [tilespmem:s17+$0x7E10]  }
.Ltmp5:
0xe1: {  	v14 =	vmul.f32 v17, v16;
	v12 =	vld [tilespmem:s17+$0x1A20];
	v2 =	vadd.f32 v15, v2;
	(pc) =	sbr.rel @p1 .LBB2_9-.Ltmp5, $4  }
0xe2: {  	v16 =	vmul.f32 v13, v16;
	v15 =	vld [tilespmem:s17+$0x71A0]  }
0xe3: {  	v5 =	vadd.f32 v14, v5;
	v13 =	vld [tilespmem:s17+$0x7E20]  }
0xe4: {  	v4 =	vadd.f32 v16, v4;
	v16 =	vmul.f32 v10, v19;
	v14 =	vld [tilespmem:s17+$0x71B0];
	s17 =	sshra.s32 s18, $0x2  }
0xe5: {  	s18 =	sadd.s32 $0x100, s18;
	v10 =	vld [tilespmem:s17+$0x1A30];
	v17 =	vmul.f32 v18, v19  }
0xe6: {  	v18 =	vld [tilespmem:s17+$0x1A00]  }
0xe7: {  	v19 =	vld [tilespmem:s17+$0x7180]  }
0xe8: {  	v20 =	vld [tilespmem:s17+$0x7E00]  }
0xe9: {  	v21 =	vld [tilespmem:s17+$0x1A10]  }
0xea: {  	v22 =	vld [tilespmem:s17+$0x7190]  }
0xeb: {  	v23 =	vld [tilespmem:s17+$0x7E10]  }
0xec: {  	v24 =	vld [tilespmem:s17+$0x1A20]  }
0xed: {  	v6 =	vadd.f32 v16, v6;
	v16 =	vld [tilespmem:s17+$0x71A0];
	v15 =	vmul.f32 v15, v12  }
0xee: {  	v11 =	vadd.f32 v17, v11;
	v17 =	vld [tilespmem:s17+$0x7E20];
	v12 =	vmul.f32 v13, v12;
	v13 =	vmul.f32 v19, v18  }
0xef: {  	v9 =	vadd.f32 v15, v9;
	v3 =	vmul.f32 v14, v3;
	v15 =	vld [tilespmem:s17+$0x71B0];
	v14 =	vmul.f32 v20, v18  }
0xf0: {  	v8 =	vadd.f32 v12, v8;
	v12 =	vld [tilespmem:s17+$0x7E30];
	v5 =	vadd.f32 v13, v5;
	v13 =	vmul.f32 v22, v21  }
0xf1: {  	v3 =	vadd.f32 v3, v7;
	v7 =	vmul.f32 v23, v21;
	v4 =	vadd.f32 v14, v4  }
0xf2: {  	v6 =	vadd.f32 v13, v6;
	v13 =	vmul.f32 v16, v24;
	v5 =	vmul.f32 $1.999999960e-02, v5  }
0xf3: {  	v7 =	vadd.f32 v7, v11;
	v11 =	vmul.f32 v17, v24;
	v4 =	vmul.f32 $1.999999960e-02, v4  }
0xf4: {  	v9 =	vadd.f32 v13, v9;
	v13 =	vmul.f32 v15, v10;
	[tilespmem:s15+$0xF000] =	vst v5;
	v5 =	vmul.f32 $1.999999960e-02, v6  }
0xf5: {  	v8 =	vadd.f32 v11, v8;
	v6 =	vmul.f32 v12, v10;
	[tilespmem:s15+$0xF040] =	vst v4;
	v4 =	vmul.f32 $1.999999960e-02, v7  }
0xf6: {  	v3 =	vadd.f32 v13, v3;
	[tilespmem:s15+$0xF010] =	vst v5;
	v5 =	vmul.f32 $1.999999960e-02, v9  }
0xf7: {  	v2 =	vadd.f32 v6, v2;
	[tilespmem:s15+$0xF050] =	vst v4;
	v4 =	vmul.f32 $1.999999960e-02, v8  }
0xf8: {  	[tilespmem:s15+$0xF020] =	vst v5;
	v3 =	vmul.f32 $1.999999960e-02, v3  }
0xf9: {  	[tilespmem:s15+$0xF060] =	vst v4;
	v2 =	vmul.f32 $1.999999960e-02, v2  }
0xfa: {  	[tilespmem:s15+$0xF030] =	vst v3  }
0xfb: {  	s18 =	simm.s32 @!p0 $0x64;
	s19 =	simm.s32 @!p0 $0x7180;
	s17 =	sadd.s32 @!p0 $0x478, s16;
	[tilespmem:s15+$0xF070] =	vst v2  }
0xfc: {  	[tilespmem:s19], [sflag:$0x4] =	stream.indirect.gather @!p0 [hbm4b:s3+s18], $0x40, s17, s18, $0xb8;
	[tilespmem:$0x10F10] =	vst v63  }
0xfd: {  	_ =	swait.ge [sflag:s1], $0x1900  }
0xfe: {  	[sflag:s1] =	ssyncset.done $0x0  }
0xff: {  	s20 =	simm.s32 $0x0;
	[sflag:s1] =	ssyncadd.s32 $0xFFFFE700  }
0x100: {  	v3 =	vld [tilespmem:s20+$0x1A30]  }
0x101: {  	v2 =	vld [tilespmem:s20+$0x9730]  }
0x102: {  	v4 =	vld [tilespmem:s20+$0x1A00]  }
0x103: {  	v5 =	vld [tilespmem:s20+$0x8A80]  }
0x104: {  	v7 =	vld [tilespmem:s20+$0x9700]  }
0x105: {  	v8 =	vld [tilespmem:s20+$0x1A10]  }
0x106: {  	v9 =	vld [tilespmem:s20+$0x8A90]  }
0x107: {  	v10 =	vld [tilespmem:s20+$0x9710];
	_ =	sdelay $0x2  }
0x108: {  	v12 =	vld [tilespmem:s20+$0x1A20];
	v2 =	vmul.f32 v2, v3  }
0x109: {  	v11 =	vimm.f32 $0.0e+00;
	v15 =	vld [tilespmem:s20+$0x8AA0];
	v5 =	vmul.f32 v5, v4;
	v4 =	vmul.f32 v7, v4  }
0x10a: {  	v6 =	vimm.f32 $0.0e+00;
	v13 =	vld [tilespmem:s20+$0x9720];
	v16 =	vmul.f32 v9, v8;
	v17 =	vmul.f32 v10, v8  }
0x10b: {  	s17 =	simm.s32 $0x40;
	v14 =	vld [tilespmem:s20+$0x8AB0];
	v9 =	vimm.f32 $0.0e+00;
	v8 =	vimm.f32 $0.0e+00;
	v2 =	vadd.f32 v2, v6  }
0x10c: {  	s18 =	simm.s32 $0x200;
	v10 =	vld [tilespmem:s17+$0x1A30];
	v7 =	vimm.f32 $0.0e+00;
	v5 =	vadd.f32 v5, v6;
	v4 =	vadd.f32 v4, v6  }
.LBB2_11:
0x10d: {  	p1 =	sne.s32 s18, $0x3100;
	v18 =	vld [tilespmem:s17+$0x9730];
	v6 =	vadd.f32 v16, v6  }
0x10e: {  	v16 =	vld [tilespmem:s17+$0x1A00];
	v11 =	vadd.f32 v17, v11;
	v15 =	vmul.f32 v15, v12  }
0x10f: {  	v17 =	vld [tilespmem:s17+$0x8A80];
	v12 =	vmul.f32 v13, v12  }
0x110: {  	v13 =	vld [tilespmem:s17+$0x9700];
	v9 =	vadd.f32 v15, v9;
	v14 =	vmul.f32 v14, v3  }
0x111: {  	v19 =	vld [tilespmem:s17+$0x1A10];
	v8 =	vadd.f32 v12, v8;
	v3 =	vmov v10  }
0x112: {  	v10 =	vld [tilespmem:s17+$0x8A90];
	v15 =	vmul.f32 v18, v3;
	v7 =	vadd.f32 v14, v7  }
0x113: {  	v18 =	vld [tilespmem:s17+$0x9710]  }
.Ltmp6:
0x114: {  	v14 =	vmul.f32 v17, v16;
	v12 =	vld [tilespmem:s17+$0x1A20];
	v2 =	vadd.f32 v15, v2;
	(pc) =	sbr.rel @p1 .LBB2_11-.Ltmp6, $4  }
0x115: {  	v16 =	vmul.f32 v13, v16;
	v15 =	vld [tilespmem:s17+$0x8AA0]  }
0x116: {  	v5 =	vadd.f32 v14, v5;
	v13 =	vld [tilespmem:s17+$0x9720]  }
0x117: {  	v4 =	vadd.f32 v16, v4;
	v16 =	vmul.f32 v10, v19;
	v14 =	vld [tilespmem:s17+$0x8AB0];
	s17 =	sshra.s32 s18, $0x2  }
0x118: {  	s18 =	sadd.s32 $0x100, s18;
	v10 =	vld [tilespmem:s17+$0x1A30];
	v17 =	vmul.f32 v18, v19  }
0x119: {  	v18 =	vld [tilespmem:s17+$0x1A00]  }
0x11a: {  	v19 =	vld [tilespmem:s17+$0x8A80]  }
0x11b: {  	v20 =	vld [tilespmem:s17+$0x9700]  }
0x11c: {  	v21 =	vld [tilespmem:s17+$0x1A10]  }
0x11d: {  	v22 =	vld [tilespmem:s17+$0x8A90]  }
0x11e: {  	v23 =	vld [tilespmem:s17+$0x9710]  }
0x11f: {  	v24 =	vld [tilespmem:s17+$0x1A20]  }
0x120: {  	v6 =	vadd.f32 v16, v6;
	v16 =	vld [tilespmem:s17+$0x8AA0];
	v15 =	vmul.f32 v15, v12  }
0x121: {  	v11 =	vadd.f32 v17, v11;
	v17 =	vld [tilespmem:s17+$0x9720];
	v12 =	vmul.f32 v13, v12;
	v13 =	vmul.f32 v19, v18  }
0x122: {  	v9 =	vadd.f32 v15, v9;
	v3 =	vmul.f32 v14, v3;
	v15 =	vld [tilespmem:s17+$0x8AB0];
	v14 =	vmul.f32 v20, v18  }
0x123: {  	v8 =	vadd.f32 v12, v8;
	v12 =	vld [tilespmem:s17+$0x9730];
	v5 =	vadd.f32 v13, v5;
	v13 =	vmul.f32 v22, v21  }
0x124: {  	v3 =	vadd.f32 v3, v7;
	v7 =	vmul.f32 v23, v21;
	v4 =	vadd.f32 v14, v4  }
0x125: {  	v6 =	vadd.f32 v13, v6;
	v13 =	vmul.f32 v16, v24;
	v5 =	vmul.f32 $1.999999960e-02, v5  }
0x126: {  	v7 =	vadd.f32 v7, v11;
	v11 =	vmul.f32 v17, v24;
	v4 =	vmul.f32 $1.999999960e-02, v4  }
0x127: {  	v9 =	vadd.f32 v13, v9;
	v13 =	vmul.f32 v15, v10;
	[tilespmem:s15+$0xF080] =	vst v5;
	v5 =	vmul.f32 $1.999999960e-02, v6  }
0x128: {  	v8 =	vadd.f32 v11, v8;
	v6 =	vmul.f32 v12, v10;
	[tilespmem:s15+$0xF0C0] =	vst v4;
	v4 =	vmul.f32 $1.999999960e-02, v7  }
0x129: {  	v3 =	vadd.f32 v13, v3;
	[tilespmem:s15+$0xF090] =	vst v5;
	v5 =	vmul.f32 $1.999999960e-02, v9  }
0x12a: {  	v2 =	vadd.f32 v6, v2;
	[tilespmem:s15+$0xF0D0] =	vst v4;
	v4 =	vmul.f32 $1.999999960e-02, v8  }
0x12b: {  	[tilespmem:s15+$0xF0A0] =	vst v5;
	v3 =	vmul.f32 $1.999999960e-02, v3  }
0x12c: {  	[tilespmem:s15+$0xF0E0] =	vst v4;
	v2 =	vmul.f32 $1.999999960e-02, v2  }
0x12d: {  	[tilespmem:s15+$0xF0B0] =	vst v3  }
0x12e: {  	s18 =	simm.s32 @!p0 $0x64;
	s19 =	simm.s32 @!p0 $0x8A80;
	s17 =	sadd.s32 @!p0 $0x4E0, s16;
	[tilespmem:s15+$0xF0F0] =	vst v2  }
0x12f: {  	[tilespmem:s19], [sflag:$0x5] =	stream.indirect.gather @!p0 [hbm4b:s3+s18], $0x40, s17, s18, $0xb8;
	[tilespmem:$0x10F10] =	vst v63  }
0x130: {  	_ =	swait.ge [sflag:s0], $0x1900  }
0x131: {  	[sflag:s0] =	ssyncset.done $0x0  }
0x132: {  	s20 =	simm.s32 $0x0;
	[sflag:s0] =	ssyncadd.s32 $0xFFFFE700  }
0x133: {  	v3 =	vld [tilespmem:s20+$0x1A30]  }
0x134: {  	v2 =	vld [tilespmem:s20+$0xB030]  }
0x135: {  	v4 =	vld [tilespmem:s20+$0x1A00]  }
0x136: {  	v5 =	vld [tilespmem:s20+$0xA380]  }
0x137: {  	v7 =	vld [tilespmem:s20+$0xB000]  }
0x138: {  	v8 =	vld [tilespmem:s20+$0x1A10]  }
0x139: {  	v9 =	vld [tilespmem:s20+$0xA390]  }
0x13a: {  	v10 =	vld [tilespmem:s20+$0xB010];
	_ =	sdelay $0x2  }
0x13b: {  	v12 =	vld [tilespmem:s20+$0x1A20];
	v2 =	vmul.f32 v2, v3  }
0x13c: {  	v11 =	vimm.f32 $0.0e+00;
	v15 =	vld [tilespmem:s20+$0xA3A0];
	v5 =	vmul.f32 v5, v4;
	v4 =	vmul.f32 v7, v4  }
0x13d: {  	v6 =	vimm.f32 $0.0e+00;
	v13 =	vld [tilespmem:s20+$0xB020];
	v16 =	vmul.f32 v9, v8;
	v17 =	vmul.f32 v10, v8  }
0x13e: {  	s17 =	simm.s32 $0x40;
	v14 =	vld [tilespmem:s20+$0xA3B0];
	v9 =	vimm.f32 $0.0e+00;
	v8 =	vimm.f32 $0.0e+00;
	v2 =	vadd.f32 v2, v6  }
0x13f: {  	s18 =	simm.s32 $0x200;
	v10 =	vld [tilespmem:s17+$0x1A30];
	v7 =	vimm.f32 $0.0e+00;
	v5 =	vadd.f32 v5, v6;
	v4 =	vadd.f32 v4, v6  }
.LBB2_13:
0x140: {  	p1 =	sne.s32 s18, $0x3100;
	v18 =	vld [tilespmem:s17+$0xB030];
	v6 =	vadd.f32 v16, v6  }
0x141: {  	v16 =	vld [tilespmem:s17+$0x1A00];
	v11 =	vadd.f32 v17, v11;
	v15 =	vmul.f32 v15, v12  }
0x142: {  	v17 =	vld [tilespmem:s17+$0xA380];
	v12 =	vmul.f32 v13, v12  }
0x143: {  	v13 =	vld [tilespmem:s17+$0xB000];
	v9 =	vadd.f32 v15, v9;
	v14 =	vmul.f32 v14, v3  }
0x144: {  	v19 =	vld [tilespmem:s17+$0x1A10];
	v8 =	vadd.f32 v12, v8;
	v3 =	vmov v10  }
0x145: {  	v10 =	vld [tilespmem:s17+$0xA390];
	v15 =	vmul.f32 v18, v3;
	v7 =	vadd.f32 v14, v7  }
0x146: {  	v18 =	vld [tilespmem:s17+$0xB010]  }
.Ltmp7:
0x147: {  	v14 =	vmul.f32 v17, v16;
	v12 =	vld [tilespmem:s17+$0x1A20];
	v2 =	vadd.f32 v15, v2;
	(pc) =	sbr.rel @p1 .LBB2_13-.Ltmp7, $4  }
0x148: {  	v16 =	vmul.f32 v13, v16;
	v15 =	vld [tilespmem:s17+$0xA3A0]  }
0x149: {  	v5 =	vadd.f32 v14, v5;
	v13 =	vld [tilespmem:s17+$0xB020]  }
0x14a: {  	v4 =	vadd.f32 v16, v4;
	v16 =	vmul.f32 v10, v19;
	v14 =	vld [tilespmem:s17+$0xA3B0];
	s17 =	sshra.s32 s18, $0x2  }
0x14b: {  	s18 =	sadd.s32 $0x100, s18;
	v10 =	vld [tilespmem:s17+$0x1A30];
	v17 =	vmul.f32 v18, v19  }
0x14c: {  	v18 =	vld [tilespmem:s17+$0x1A00]  }
0x14d: {  	v19 =	vld [tilespmem:s17+$0xA380]  }
0x14e: {  	v20 =	vld [tilespmem:s17+$0xB000]  }
0x14f: {  	v21 =	vld [tilespmem:s17+$0x1A10]  }
0x150: {  	v22 =	vld [tilespmem:s17+$0xA390]  }
0x151: {  	v23 =	vld [tilespmem:s17+$0xB010]  }
0x152: {  	v24 =	vld [tilespmem:s17+$0x1A20]  }
0x153: {  	v6 =	vadd.f32 v16, v6;
	v16 =	vld [tilespmem:s17+$0xA3A0];
	v15 =	vmul.f32 v15, v12  }
0x154: {  	v11 =	vadd.f32 v17, v11;
	v17 =	vld [tilespmem:s17+$0xB020];
	v12 =	vmul.f32 v13, v12;
	v13 =	vmul.f32 v19, v18  }
0x155: {  	v9 =	vadd.f32 v15, v9;
	v3 =	vmul.f32 v14, v3;
	v15 =	vld [tilespmem:s17+$0xA3B0];
	v14 =	vmul.f32 v20, v18  }
0x156: {  	v8 =	vadd.f32 v12, v8;
	v12 =	vld [tilespmem:s17+$0xB030];
	v5 =	vadd.f32 v13, v5;
	v13 =	vmul.f32 v22, v21  }
0x157: {  	v3 =	vadd.f32 v3, v7;
	v7 =	vmul.f32 v23, v21;
	v4 =	vadd.f32 v14, v4  }
0x158: {  	v6 =	vadd.f32 v13, v6;
	v13 =	vmul.f32 v16, v24;
	v5 =	vmul.f32 $1.999999960e-02, v5  }
0x159: {  	v7 =	vadd.f32 v7, v11;
	v11 =	vmul.f32 v17, v24;
	v4 =	vmul.f32 $1.999999960e-02, v4  }
0x15a: {  	v9 =	vadd.f32 v13, v9;
	v13 =	vmul.f32 v15, v10;
	[tilespmem:s15+$0xF100] =	vst v5;
	v5 =	vmul.f32 $1.999999960e-02, v6  }
0x15b: {  	v8 =	vadd.f32 v11, v8;
	v6 =	vmul.f32 v12, v10;
	[tilespmem:s15+$0xF140] =	vst v4;
	v4 =	vmul.f32 $1.999999960e-02, v7  }
0x15c: {  	v3 =	vadd.f32 v13, v3;
	[tilespmem:s15+$0xF110] =	vst v5;
	v5 =	vmul.f32 $1.999999960e-02, v9  }
0x15d: {  	v2 =	vadd.f32 v6, v2;
	[tilespmem:s15+$0xF150] =	vst v4;
	v4 =	vmul.f32 $1.999999960e-02, v8  }
0x15e: {  	[tilespmem:s15+$0xF120] =	vst v5;
	v3 =	vmul.f32 $1.999999960e-02, v3  }
0x15f: {  	[tilespmem:s15+$0xF160] =	vst v4;
	v2 =	vmul.f32 $1.999999960e-02, v2  }
0x160: {  	[tilespmem:s15+$0xF130] =	vst v3  }
0x161: {  	s18 =	simm.s32 @!p0 $0x64;
	s19 =	simm.s32 @!p0 $0xA380;
	s17 =	sadd.s32 @!p0 $0x548, s16;
	[tilespmem:s15+$0xF170] =	vst v2  }
0x162: {  	[tilespmem:s19], [sflag:$0x6] =	stream.indirect.gather @!p0 [hbm4b:s3+s18], $0x40, s17, s18, $0xb8;
	[tilespmem:$0x10F10] =	vst v63  }
0x163: {  	_ =	swait.ge [sflag:s9], $0x1900  }
0x164: {  	[sflag:s9] =	ssyncset.done $0x0  }
0x165: {  	s20 =	simm.s32 $0x0;
	[sflag:s9] =	ssyncadd.s32 $0xFFFFE700  }
0x166: {  	v3 =	vld [tilespmem:s20+$0x1A30]  }
0x167: {  	v2 =	vld [tilespmem:s20+$0xC930]  }
0x168: {  	v4 =	vld [tilespmem:s20+$0x1A00]  }
0x169: {  	v5 =	vld [tilespmem:s20+$0xBC80]  }
0x16a: {  	v7 =	vld [tilespmem:s20+$0xC900]  }
0x16b: {  	v8 =	vld [tilespmem:s20+$0x1A10]  }
0x16c: {  	v9 =	vld [tilespmem:s20+$0xBC90]  }
0x16d: {  	v10 =	vld [tilespmem:s20+$0xC910];
	_ =	sdelay $0x2  }
0x16e: {  	v12 =	vld [tilespmem:s20+$0x1A20];
	v2 =	vmul.f32 v2, v3  }
0x16f: {  	v11 =	vimm.f32 $0.0e+00;
	v15 =	vld [tilespmem:s20+$0xBCA0];
	v5 =	vmul.f32 v5, v4;
	v4 =	vmul.f32 v7, v4  }
0x170: {  	v6 =	vimm.f32 $0.0e+00;
	v13 =	vld [tilespmem:s20+$0xC920];
	v16 =	vmul.f32 v9, v8;
	v17 =	vmul.f32 v10, v8  }
0x171: {  	s17 =	simm.s32 $0x40;
	v14 =	vld [tilespmem:s20+$0xBCB0];
	v9 =	vimm.f32 $0.0e+00;
	v8 =	vimm.f32 $0.0e+00;
	v2 =	vadd.f32 v2, v6  }
0x172: {  	s18 =	simm.s32 $0x200;
	v10 =	vld [tilespmem:s17+$0x1A30];
	v7 =	vimm.f32 $0.0e+00;
	v5 =	vadd.f32 v5, v6;
	v4 =	vadd.f32 v4, v6  }
.LBB2_15:
0x173: {  	p1 =	sne.s32 s18, $0x3100;
	v18 =	vld [tilespmem:s17+$0xC930];
	v6 =	vadd.f32 v16, v6  }
0x174: {  	v16 =	vld [tilespmem:s17+$0x1A00];
	v11 =	vadd.f32 v17, v11;
	v15 =	vmul.f32 v15, v12  }
0x175: {  	v17 =	vld [tilespmem:s17+$0xBC80];
	v12 =	vmul.f32 v13, v12  }
0x176: {  	v13 =	vld [tilespmem:s17+$0xC900];
	v9 =	vadd.f32 v15, v9;
	v14 =	vmul.f32 v14, v3  }
0x177: {  	v19 =	vld [tilespmem:s17+$0x1A10];
	v8 =	vadd.f32 v12, v8;
	v3 =	vmov v10  }
0x178: {  	v10 =	vld [tilespmem:s17+$0xBC90];
	v15 =	vmul.f32 v18, v3;
	v7 =	vadd.f32 v14, v7  }
0x179: {  	v18 =	vld [tilespmem:s17+$0xC910]  }
.Ltmp8:
0x17a: {  	v14 =	vmul.f32 v17, v16;
	v12 =	vld [tilespmem:s17+$0x1A20];
	v2 =	vadd.f32 v15, v2;
	(pc) =	sbr.rel @p1 .LBB2_15-.Ltmp8, $4  }
0x17b: {  	v16 =	vmul.f32 v13, v16;
	v15 =	vld [tilespmem:s17+$0xBCA0]  }
0x17c: {  	v5 =	vadd.f32 v14, v5;
	v13 =	vld [tilespmem:s17+$0xC920]  }
0x17d: {  	v4 =	vadd.f32 v16, v4;
	v16 =	vmul.f32 v10, v19;
	v14 =	vld [tilespmem:s17+$0xBCB0];
	s17 =	sshra.s32 s18, $0x2  }
0x17e: {  	s18 =	sadd.s32 $0x100, s18;
	v10 =	vld [tilespmem:s17+$0x1A30];
	v17 =	vmul.f32 v18, v19  }
0x17f: {  	v18 =	vld [tilespmem:s17+$0x1A00]  }
0x180: {  	v19 =	vld [tilespmem:s17+$0xBC80]  }
0x181: {  	v20 =	vld [tilespmem:s17+$0xC900]  }
0x182: {  	v21 =	vld [tilespmem:s17+$0x1A10]  }
0x183: {  	v22 =	vld [tilespmem:s17+$0xBC90]  }
0x184: {  	v23 =	vld [tilespmem:s17+$0xC910]  }
0x185: {  	v24 =	vld [tilespmem:s17+$0x1A20]  }
0x186: {  	v6 =	vadd.f32 v16, v6;
	v16 =	vld [tilespmem:s17+$0xBCA0];
	v15 =	vmul.f32 v15, v12  }
0x187: {  	v11 =	vadd.f32 v17, v11;
	v17 =	vld [tilespmem:s17+$0xC920];
	v12 =	vmul.f32 v13, v12;
	v13 =	vmul.f32 v19, v18  }
0x188: {  	v9 =	vadd.f32 v15, v9;
	v3 =	vmul.f32 v14, v3;
	v15 =	vld [tilespmem:s17+$0xBCB0];
	v14 =	vmul.f32 v20, v18  }
0x189: {  	v8 =	vadd.f32 v12, v8;
	v12 =	vld [tilespmem:s17+$0xC930];
	v5 =	vadd.f32 v13, v5;
	v13 =	vmul.f32 v22, v21  }
0x18a: {  	v3 =	vadd.f32 v3, v7;
	v7 =	vmul.f32 v23, v21;
	v4 =	vadd.f32 v14, v4  }
0x18b: {  	v6 =	vadd.f32 v13, v6;
	v13 =	vmul.f32 v16, v24;
	v5 =	vmul.f32 $1.999999960e-02, v5  }
0x18c: {  	v7 =	vadd.f32 v7, v11;
	v11 =	vmul.f32 v17, v24;
	v4 =	vmul.f32 $1.999999960e-02, v4  }
0x18d: {  	v9 =	vadd.f32 v13, v9;
	v13 =	vmul.f32 v15, v10;
	[tilespmem:s15+$0xF180] =	vst v5;
	v5 =	vmul.f32 $1.999999960e-02, v6  }
0x18e: {  	v8 =	vadd.f32 v11, v8;
	v6 =	vmul.f32 v12, v10;
	[tilespmem:s15+$0xF1C0] =	vst v4;
	v4 =	vmul.f32 $1.999999960e-02, v7  }
0x18f: {  	v3 =	vadd.f32 v13, v3;
	[tilespmem:s15+$0xF190] =	vst v5;
	v5 =	vmul.f32 $1.999999960e-02, v9  }
0x190: {  	v2 =	vadd.f32 v6, v2;
	[tilespmem:s15+$0xF1D0] =	vst v4;
	v4 =	vmul.f32 $1.999999960e-02, v8  }
0x191: {  	[tilespmem:s15+$0xF1A0] =	vst v5;
	v3 =	vmul.f32 $1.999999960e-02, v3  }
0x192: {  	[tilespmem:s15+$0xF1E0] =	vst v4;
	v2 =	vmul.f32 $1.999999960e-02, v2  }
0x193: {  	[tilespmem:s15+$0xF1B0] =	vst v3  }
0x194: {  	s16 =	sadd.s32 @!p0 $0x5B0, s16;
	s18 =	simm.s32 @!p0 $0xBC80;
	s17 =	simm.s32 @!p0 $0x64;
	[tilespmem:s15+$0xF1F0] =	vst v2  }
0x195: {  	[tilespmem:s18], [sflag:$0x7] =	stream.indirect.gather @!p0 [hbm4b:s3+s17], $0x40, s16, s17, $0xb8;
	[tilespmem:$0x10F10] =	vst v63  }
0x196: {  	_ =	swait.ge [sflag:s10], $0x1900  }
0x197: {  	[sflag:s10] =	ssyncset.done $0x0  }
0x198: {  	s20 =	simm.s32 $0x0;
	[sflag:s10] =	ssyncadd.s32 $0xFFFFE700  }
0x199: {  	v3 =	vld [tilespmem:s20+$0x1A30]  }
0x19a: {  	v2 =	vld [tilespmem:s20+$0xE230]  }
0x19b: {  	v4 =	vld [tilespmem:s20+$0x1A00]  }
0x19c: {  	v5 =	vld [tilespmem:s20+$0xD580]  }
0x19d: {  	v7 =	vld [tilespmem:s20+$0xE200]  }
0x19e: {  	v8 =	vld [tilespmem:s20+$0x1A10]  }
0x19f: {  	v9 =	vld [tilespmem:s20+$0xD590]  }
0x1a0: {  	v10 =	vld [tilespmem:s20+$0xE210];
	_ =	sdelay $0x2  }
0x1a1: {  	v12 =	vld [tilespmem:s20+$0x1A20];
	v2 =	vmul.f32 v2, v3  }
0x1a2: {  	v11 =	vimm.f32 $0.0e+00;
	v15 =	vld [tilespmem:s20+$0xD5A0];
	v5 =	vmul.f32 v5, v4;
	v4 =	vmul.f32 v7, v4  }
0x1a3: {  	v6 =	vimm.f32 $0.0e+00;
	v13 =	vld [tilespmem:s20+$0xE220];
	v16 =	vmul.f32 v9, v8;
	v17 =	vmul.f32 v10, v8  }
0x1a4: {  	s16 =	simm.s32 $0x40;
	v14 =	vld [tilespmem:s20+$0xD5B0];
	v9 =	vimm.f32 $0.0e+00;
	v8 =	vimm.f32 $0.0e+00;
	v2 =	vadd.f32 v2, v6  }
0x1a5: {  	s17 =	simm.s32 $0x200;
	v10 =	vld [tilespmem:s16+$0x1A30];
	v7 =	vimm.f32 $0.0e+00;
	v5 =	vadd.f32 v5, v6;
	v4 =	vadd.f32 v4, v6  }
.LBB2_17:
0x1a6: {  	p1 =	sne.s32 s17, $0x3100;
	v18 =	vld [tilespmem:s16+$0xE230];
	v6 =	vadd.f32 v16, v6  }
0x1a7: {  	v16 =	vld [tilespmem:s16+$0x1A00];
	v11 =	vadd.f32 v17, v11;
	v15 =	vmul.f32 v15, v12  }
0x1a8: {  	v17 =	vld [tilespmem:s16+$0xD580];
	v12 =	vmul.f32 v13, v12  }
0x1a9: {  	v13 =	vld [tilespmem:s16+$0xE200];
	v9 =	vadd.f32 v15, v9;
	v14 =	vmul.f32 v14, v3  }
0x1aa: {  	v19 =	vld [tilespmem:s16+$0x1A10];
	v8 =	vadd.f32 v12, v8;
	v3 =	vmov v10  }
0x1ab: {  	v10 =	vld [tilespmem:s16+$0xD590];
	v15 =	vmul.f32 v18, v3;
	v7 =	vadd.f32 v14, v7  }
0x1ac: {  	v18 =	vld [tilespmem:s16+$0xE210]  }
.Ltmp9:
0x1ad: {  	v14 =	vmul.f32 v17, v16;
	v12 =	vld [tilespmem:s16+$0x1A20];
	v2 =	vadd.f32 v15, v2;
	(pc) =	sbr.rel @p1 .LBB2_17-.Ltmp9, $4  }
0x1ae: {  	v16 =	vmul.f32 v13, v16;
	v15 =	vld [tilespmem:s16+$0xD5A0]  }
0x1af: {  	v5 =	vadd.f32 v14, v5;
	v13 =	vld [tilespmem:s16+$0xE220]  }
0x1b0: {  	v4 =	vadd.f32 v16, v4;
	v16 =	vmul.f32 v10, v19;
	v14 =	vld [tilespmem:s16+$0xD5B0];
	s16 =	sshra.s32 s17, $0x2  }
0x1b1: {  	s17 =	sadd.s32 $0x100, s17;
	v10 =	vld [tilespmem:s16+$0x1A30];
	v17 =	vmul.f32 v18, v19  }
0x1b2: {  	v18 =	vld [tilespmem:s16+$0x1A00]  }
0x1b3: {  	v19 =	vld [tilespmem:s16+$0xD580]  }
0x1b4: {  	v20 =	vld [tilespmem:s16+$0xE200]  }
0x1b5: {  	v21 =	vld [tilespmem:s16+$0x1A10]  }
0x1b6: {  	v22 =	vld [tilespmem:s16+$0xD590]  }
0x1b7: {  	v23 =	vld [tilespmem:s16+$0xE210]  }
0x1b8: {  	v24 =	vld [tilespmem:s16+$0x1A20]  }
0x1b9: {  	v6 =	vadd.f32 v16, v6;
	v47 =	vld [tilespmem:s16+$0xD5A0];
	v15 =	vmul.f32 v15, v12  }
0x1ba: {  	v50 =	vld [tilespmem:s16+$0xE220];
	v11 =	vadd.f32 v17, v11;
	v48 =	vmul.f32 v13, v12;
	v49 =	vmul.f32 v19, v18  }
0x1bb: {  	v52 =	vld [tilespmem:s16+$0xD5B0];
	v9 =	vadd.f32 v15, v9;
	v3 =	vmul.f32 v14, v3;
	v51 =	vmul.f32 v20, v18  }
0x1bc: {  	v53 =	vld [tilespmem:s16+$0xE230];
	v8 =	vadd.f32 v48, v8;
	v54 =	vmul.f32 v22, v21;
	v5 =	vadd.f32 v49, v5  }
0x1bd: {  	v3 =	vadd.f32 v3, v7;
	v55 =	vmul.f32 v23, v21;
	v4 =	vadd.f32 v51, v4  }
0x1be: {  	v56 =	vmul.f32 v47, v24;
	v6 =	vadd.f32 v54, v6;
	v5 =	vmul.f32 $1.999999960e-02, v5  }
0x1bf: {  	v57 =	vmul.f32 v50, v24;
	v7 =	vadd.f32 v55, v11;
	v4 =	vmul.f32 $1.999999960e-02, v4  }
0x1c0: {  	v58 =	vmul.f32 v52, v10;
	v9 =	vadd.f32 v56, v9;
	v59 =	vmul.f32 $1.999999960e-02, v6;
	[tilespmem:s15+$0xF200] =	vst v5  }
0x1c1: {  	v60 =	vmul.f32 v53, v10;
	v8 =	vadd.f32 v57, v8;
	v61 =	vmul.f32 $1.999999960e-02, v7;
	[tilespmem:s15+$0xF240] =	vst v4  }
0x1c2: {  	v3 =	vadd.f32 v58, v3;
	v62 =	vmul.f32 $1.999999960e-02, v9;
	[tilespmem:s15+$0xF210] =	vst v59  }
.Ltmp10:
0x1c3: {  	v2 =	vadd.f32 v60, v2;
	v63 =	vmul.f32 $1.999999960e-02, v8;
	[tilespmem:s15+$0xF250] =	vst v61;
	(pc) =	sbr.rel @p0 .LBB2_19-.Ltmp10, $4  }
0x1c4: {  	v3 =	vmul.f32 $1.999999960e-02, v3;
	[tilespmem:s15+$0xF220] =	vst v62  }
0x1c5: {  	v2 =	vmul.f32 $1.999999960e-02, v2;
	[tilespmem:s15+$0xF260] =	vst v63  }
0x1c6: {  	[tilespmem:s15+$0xF230] =	vst v3  }
0x1c7: {  	[tilespmem:s15+$0xF270] =	vst v2  }
0x1c8: {  	s15 =	smul.u32 $0xD00, s14  }
.Ltmp11:
0x1c9: {  	_ = 	snop;
	(pc) =	sbr.rel .LBB2_2-.Ltmp11, $4  }
0x1ca: {  	_ = 	snop  }
0x1cb: {  	s15 =	sshra.s32 s15, $0x2  }
0x1cc: {  	s14 =	sadd.s32 $0x1, s14;
	s15 =	sadd.s32 $0x618, s15  }
0x1cd: {  	[tilespmem:s26], [sflag:$0x8] =	stream.indirect.gather [hbm4b:s3+s11], $0x40, s15, s11, $0xb8;
	[tilespmem:$0x10F10] =	vst v63  }
.LBB2_19:
.Ltmp12:
0x1ce: {  	(pc) =	sbr.rel .LBB2_20-.Ltmp12, $2  }
0x1cf: {  	_ =	sdelay $0x2  }
0x1d0: {  	s14 =	simm.s32 $0x0  }
.LBB2_24:
0x1d1: {  	s14 =	sadd.s32 $0x1, s14  }
0x1d2: {  	p0 =	sne.s32 s14, $0x80  }
.Ltmp13:
0x1d3: {  	_ = 	snop;
	(pc) =	sbr.rel @!p0 .LBB2_25-.Ltmp13, $1  }
0x1d4: {  	_ =	sdelay $0x3  }
.LBB2_20:
0x1d5: {  	s15 =	sshrl.u32 s14, $0x1;
	s16 =	sand.u32 $0x1, s14  }
0x1d6: {  	p0 =	seq.s32 s16, $0x1;
	s16 =	simm.s32 $0x32;
	s15 =	smul.u32 $0x1A0, s15  }
0x1d7: {  	s16 =	simm.s32 @!p0 $0x0  }
0x1d8: {  	s17 =	sand.u32 $0x30, s16;
	s15 =	sshra.s32 s15, $0x2  }
0x1d9: {  	s18 =	sand.u32 $0x2, s16;
	s19 =	sadd.s32 $0x10, s16;
	s20 =	sadd.s32 $0x20, s16  }
0x1da: {  	s16 =	sadd.s32 $0x22, s16;
	s17 =	sadd.s32 s17, s15;
	s19 =	sand.u32 $0x70, s19  }
0x1db: {  	s20 =	sand.u32 $0x70, s20;
	s17 =	sor.u32 s18, s17;
	s19 =	sadd.s32 s19, s15  }
0x1dc: {  	v2 =	vld [tilespmem:s17+$0x0];
	s17 =	sor.u32 s18, s19;
	s19 =	sadd.s32 s20, s15;
	s20 =	sand.u32 $0x70, s16  }
0x1dd: {  	s16 =	sand.u32 $0x6, s16;
	v3 =	vld [tilespmem:s17+$0x0];
	s19 =	sor.u32 s18, s19;
	s15 =	sadd.s32 s20, s15  }
0x1de: {  	v4 =	vld [tilespmem:s19+$0x0];
	s15 =	sor.u32 s16, s15  }
0x1df: {  	v5 =	vld [tilespmem:s15+$0x0];
	_ =	sdelay $0x2  }
0x1e0: {  	vm2 =	veq.s32 v2, $0x0;
	vm3 =	veq.s32 v3, $0x0  }
0x1e1: {  	vm0 =	veq.s32 v4, $0x0;
	vm4 =	vmor vm2, vm3  }
0x1e2: {  	vm1 =	veq.s32 v5, $0x0;
	vm4 =	vmor vm4, vm0  }
0x1e3: {  	vm4 =	vmor vm4, vm1  }
0x1e4: {  	v2 =	vsel vm4, $0x3F800000, v0  }
0x1e5: {  	(xrf0) =	vmax.scan.msk.f32 $0xffff, v2;
	_ =	sdelay $0x5  }
0x1e6: {  	v2, _, _ =	vpop (xrf0)  }
0x1e7: {  	(v2sf) =	vpush v2, $0xF;
	_ =	sdelay $0xe  }
0x1e8: {  	s20 =	spop (v2sf)  }
0x1e9: {  	p0 =	sgt.f32 s20, $0.0e+00  }
.Ltmp14:
0x1ea: {  	_ = 	snop;
	(pc) =	sbr.rel @!p0 .LBB2_24-.Ltmp14, $1  }
0x1eb: {  	_ =	sdelay $0x3  }
0x1ec: {  	v2 =	vimm.f32 $0.0e+00  }
0x1ed: {  	v3 =	vsel vm2, $0x3F800000, v2  }
0x1ee: {  	v4 =	vsel vm3, $0x3F800000, v2;
	[tilespmem:$0x10EC0] =	vst v3  }
0x1ef: {  	v3 =	vsel vm0, $0x3F800000, v2;
	[tilespmem:$0x10ED0] =	vst v4  }
0x1f0: {  	s15 =	simm.s32 $0x0;
	p0 =	por $0x0, $0x0;
	s16 =	simm.s32 $0xE;
	v4 =	vsel vm1, $0x3F800000, v2;
	[tilespmem:$0x10EE0] =	vst v3  }
0x1f1: {  	s15 =	smov.u32 @p0 s16;
	[tilespmem:$0x10EF0] =	vst v4  }
0x1f2: {  	v3 =	vld [tilespmem:s15+$0x10EC0]  }
0x1f3: {  	s20 =	simm.s32 $0x1A20  }
0x1f4: {  	v6 =	vld [tilespmem:s20+$0x10]  }
0x1f5: {  	v9 =	vld [tilespmem:s20+$0xFFFFFFE0]  }
0x1f6: {  	s17 =	simm.s32 $0xF;
	p0 =	por $0x0, $0x0;
	s15 =	simm.s32 $0x1;
	v8 =	vld [tilespmem:s20+$0xFFFFFFF0]  }
0x1f7: {  	v5 =	vld [tilespmem:s20+$0x0];
	s15 =	smov.u32 @p0 s17;
	v4 =	vperm.xlane v3, v1  }
0x1f8: {  	v11 =	vld [tilespmem:s15+$0x10EC0]  }
0x1f9: {  	v10 =	vimm.f32 $0.0e+00;
	s15 =	simm.s32 $0x1A60;
	v7 =	vmul.f32 v6, v4  }
0x1fa: {  	s16 =	simm.s32 $0x2;
	v3 =	vld [tilespmem:s15+$0x10];
	v12 =	vmul.f32 v9, v4;
	v9 =	vimm.f32 $0.0e+00;
	v6 =	vimm.f32 $0.0e+00  }
.LBB2_22:
0x1fb: {  	p1 =	sgt.u32 s16, $0x2F;
	v13 =	vld [tilespmem:s15+$0xFFFFFFE0];
	v14 =	vmul.f32 v8, v4;
	v2 =	vadd.f32 v7, v2;
	s17 =	smov.u32 s16;
	p0 =	sne.s32 s16, $0x31  }
.Ltmp15:
0x1fc: {  	s16 =	sadd.s32 $0x1, s16;
	s18 =	sadd.s32 $0xE, s17;
	v8 =	vld [tilespmem:s15+$0xFFFFFFF0];
	v10 =	vadd.f32 v12, v10;
	v7 =	vmul.f32 v5, v4;
	(pc) =	sbr.rel @p0 .LBB2_22-.Ltmp15, $4  }
0x1fd: {  	s17 =	smov.u32 @p1 s18;
	v4 =	vperm.xlane v11, v1;
	v5 =	vld [tilespmem:s15+$0x0];
	v9 =	vadd.f32 v14, v9  }
0x1fe: {  	v11 =	vld [tilespmem:s17+$0x10EC0];
	v6 =	vadd.f32 v7, v6  }
0x1ff: {  	s15 =	sadd.s32 $0x40, s15;
	v7 =	vmul.f32 v3, v4  }
0x200: {  	v3 =	vld [tilespmem:s15+$0x10];
	v12 =	vmul.f32 v13, v4  }
0x201: {  	v13 =	vld [tilespmem:s15+$0xFFFFFFE0];
	_ =	sdelay $0x2  }
0x202: {  	v11 =	vperm.xlane v11, v1  }
0x203: {  	v14 =	vld [tilespmem:$0x10E80]  }
0x204: {  	v10 =	vadd.f32 v12, v10;
	v54 =	vmul.f32 v13, v11  }
0x205: {  	s16 =	sshll.u32 s14, $0x6  }
0x206: {  	s16 =	sand.u32 $0x3FFFFFC0, s16;
	v10 =	vadd.f32 v54, v10  }
0x207: {  	v55 =	vld [tilespmem:s16+$0xEE80]  }
0x208: {  	v10 =	vmul.f32 v14, v10;
	_ =	sdelay $0x1  }
0x209: {  	v10 =	vmul.f32 $1.999999960e-02, v10  }
0x20a: {  	v56 =	vld [tilespmem:s15+$0xFFFFFFF0]  }
0x20b: {  	v10 =	vsub.f32 v55, v10;
	_ =	sdelay $0x1  }
0x20c: {  	v57 =	vld [tilespmem:s15+$0x0];
	v8 =	vmul.f32 v8, v4;
	[tilespmem:s16+$0xEE80] =	vst v10  }
0x20d: {  	v10 =	vld [tilespmem:$0x10E90]  }
0x20e: {  	v8 =	vadd.f32 v8, v9;
	v58 =	vmul.f32 v56, v11;
	_ =	sdelay $0x1  }
0x20f: {  	v8 =	vadd.f32 v58, v8  }
0x210: {  	v59 =	vld [tilespmem:s16+$0xEE90]  }
0x211: {  	v8 =	vmul.f32 v10, v8;
	_ =	sdelay $0x1  }
0x212: {  	v8 =	vmul.f32 $1.999999960e-02, v8;
	_ =	sdelay $0x1  }
0x213: {  	v8 =	vsub.f32 v59, v8;
	_ =	sdelay $0x1  }
0x214: {  	v60 =	vmul.f32 v5, v4;
	[tilespmem:s16+$0xEE90] =	vst v8  }
0x215: {  	v61 =	vld [tilespmem:$0x10EA0]  }
0x216: {  	v4 =	vadd.f32 v60, v6;
	v62 =	vmul.f32 v57, v11;
	_ =	sdelay $0x1  }
0x217: {  	v4 =	vadd.f32 v62, v4  }
0x218: {  	v63 =	vld [tilespmem:s16+$0xEEA0]  }
0x219: {  	v4 =	vmul.f32 v61, v4;
	_ =	sdelay $0x1  }
0x21a: {  	v4 =	vmul.f32 $1.999999960e-02, v4;
	_ =	sdelay $0x1  }
0x21b: {  	v4 =	vsub.f32 v63, v4;
	_ =	sdelay $0x1  }
0x21c: {  	[tilespmem:s16+$0xEEA0] =	vst v4  }
0x21d: {  	v4 =	vld [tilespmem:$0x10EB0]  }
0x21e: {  	v2 =	vadd.f32 v7, v2;
	v3 =	vmul.f32 v3, v11;
	_ =	sdelay $0x1  }
0x21f: {  	v2 =	vadd.f32 v3, v2  }
0x220: {  	v3 =	vld [tilespmem:s16+$0xEEB0]  }
0x221: {  	v2 =	vmul.f32 v4, v2;
	_ =	sdelay $0x1  }
.Ltmp16:
0x222: {  	v2 =	vmul.f32 $1.999999960e-02, v2;
	(pc) =	sbr.rel .LBB2_24-.Ltmp16, $3  }
0x223: {  	_ = 	snop  }
0x224: {  	v2 =	vsub.f32 v3, v2;
	_ =	sdelay $0x1  }
0x225: {  	[tilespmem:s16+$0xEEB0] =	vst v2  }
.LBB2_26:
0x226: {  	_ =	sfence.sel $0x180000  }
0x227: {  	[bflag:$0x0] =	sbarrier.arrive $0xFFFF  }
0x228: {  	_ =	strace $0x90000047  }
0x229: {  	s0 =	stileid.u32;
	[bflag:$0x2] =	sbarrier.arrive $0xFFFF  }
0x22a: {  	p0 =	sne.s32 s0, $0x0;
	s0 =	rddreg [dreg:$0x2]  }
0x22b: {  	s0 =	sadd.s32 @!p0 $0x100000, s0  }
0x22c: {  	[sflag:s0] =	ssyncadd.tile.s32 @!p0 $0x1;
	_ =	shalt  }
.Lfunc_end2:
_tile_overlayer_lowered:
.L_overlay_start_2:
0x22d: {  	(tag) =	ssettag $0x2  }
0x22e: {  	s0 =	rddreg [dreg:$0x0];
	s2 =	stileid.u32  }
0x22f: {  	s1 =	rddreg [dreg:$0x1];
	p0 =	sne.s32 s2, $0x0  }
0x230: {  	s3 =	rddreg [dreg:$0x2];
	[bflag:$0x3] =	sbarrier.arrive $0xFFFF;
	s2 =	simm.s32 @!p0 $0x1C09  }
0x231: {  	[timem:s3], [sflag:s2] =	dma.local @!p0 [hbm:s0], s1  }
0x232: {  	s0 =	simm.s32 @!p0 $0x9  }
0x233: {  	_ =	swait.ge @!p0 [sflag:s0], s1  }
0x234: {  	s1 =	ssub.s32 @!p0 $0x0, s1;
	[sflag:s0] =	ssyncset.done @!p0 $0x0  }
0x235: {  	[sflag:s0] =	ssyncadd.s32 @!p0 s1  }
0x236: {  	[bflag:$0x3] =	sbarrier.arrive $0xFFFF  }
0x237: {  	_ =	shalt  }

</sc_bundles>
